<compile_context>
chip_gen: v7x
topology: tpu7x:2x2x1
jax: 0.10.2.dev20260603
libtpu: 0.0.44.dev20260713+nightly
codegen_flags: <defaults>
</compile_context>

<pallas_src>
import functools
import math

import jax
import jax.numpy as jnp
from jax import lax
from jax.experimental import pallas as pl
from jax.experimental.pallas import tpu as pltpu
from jax.experimental.pallas import tpu_sc as plsc

_F32 = jnp.float32
_LANES = 128


def _headsum(rows, cols):
    ri = lax.broadcasted_iota(jnp.int32, (rows, cols), 0)
    ci = lax.broadcasted_iota(jnp.int32, (rows, cols), 1)
    if rows > cols:
        return jnp.where(ri // 16 == ci, 1.0, 0.0).astype(_F32)
    return jnp.where(ri == ci // 16, 1.0, 0.0).astype(_F32)



def _qkvs(xa, Wcat, bcat, bn):
    n, f = xa.shape

    def body(x_ref, w_ref, b_ref, tq_ref, tkv_ref, ts_ref, bnd_ref):
        i = pl.program_id(0)
        r = jnp.dot(x_ref[...], w_ref[...], preferred_element_type=_F32)
        r = r + b_ref[...]
        tq_ref[...] = r[:, 0:32]
        tkv_ref[...] = r[:, 32:96]
        ts_ref[...] = r[:, 96:128]
        qk2 = r[:, 0:64] * r[:, 0:64]
        nrm = jnp.dot(qk2, _headsum(64, 4), preferred_element_type=_F32)
        bm = jnp.max(nrm, axis=0)[None, :]

        @pl.when(i == 0)
        def _():
            bnd_ref[...] = jnp.zeros((1, 4), _F32)

        bnd_ref[...] = jnp.maximum(bnd_ref[...], bm)

    return pl.pallas_call(
        body,
        grid=(n // bn,),
        in_specs=[
            pl.BlockSpec((bn, f), lambda i: (i, 0)),
            pl.BlockSpec((f, 128), lambda i: (0, 0)),
            pl.BlockSpec((1, 128), lambda i: (0, 0)),
        ],
        out_specs=[
            pl.BlockSpec((bn, 32), lambda i: (i, 0)),
            pl.BlockSpec((bn, 64), lambda i: (i, 0)),
            pl.BlockSpec((bn, 32), lambda i: (i, 0)),
            pl.BlockSpec((1, 4), lambda i: (0, 0)),
        ],
        out_shape=[
            jax.ShapeDtypeStruct((n, 32), _F32),
            jax.ShapeDtypeStruct((n, 64), _F32),
            jax.ShapeDtypeStruct((n, 32), _F32),
            jax.ShapeDtypeStruct((1, 4), _F32),
        ],
    )(xa, Wcat, bcat)


def _msg(G, bnd, scale, n_edges, be):
    e_pad = G.shape[0]

    def body(g_ref, bnd_ref, msg_ref):
        i = pl.program_id(0)
        g = g_ref[...]
        b = bnd_ref[...]
        gm = jnp.sqrt(b[:, 0:2] * b[:, 2:4]) * scale
        gmr = jnp.dot(gm, _headsum(2, 32), preferred_element_type=_F32)
        ri = lax.broadcasted_iota(jnp.int32, (32, 32), 0)
        ci = lax.broadcasted_iota(jnp.int32, (32, 32), 1)
        RH = jnp.where(ri // 16 == ci // 16, 1.0, 0.0).astype(_F32)
        ri4 = lax.broadcasted_iota(jnp.int32, (32, 128), 0)
        ci4 = lax.broadcasted_iota(jnp.int32, (32, 128), 1)
        Pvs = jnp.where(ri4 == ci4, 1.0, 0.0).astype(_F32)
        Pex = jnp.where(
            (ri4 == ci4) | ((ci4 == 32) & (ri4 == 0)) | ((ci4 == 33) & (ri4 == 16)),
            1.0, 0.0).astype(_F32)
        li = lax.broadcasted_iota(jnp.int32, (1, 128), 1)
        Bv = jnp.where((li == 32) | (li == 33), 1.0, 0.0).astype(_F32)

        s = g[:, 0:32] * g[:, 32:64]
        alphar = jnp.dot(s, RH, preferred_element_type=_F32) * scale
        exr = jnp.exp(alphar - gmr)
        row = i * be + lax.broadcasted_iota(jnp.int32, (be, 1), 0)
        exr = jnp.where(row < n_edges, exr, 0.0)
        vs1 = jnp.dot(g[:, 64:96], Pvs, preferred_element_type=_F32) + Bv
        expx = jnp.dot(exr, Pex, preferred_element_type=_F32)
        msg_ref[...] = vs1 * expx

    return pl.pallas_call(
        body,
        grid=(e_pad // be,),
        in_specs=[
            pl.BlockSpec((be, 128), lambda i: (i, 0)),
            pl.BlockSpec((1, 4), lambda i: (0, 0)),
        ],
        out_specs=pl.BlockSpec((be, 128), lambda i: (i, 0)),
        out_shape=jax.ShapeDtypeStruct((e_pad, 128), _F32),
    )(G, bnd)


def _finalize(acc2, Ts, W2, b2, do_elu, split, bn):
    n = Ts.shape[0]
    w = W2.shape[1]

    def body(a_ref, ts_ref, w_ref, b_ref, *o_refs):
        i = pl.program_id(0)
        acc = a_ref[0] + a_ref[1]
        den_rep = jnp.dot(acc[:, 32:34], _headsum(2, 32),
                          preferred_element_type=_F32)
        h = acc[:, 0:32] / (den_rep + 1e-16)
        h = h + ts_ref[...]
        if do_elu:
            h = jnp.where(h > 0, h, jnp.exp(h) - 1.0)
        r = jnp.dot(h, w_ref[...], preferred_element_type=_F32) + b_ref[...]
        if split:
            o_refs[0][...] = r[:, 0:32]
            o_refs[1][...] = r[:, 32:96]
            o_refs[2][...] = r[:, 96:128]
            qk2 = r[:, 0:64] * r[:, 0:64]
            nrm = jnp.dot(qk2, _headsum(64, 4), preferred_element_type=_F32)
            bm = jnp.max(nrm, axis=0)[None, :]

            @pl.when(i == 0)
            def _():
                o_refs[3][...] = jnp.zeros((1, 4), _F32)

            o_refs[3][...] = jnp.maximum(o_refs[3][...], bm)
        else:
            o_refs[0][...] = r

    if split:
        out_specs = [
            pl.BlockSpec((bn, 32), lambda i: (i, 0)),
            pl.BlockSpec((bn, 64), lambda i: (i, 0)),
            pl.BlockSpec((bn, 32), lambda i: (i, 0)),
            pl.BlockSpec((1, 4), lambda i: (0, 0)),
        ]
        out_shape = [
            jax.ShapeDtypeStruct((n, 32), _F32),
            jax.ShapeDtypeStruct((n, 64), _F32),
            jax.ShapeDtypeStruct((n, 32), _F32),
            jax.ShapeDtypeStruct((1, 4), _F32),
        ]
    else:
        out_specs = pl.BlockSpec((bn, w), lambda i: (i, 0))
        out_shape = jax.ShapeDtypeStruct((n, w), _F32)

    return pl.pallas_call(
        body,
        grid=(n // bn,),
        in_specs=[
            pl.BlockSpec((2, bn, 128), lambda i: (0, i, 0)),
            pl.BlockSpec((bn, 32), lambda i: (i, 0)),
            pl.BlockSpec((32, w), lambda i: (0, 0)),
            pl.BlockSpec((1, w), lambda i: (0, 0)),
        ],
        out_specs=out_specs,
        out_shape=out_shape,
    )(acc2, Ts, W2, b2)



@functools.lru_cache(maxsize=None)
def _sc_gather_kernel(n_nodes, nw, ng, e_pad):
    ew = ng * _LANES
    gpc = 2
    cw = gpc * _LANES
    nchunks = ng // gpc
    mesh = plsc.VectorSubcoreMesh(core_axis_name="c", subcore_axis_name="s")

    @functools.partial(
        pl.kernel,
        out_type=jax.ShapeDtypeStruct((e_pad, 128), _F32),
        mesh=mesh,
        scratch_types=[
            pltpu.VMEM((ng, _LANES), jnp.int32),
            pltpu.VMEM((ng, _LANES), jnp.int32),
            pltpu.VMEM((2 * cw, 32), _F32),
            pltpu.VMEM((2 * cw, 64), _F32),
            pltpu.VMEM_SHARED((n_nodes, 32), _F32),
            pltpu.VMEM_SHARED((n_nodes, 64), _F32),
            pltpu.SemaphoreType.DMA,
            pltpu.SemaphoreType.DMA,
            pltpu.SemaphoreType.DMA,
            pltpu.SemaphoreType.DMA,
        ],
        compiler_params=pltpu.CompilerParams(use_tc_tiling_on_sc=False),
    )
    def k(tq_hbm, tkv_hbm, dsti_hbm, srci_hbm, g_hbm,
          dv, sv, qb, kb, tq_sh, tkv_sh, sq0, sq1, sk0, sk1):
        wid = lax.axis_index("s") * 2 + lax.axis_index("c")
        sid = lax.axis_index("s")
        trows = pl.ds(sid * (n_nodes // 16), n_nodes // 16)
        pltpu.sync_copy(tq_hbm.at[trows], tq_sh.at[trows])
        pltpu.sync_copy(tkv_hbm.at[trows], tkv_sh.at[trows])
        pltpu.sync_copy(dsti_hbm.at[wid], dv)
        pltpu.sync_copy(srci_hbm.at[wid], sv)
        plsc.subcore_barrier()

        def issue(ci, off, sq, sk):
            for j in range(gpc):
                gi = gpc * ci + j
                pltpu.make_async_copy(
                    tq_sh.at[dv.at[gi]],
                    qb.at[pl.ds(off + j * _LANES, _LANES)], sq).start()
                pltpu.make_async_copy(
                    tkv_sh.at[sv.at[gi]],
                    kb.at[pl.ds(off + j * _LANES, _LANES)], sk).start()

        def drain_write(ci, off, sq, sk):
            for j in range(gpc):
                gi = gpc * ci + j
                pltpu.make_async_copy(
                    tq_sh.at[dv.at[gi]],
                    qb.at[pl.ds(off + j * _LANES, _LANES)], sq).wait()
                pltpu.make_async_copy(
                    tkv_sh.at[sv.at[gi]],
                    kb.at[pl.ds(off + j * _LANES, _LANES)], sk).wait()
            base = wid * ew + ci * cw
            pltpu.sync_copy(qb.at[pl.ds(off, cw)],
                            g_hbm.at[pl.ds(base, cw), pl.ds(0, 32)])
            pltpu.sync_copy(kb.at[pl.ds(off, cw)],
                            g_hbm.at[pl.ds(base, cw), pl.ds(32, 64)])

        issue(0, 0, sq0, sk0)

        def body(t, carry):
            c0 = 2 * t

            @pl.when(c0 + 1 < nchunks)
            def _():
                issue(c0 + 1, cw, sq1, sk1)

            drain_write(c0, 0, sq0, sk0)

            @pl.when(c0 + 2 < nchunks)
            def _():
                issue(c0 + 2, 0, sq0, sk0)

            @pl.when(c0 + 1 < nchunks)
            def _():
                drain_write(c0 + 1, cw, sq1, sk1)

            return carry

        lax.fori_loop(0, (nchunks + 1) // 2, body, 0)

    return k


def _sc_gather(Tq, Tkv, dst3, src3):
    nw, ng, _ = dst3.shape
    k = _sc_gather_kernel(Tq.shape[0], nw, ng, nw * ng * _LANES)
    return k(Tq, Tkv, dst3, src3)


@functools.lru_cache(maxsize=None)
def _sc_scatter_kernel(n, nw, ng):
    ew = ng * _LANES
    rows_per_tile = n // 16
    mesh = plsc.VectorSubcoreMesh(core_axis_name="c", subcore_axis_name="s")

    @functools.partial(
        pl.kernel,
        out_type=jax.ShapeDtypeStruct((2, n, 128), _F32),
        mesh=mesh,
        scratch_types=[
            pltpu.VMEM((ng, _LANES), jnp.int32),
            pltpu.VMEM((_LANES, 128), _F32),
            pltpu.VMEM((_LANES, 128), _F32),
            pltpu.VMEM_SHARED((n, 128), _F32),
            pltpu.SemaphoreType.DMA,
            pltpu.SemaphoreType.DMA,
        ],
        compiler_params=pltpu.CompilerParams(use_tc_tiling_on_sc=False),
    )
    def k(msg_hbm, dsti_hbm, z_hbm, out_hbm, dv, mb0, mb1, acc_sh, sl0, sl1):
        c = lax.axis_index("c")
        s = lax.axis_index("s")
        wid = s * 2 + c
        rows = pl.ds(s * rows_per_tile, rows_per_tile)
        pltpu.sync_copy(z_hbm.at[rows], acc_sh.at[rows])
        pltpu.sync_copy(dsti_hbm.at[wid], dv)
        plsc.subcore_barrier()

        def issue(gi, mb, sl):
            base = wid * ew + gi * _LANES
            pltpu.make_async_copy(msg_hbm.at[pl.ds(base, _LANES)], mb, sl).start()

        def drain_scat(gi, mb, sl):
            base = wid * ew + gi * _LANES
            pltpu.make_async_copy(msg_hbm.at[pl.ds(base, _LANES)], mb, sl).wait()
            pltpu.sync_copy(mb, acc_sh.at[dv.at[gi]], add=True)

        issue(0, mb0, sl0)

        def body(t, carry):
            g0 = 2 * t

            @pl.when(g0 + 1 < ng)
            def _():
                issue(g0 + 1, mb1, sl1)

            drain_scat(g0, mb0, sl0)

            @pl.when(g0 + 2 < ng)
            def _():
                issue(g0 + 2, mb0, sl0)

            @pl.when(g0 + 1 < ng)
            def _():
                drain_scat(g0 + 1, mb1, sl1)

            return carry

        lax.fori_loop(0, (ng + 1) // 2, body, 0)
        plsc.subcore_barrier()
        pltpu.sync_copy(acc_sh.at[rows], out_hbm.at[c, rows])

    return k


def _sc_scatter(msg, dst3, zeros_nw, n):
    nw, ng, _ = dst3.shape
    k = _sc_scatter_kernel(n, nw, ng)
    return k(msg, dst3, zeros_nw)



def kernel(x, edge_index, edge_attr,
           Wq0, bq0, Wk0, bk0, Wv0, bv0, Ws0, bs0,
           Wq1, bq1, Wk1, bk1, Wv1, bv1, Ws1, bs1,
           linW, linb):
    n, _ = x.shape
    e = edge_index.shape[1]
    hid = Wq0.shape[1]
    o = hid // 2
    scale = 1.0 / math.sqrt(o)

    nw = 32
    ng = -(-e // (nw * _LANES))
    ng = -(-ng // 8) * 8
    e_pad = nw * ng * _LANES

    src = edge_index[0]
    dst = edge_index[1]
    pad = jnp.zeros((e_pad - e,), jnp.int32)
    src3 = jnp.concatenate([src, pad]).reshape(nw, ng, _LANES)
    dst3 = jnp.concatenate([dst, pad]).reshape(nw, ng, _LANES)

    Wc0 = jnp.concatenate([Wq0, Wk0, Wv0, Ws0], axis=1)
    bc0 = jnp.concatenate([bq0, bk0, bv0, bs0])[None, :]
    Wc1 = jnp.concatenate([Wq1, Wk1, Wv1, Ws1], axis=1)
    bc1 = jnp.concatenate([bq1, bk1, bv1, bs1])[None, :]
    z40 = jnp.zeros((n, 128), _F32)

    bn = 1000
    be = 4096 if e_pad % 4096 == 0 else _LANES

    Tq, Tkv, Ts, bnd = _qkvs(x, Wc0, bc0, bn)
    G = _sc_gather(Tq, Tkv, dst3, src3)
    m = _msg(G, bnd, scale, e, be)
    acc2 = _sc_scatter(m, dst3, z40, n)
    Tq, Tkv, Ts1, bnd = _finalize(acc2, Ts, Wc1, bc1, True, True, bn)
    G = _sc_gather(Tq, Tkv, dst3, src3)
    m = _msg(G, bnd, scale, e, be)
    acc2 = _sc_scatter(m, dst3, z40, n)
    out = _finalize(acc2, Ts1, linW, linb[None, :], False, False, bn)
    return out

# --- scband reference (transcript-rebuilt; emitter-appended) ---
"""Pipeline reference for scband-graph-transformer-13975823581434 (READ-ONLY COPY).

The authoritative reference and input builder live on the scoring server;
editing this copy changes nothing except your own understanding.
"""

import jax, jax.numpy as jnp
import numpy as np

N = 10000
E = 320000
F_IN = 128
H = 2
O = 16
HID = H * O
NC = 40
D_EDGE = 16


def _conv(x, src, dst, Wq, bq, Wk, bk, Wv, bv, Ws, bs):
    # Faithful PyG TransformerConv (heads=H, concat=True, root_weight=True, edge_dim=None)
    n = x.shape[0]
    q = (x @ Wq + bq)[dst].reshape(-1, H, O)
    k = (x @ Wk + bk)[src].reshape(-1, H, O)
    v = (x @ Wv + bv)[src].reshape(-1, H, O)
    alpha = (q * k).sum(-1) / jnp.sqrt(jnp.float32(O))  # [E, H]
    amax = jax.ops.segment_max(alpha, dst, num_segments=n)
    amax = jnp.where(jnp.isfinite(amax), amax, 0.0)
    ex = jnp.exp(alpha - amax[dst])
    den = jax.ops.segment_sum(ex, dst, num_segments=n)
    a = ex / (den[dst] + 1e-16)
    msg = v * a[..., None]
    out = jax.ops.segment_sum(msg, dst, num_segments=n).reshape(n, HID)
    return out + x @ Ws + bs


def setup_inputs(seed: int = 0):
    key = jax.random.key(seed)
    ks = jax.random.split(key, 24)

    def w(i, shape):
        return jax.random.normal(ks[i], shape, dtype=jnp.float32) / np.sqrt(shape[0])

    inp = {}
    inp['x'] = jax.random.normal(ks[0], (N, F_IN), dtype=jnp.float32)
    inp['edge_index'] = jax.random.randint(ks[1], (2, E), 0, N, dtype=jnp.int32)
    inp['edge_attr'] = jax.random.normal(ks[2], (E, D_EDGE), dtype=jnp.float32)
    # layer 0: TransformerConv(128 -> 16, heads=2) => out dim 32
    inp['Wq0'] = w(3, (F_IN, HID)); inp['bq0'] = jnp.zeros((HID,), jnp.float32)
    inp['Wk0'] = w(4, (F_IN, HID)); inp['bk0'] = jnp.zeros((HID,), jnp.float32)
    inp['Wv0'] = w(5, (F_IN, HID)); inp['bv0'] = jnp.zeros((HID,), jnp.float32)
    inp['Ws0'] = w(6, (F_IN, HID)); inp['bs0'] = jnp.zeros((HID,), jnp.float32)
    # layer 1: TransformerConv(32 -> 16, heads=2) => out dim 32
    inp['Wq1'] = w(7, (HID, HID)); inp['bq1'] = jnp.zeros((HID,), jnp.float32)
    inp['Wk1'] = w(8, (HID, HID)); inp['bk1'] = jnp.zeros((HID,), jnp.float32)
    inp['Wv1'] = w(9, (HID, HID)); inp['bv1'] = jnp.zeros((HID,), jnp.float32)
    inp['Ws1'] = w(10, (HID, HID)); inp['bs1'] = jnp.zeros((HID,), jnp.float32)
    # final classifier Linear(32 -> 40)
    inp['linW'] = w(11, (HID, NC)); inp['linb'] = jnp.zeros((NC,), jnp.float32)
    return inp


def reference(x, edge_index, edge_attr, Wq0, bq0, Wk0, bk0, Wv0, bv0, Ws0, bs0, Wq1, bq1, Wk1, bk1, Wv1, bv1, Ws1, bs1, linW, linb):
    # edge_attr is accepted but ignored: edge_dim=None in TransformerConv, so lin_edge is None.
    src = edge_index[0]
    dst = edge_index[1]
    h = _conv(x, src, dst, Wq0, bq0, Wk0, bk0, Wv0, bv0, Ws0, bs0)
    h = jax.nn.elu(h)
    # dropout is identity in eval mode
    h = _conv(h, src, dst, Wq1, bq1, Wk1, bk1, Wv1, bv1, Ws1, bs1)
    return h @ linW + linb

if __name__ == "__main__":
    import jax
    _d = setup_inputs()
    print(jax.jit(kernel)(*tuple(_d.values())))

</pallas_src>

<mosaic_0001>
#map = affine_map<(d0, d1) -> (0, 0)>
#map1 = affine_map<(d0, d1) -> (0, 0, 0)>
module attributes {stable_mosaic.version = 14 : i64} {
  func.func @k(%arg0: i32, %arg1: i32, %arg2: memref<327680x128xf32, #tpu.memory_space<hbm>>, %arg3: memref<32x80x128xi32, #tpu.memory_space<hbm>>, %arg4: memref<10000x128xf32, #tpu.memory_space<hbm>>, %arg5: memref<2x10000x128xf32, #tpu.memory_space<hbm>>, %arg6: memref<80x128xi32, #tpu.memory_space<vmem>>, %arg7: memref<128x128xf32, #tpu.memory_space<vmem>>, %arg8: memref<128x128xf32, #tpu.memory_space<vmem>>, %arg9: memref<10000x128xf32, #tpu.memory_space<vmem_shared>>, %arg10: memref<!tpu.dma_semaphore, #tpu.memory_space<semaphore_mem>>, %arg11: memref<!tpu.dma_semaphore, #tpu.memory_space<semaphore_mem>>) attributes {dimension_semantics = [#tpu.dimension_semantics<core_parallel>, #tpu.dimension_semantics<subcore_parallel>], iteration_bounds = array<i64: 2, 16>, scalar_prefetch = 0 : i64, scratch_operands = 6 : i64, tpu.core_type = #tpu.core_type<sc_vector_subcore>, window_params = [{transform_indices = #map}, {transform_indices = #map1}, {transform_indices = #map}, {transform_indices = #map1}]} {
    %mul3A = arith.constant 2 : i32
    %mul3A_0 = arith.muli %arg1, %mul3A : i32
    %add3A = arith.addi %mul3A_0, %arg0 : i32
    %mul3A_1 = arith.constant 625 : i32
    %mul3A_2 = arith.muli %arg1, %mul3A_1 : i32
    "tpu.region"() ({
      %run_scoped3A = tpu.sem_alloc : memref<!tpu.dma_semaphore, #tpu.memory_space<semaphore_mem>>
      %dma_start3A_16 = arith.constant 0 : i32
      %dma_start3A_17 = tpu.memref_slice %arg9[%mul3A_2, %dma_start3A_16] : memref<10000x128xf32, #tpu.memory_space<vmem_shared>> -> memref<625x128xf32, #tpu.memory_space<vmem_shared>>
      %dma_start3A_18 = arith.constant 0 : i32
      %dma_start3A_19 = tpu.memref_slice %arg4[%mul3A_2, %dma_start3A_18] : memref<10000x128xf32, #tpu.memory_space<hbm>> -> memref<625x128xf32, #tpu.memory_space<hbm>>
      tpu.enqueue_dma source(%dma_start3A_19 : memref<625x128xf32, #tpu.memory_space<hbm>>) target(%dma_start3A_17 : memref<625x128xf32, #tpu.memory_space<vmem_shared>>) target_semaphore(%run_scoped3A : memref<!tpu.dma_semaphore, #tpu.memory_space<semaphore_mem>>)
      %dma_wait3A = arith.constant 0 : i32
      %dma_wait3A_20 = tpu.memref_slice %arg9[%mul3A_2, %dma_wait3A] : memref<10000x128xf32, #tpu.memory_space<vmem_shared>> -> memref<625x128xf32, #tpu.memory_space<vmem_shared>>
      %dma_wait3A_21 = arith.constant 0 : i32
      %dma_wait3A_22 = tpu.memref_slice %arg4[%mul3A_2, %dma_wait3A_21] : memref<10000x128xf32, #tpu.memory_space<hbm>> -> memref<625x128xf32, #tpu.memory_space<hbm>>
      tpu.wait_dma2 semaphore(%run_scoped3A : memref<!tpu.dma_semaphore, #tpu.memory_space<semaphore_mem>>) src(%dma_wait3A_22 : memref<625x128xf32, #tpu.memory_space<hbm>>) dst(%dma_wait3A_20 : memref<625x128xf32, #tpu.memory_space<vmem_shared>>)
      tpu.yield
    }) : () -> ()
    "tpu.region"() ({
      %run_scoped3A = tpu.sem_alloc : memref<!tpu.dma_semaphore, #tpu.memory_space<semaphore_mem>>
      %dma_start3A_16 = arith.constant 0 : i32
      %dma_start3A_17 = arith.constant 0 : i32
      %dma_start3A_18 = tpu.memref_slice %arg3[%add3A, %dma_start3A_16, %dma_start3A_17] : memref<32x80x128xi32, #tpu.memory_space<hbm>> -> memref<1x80x128xi32, #tpu.memory_space<hbm>>
      %dma_start3A_19 = tpu.memref_squeeze %dma_start3A_18 : memref<1x80x128xi32, #tpu.memory_space<hbm>> -> memref<80x128xi32, #tpu.memory_space<hbm>>
      %dma_start3A_20 = arith.constant 0 : i32
      %dma_start3A_21 = arith.constant 0 : i32
      %dma_start3A_22 = tpu.memref_slice %arg3[%add3A, %dma_start3A_20, %dma_start3A_21] : memref<32x80x128xi32, #tpu.memory_space<hbm>> -> memref<1x80x128xi32, #tpu.memory_space<hbm>>
      %dma_start3A_23 = tpu.memref_squeeze %dma_start3A_22 : memref<1x80x128xi32, #tpu.memory_space<hbm>> -> memref<80x128xi32, #tpu.memory_space<hbm>>
      tpu.enqueue_dma source(%dma_start3A_23 : memref<80x128xi32, #tpu.memory_space<hbm>>) target(%arg6 : memref<80x128xi32, #tpu.memory_space<vmem>>) target_semaphore(%run_scoped3A : memref<!tpu.dma_semaphore, #tpu.memory_space<semaphore_mem>>)
      %dma_wait3A = arith.constant 0 : i32
      %dma_wait3A_24 = arith.constant 0 : i32
      %dma_wait3A_25 = tpu.memref_slice %arg3[%add3A, %dma_wait3A, %dma_wait3A_24] : memref<32x80x128xi32, #tpu.memory_space<hbm>> -> memref<1x80x128xi32, #tpu.memory_space<hbm>>
      %dma_wait3A_26 = tpu.memref_squeeze %dma_wait3A_25 : memref<1x80x128xi32, #tpu.memory_space<hbm>> -> memref<80x128xi32, #tpu.memory_space<hbm>>
      %dma_wait3A_27 = arith.constant 0 : i32
      %dma_wait3A_28 = arith.constant 0 : i32
      %dma_wait3A_29 = tpu.memref_slice %arg3[%add3A, %dma_wait3A_27, %dma_wait3A_28] : memref<32x80x128xi32, #tpu.memory_space<hbm>> -> memref<1x80x128xi32, #tpu.memory_space<hbm>>
      %dma_wait3A_30 = tpu.memref_squeeze %dma_wait3A_29 : memref<1x80x128xi32, #tpu.memory_space<hbm>> -> memref<80x128xi32, #tpu.memory_space<hbm>>
      tpu.wait_dma2 semaphore(%run_scoped3A : memref<!tpu.dma_semaphore, #tpu.memory_space<semaphore_mem>>) src(%dma_wait3A_30 : memref<80x128xi32, #tpu.memory_space<hbm>>) dst(%arg6 : memref<80x128xi32, #tpu.memory_space<vmem>>)
      tpu.yield
    }) : () -> ()
    %barrier3A = arith.constant 0 : index
    tpu.barrier barrier_id(%barrier3A)
    %mul3A_3 = arith.constant 10240 : i32
    %mul3A_4 = arith.muli %add3A, %mul3A_3 : i32
    %add3A_5 = arith.constant 0 : i32
    %add3A_6 = arith.addi %mul3A_4, %add3A_5 : i32
    %dma_start3A = arith.constant 0 : i32
    %dma_start3A_7 = tpu.memref_slice %arg2[%add3A_6, %dma_start3A] : memref<327680x128xf32, #tpu.memory_space<hbm>> -> memref<128x128xf32, #tpu.memory_space<hbm>>
    %dma_start3A_8 = arith.constant 0 : i32
    %dma_start3A_9 = tpu.memref_slice %arg2[%add3A_6, %dma_start3A_8] : memref<327680x128xf32, #tpu.memory_space<hbm>> -> memref<128x128xf32, #tpu.memory_space<hbm>>
    tpu.enqueue_dma source(%dma_start3A_9 : memref<128x128xf32, #tpu.memory_space<hbm>>) target(%arg7 : memref<128x128xf32, #tpu.memory_space<vmem>>) target_semaphore(%arg10 : memref<!tpu.dma_semaphore, #tpu.memory_space<semaphore_mem>>)
    %scan3A = arith.constant 0 : i32
    %scan3A_10 = arith.constant 0 : i32
    %scan3A_11 = arith.constant 40 : i32
    %scan3A_12 = arith.addi %scan3A_10, %scan3A_11 : i32
    %scan3A_13 = arith.constant 1 : i32
    scf.for %scan3A_16 = %scan3A_10 to %scan3A_12 step %scan3A_13  : i32 {
      %mul3A_17 = arith.constant 2 : i32
      %mul3A_18 = arith.muli %mul3A_17, %scan3A_16 : i32
      %add3A_19 = arith.constant 1 : i32
      %add3A_20 = arith.addi %mul3A_18, %add3A_19 : i32
      %lt3A = arith.constant 80 : i32
      %lt3A_21 = arith.cmpi slt, %add3A_20, %lt3A : i32
      %convert_element_type3A = arith.extui %lt3A_21 : i1 to i32
      %cond3A = arith.constant 0 : i32
      %cond3A_22 = arith.cmpi ne, %convert_element_type3A, %cond3A : i32
      scf.if %cond3A_22 {
        %add3A_45 = arith.constant 1 : i32
        %add3A_46 = arith.addi %mul3A_18, %add3A_45 : i32
        %mul3A_47 = arith.constant 10240 : i32
        %mul3A_48 = arith.muli %add3A, %mul3A_47 : i32
        %mul3A_49 = arith.constant 128 : i32
        %mul3A_50 = arith.muli %add3A_46, %mul3A_49 : i32
        %add3A_51 = arith.addi %mul3A_48, %mul3A_50 : i32
        %dma_start3A_52 = arith.constant 0 : i32
        %dma_start3A_53 = tpu.memref_slice %arg2[%add3A_51, %dma_start3A_52] : memref<327680x128xf32, #tpu.memory_space<hbm>> -> memref<128x128xf32, #tpu.memory_space<hbm>>
        %dma_start3A_54 = arith.constant 0 : i32
        %dma_start3A_55 = tpu.memref_slice %arg2[%add3A_51, %dma_start3A_54] : memref<327680x128xf32, #tpu.memory_space<hbm>> -> memref<128x128xf32, #tpu.memory_space<hbm>>
        tpu.enqueue_dma source(%dma_start3A_55 : memref<128x128xf32, #tpu.memory_space<hbm>>) target(%arg8 : memref<128x128xf32, #tpu.memory_space<vmem>>) target_semaphore(%arg11 : memref<!tpu.dma_semaphore, #tpu.memory_space<semaphore_mem>>)
      } else {
      }
      %mul3A_23 = arith.constant 10240 : i32
      %mul3A_24 = arith.muli %add3A, %mul3A_23 : i32
      %mul3A_25 = arith.constant 128 : i32
      %mul3A_26 = arith.muli %mul3A_18, %mul3A_25 : i32
      %add3A_27 = arith.addi %mul3A_24, %mul3A_26 : i32
      %dma_wait3A = arith.constant 0 : i32
      %dma_wait3A_28 = tpu.memref_slice %arg2[%add3A_27, %dma_wait3A] : memref<327680x128xf32, #tpu.memory_space<hbm>> -> memref<128x128xf32, #tpu.memory_space<hbm>>
      %dma_wait3A_29 = arith.constant 0 : i32
      %dma_wait3A_30 = tpu.memref_slice %arg2[%add3A_27, %dma_wait3A_29] : memref<327680x128xf32, #tpu.memory_space<hbm>> -> memref<128x128xf32, #tpu.memory_space<hbm>>
      tpu.wait_dma2 semaphore(%arg10 : memref<!tpu.dma_semaphore, #tpu.memory_space<semaphore_mem>>) src(%dma_wait3A_30 : memref<128x128xf32, #tpu.memory_space<hbm>>) dst(%arg7 : memref<128x128xf32, #tpu.memory_space<vmem>>)
      "tpu.region"() ({
        %run_scoped3A = tpu.sem_alloc : memref<!tpu.dma_semaphore, #tpu.memory_space<semaphore_mem>>
        %dma_start3A_45 = arith.constant 0 : i32
        %dma_start3A_46 = tpu.memref_slice %arg6[%mul3A_18, %dma_start3A_45] : memref<80x128xi32, #tpu.memory_space<vmem>> -> memref<1x128xi32, #tpu.memory_space<vmem>>
        %dma_start3A_47 = tpu.memref_squeeze %dma_start3A_46 : memref<1x128xi32, #tpu.memory_space<vmem>> -> memref<128xi32, #tpu.memory_space<vmem>>
        %dma_start3A_48 = arith.constant 0 : i32
        %dma_start3A_49 = arith.constant 0 : i32
        %dma_start3A_50 = tpu.memref_slice %arg9[%dma_start3A_48, %dma_start3A_49] : memref<10000x128xf32, #tpu.memory_space<vmem_shared>> -> memref<10000x128xf32, #tpu.memory_space<vmem_shared>>
        tpu.enqueue_indirect_dma source(%arg7 : memref<128x128xf32, #tpu.memory_space<vmem>>) target(%dma_start3A_50 : memref<10000x128xf32, #tpu.memory_space<vmem_shared>>) offsets(%dma_start3A_47 : memref<128xi32, #tpu.memory_space<vmem>>) semaphore(%run_scoped3A : memref<!tpu.dma_semaphore, #tpu.memory_space<semaphore_mem>>) {add = true}
        %dma_wait3A_51 = arith.constant 0 : i32
        %dma_wait3A_52 = tpu.memref_slice %arg6[%mul3A_18, %dma_wait3A_51] : memref<80x128xi32, #tpu.memory_space<vmem>> -> memref<1x128xi32, #tpu.memory_space<vmem>>
        %dma_wait3A_53 = tpu.memref_squeeze %dma_wait3A_52 : memref<1x128xi32, #tpu.memory_space<vmem>> -> memref<128xi32, #tpu.memory_space<vmem>>
        %dma_wait3A_54 = arith.constant 0 : i32
        %dma_wait3A_55 = arith.constant 0 : i32
        %dma_wait3A_56 = tpu.memref_slice %arg9[%dma_wait3A_54, %dma_wait3A_55] : memref<10000x128xf32, #tpu.memory_space<vmem_shared>> -> memref<10000x128xf32, #tpu.memory_space<vmem_shared>>
        tpu.wait_indirect_dma semaphore(%run_scoped3A : memref<!tpu.dma_semaphore, #tpu.memory_space<semaphore_mem>>) src(%arg7 : memref<128x128xf32, #tpu.memory_space<vmem>>) dst(%dma_wait3A_56 : memref<10000x128xf32, #tpu.memory_space<vmem_shared>>)
        tpu.yield
      }) : () -> ()
      %add3A_31 = arith.constant 2 : i32
      %add3A_32 = arith.addi %mul3A_18, %add3A_31 : i32
      %lt3A_33 = arith.constant 80 : i32
      %lt3A_34 = arith.cmpi slt, %add3A_32, %lt3A_33 : i32
      %convert_element_type3A_35 = arith.extui %lt3A_34 : i1 to i32
      %cond3A_36 = arith.constant 0 : i32
      %cond3A_37 = arith.cmpi ne, %convert_element_type3A_35, %cond3A_36 : i32
      scf.if %cond3A_37 {
        %add3A_45 = arith.constant 2 : i32
        %add3A_46 = arith.addi %mul3A_18, %add3A_45 : i32
        %mul3A_47 = arith.constant 10240 : i32
        %mul3A_48 = arith.muli %add3A, %mul3A_47 : i32
        %mul3A_49 = arith.constant 128 : i32
        %mul3A_50 = arith.muli %add3A_46, %mul3A_49 : i32
        %add3A_51 = arith.addi %mul3A_48, %mul3A_50 : i32
        %dma_start3A_52 = arith.constant 0 : i32
        %dma_start3A_53 = tpu.memref_slice %arg2[%add3A_51, %dma_start3A_52] : memref<327680x128xf32, #tpu.memory_space<hbm>> -> memref<128x128xf32, #tpu.memory_space<hbm>>
        %dma_start3A_54 = arith.constant 0 : i32
        %dma_start3A_55 = tpu.memref_slice %arg2[%add3A_51, %dma_start3A_54] : memref<327680x128xf32, #tpu.memory_space<hbm>> -> memref<128x128xf32, #tpu.memory_space<hbm>>
        tpu.enqueue_dma source(%dma_start3A_55 : memref<128x128xf32, #tpu.memory_space<hbm>>) target(%arg7 : memref<128x128xf32, #tpu.memory_space<vmem>>) target_semaphore(%arg10 : memref<!tpu.dma_semaphore, #tpu.memory_space<semaphore_mem>>)
      } else {
      }
      %add3A_38 = arith.constant 1 : i32
      %add3A_39 = arith.addi %mul3A_18, %add3A_38 : i32
      %lt3A_40 = arith.constant 80 : i32
      %lt3A_41 = arith.cmpi slt, %add3A_39, %lt3A_40 : i32
      %convert_element_type3A_42 = arith.extui %lt3A_41 : i1 to i32
      %cond3A_43 = arith.constant 0 : i32
      %cond3A_44 = arith.cmpi ne, %convert_element_type3A_42, %cond3A_43 : i32
      scf.if %cond3A_44 {
        %add3A_45 = arith.constant 1 : i32
        %add3A_46 = arith.addi %mul3A_18, %add3A_45 : i32
        %mul3A_47 = arith.constant 10240 : i32
        %mul3A_48 = arith.muli %add3A, %mul3A_47 : i32
        %mul3A_49 = arith.constant 128 : i32
        %mul3A_50 = arith.muli %add3A_46, %mul3A_49 : i32
        %add3A_51 = arith.addi %mul3A_48, %mul3A_50 : i32
        %dma_wait3A_52 = arith.constant 0 : i32
        %dma_wait3A_53 = tpu.memref_slice %arg2[%add3A_51, %dma_wait3A_52] : memref<327680x128xf32, #tpu.memory_space<hbm>> -> memref<128x128xf32, #tpu.memory_space<hbm>>
        %dma_wait3A_54 = arith.constant 0 : i32
        %dma_wait3A_55 = tpu.memref_slice %arg2[%add3A_51, %dma_wait3A_54] : memref<327680x128xf32, #tpu.memory_space<hbm>> -> memref<128x128xf32, #tpu.memory_space<hbm>>
        tpu.wait_dma2 semaphore(%arg11 : memref<!tpu.dma_semaphore, #tpu.memory_space<semaphore_mem>>) src(%dma_wait3A_55 : memref<128x128xf32, #tpu.memory_space<hbm>>) dst(%arg8 : memref<128x128xf32, #tpu.memory_space<vmem>>)
        "tpu.region"() ({
          %run_scoped3A = tpu.sem_alloc : memref<!tpu.dma_semaphore, #tpu.memory_space<semaphore_mem>>
          %dma_start3A_56 = arith.constant 0 : i32
          %dma_start3A_57 = tpu.memref_slice %arg6[%add3A_46, %dma_start3A_56] : memref<80x128xi32, #tpu.memory_space<vmem>> -> memref<1x128xi32, #tpu.memory_space<vmem>>
          %dma_start3A_58 = tpu.memref_squeeze %dma_start3A_57 : memref<1x128xi32, #tpu.memory_space<vmem>> -> memref<128xi32, #tpu.memory_space<vmem>>
          %dma_start3A_59 = arith.constant 0 : i32
          %dma_start3A_60 = arith.constant 0 : i32
          %dma_start3A_61 = tpu.memref_slice %arg9[%dma_start3A_59, %dma_start3A_60] : memref<10000x128xf32, #tpu.memory_space<vmem_shared>> -> memref<10000x128xf32, #tpu.memory_space<vmem_shared>>
          tpu.enqueue_indirect_dma source(%arg8 : memref<128x128xf32, #tpu.memory_space<vmem>>) target(%dma_start3A_61 : memref<10000x128xf32, #tpu.memory_space<vmem_shared>>) offsets(%dma_start3A_58 : memref<128xi32, #tpu.memory_space<vmem>>) semaphore(%run_scoped3A : memref<!tpu.dma_semaphore, #tpu.memory_space<semaphore_mem>>) {add = true}
          %dma_wait3A_62 = arith.constant 0 : i32
          %dma_wait3A_63 = tpu.memref_slice %arg6[%add3A_46, %dma_wait3A_62] : memref<80x128xi32, #tpu.memory_space<vmem>> -> memref<1x128xi32, #tpu.memory_space<vmem>>
          %dma_wait3A_64 = tpu.memref_squeeze %dma_wait3A_63 : memref<1x128xi32, #tpu.memory_space<vmem>> -> memref<128xi32, #tpu.memory_space<vmem>>
          %dma_wait3A_65 = arith.constant 0 : i32
          %dma_wait3A_66 = arith.constant 0 : i32
          %dma_wait3A_67 = tpu.memref_slice %arg9[%dma_wait3A_65, %dma_wait3A_66] : memref<10000x128xf32, #tpu.memory_space<vmem_shared>> -> memref<10000x128xf32, #tpu.memory_space<vmem_shared>>
          tpu.wait_indirect_dma semaphore(%run_scoped3A : memref<!tpu.dma_semaphore, #tpu.memory_space<semaphore_mem>>) src(%arg8 : memref<128x128xf32, #tpu.memory_space<vmem>>) dst(%dma_wait3A_67 : memref<10000x128xf32, #tpu.memory_space<vmem_shared>>)
          tpu.yield
        }) : () -> ()
      } else {
      }
    }
    %scan3A_14 = arith.constant 40 : i32
    %barrier3A_15 = arith.constant 0 : index
    tpu.barrier barrier_id(%barrier3A_15)
    "tpu.region"() ({
      %run_scoped3A = tpu.sem_alloc : memref<!tpu.dma_semaphore, #tpu.memory_space<semaphore_mem>>
      %dma_start3A_16 = arith.constant 0 : i32
      %dma_start3A_17 = tpu.memref_slice %arg5[%arg0, %mul3A_2, %dma_start3A_16] : memref<2x10000x128xf32, #tpu.memory_space<hbm>> -> memref<1x625x128xf32, #tpu.memory_space<hbm>>
      %dma_start3A_18 = tpu.memref_squeeze %dma_start3A_17 : memref<1x625x128xf32, #tpu.memory_space<hbm>> -> memref<625x128xf32, #tpu.memory_space<hbm>>
      %dma_start3A_19 = arith.constant 0 : i32
      %dma_start3A_20 = tpu.memref_slice %arg9[%mul3A_2, %dma_start3A_19] : memref<10000x128xf32, #tpu.memory_space<vmem_shared>> -> memref<625x128xf32, #tpu.memory_space<vmem_shared>>
      tpu.enqueue_dma source(%dma_start3A_20 : memref<625x128xf32, #tpu.memory_space<vmem_shared>>) target(%dma_start3A_18 : memref<625x128xf32, #tpu.memory_space<hbm>>) target_semaphore(%run_scoped3A : memref<!tpu.dma_semaphore, #tpu.memory_space<semaphore_mem>>)
      %dma_wait3A = arith.constant 0 : i32
      %dma_wait3A_21 = tpu.memref_slice %arg5[%arg0, %mul3A_2, %dma_wait3A] : memref<2x10000x128xf32, #tpu.memory_space<hbm>> -> memref<1x625x128xf32, #tpu.memory_space<hbm>>
      %dma_wait3A_22 = tpu.memref_squeeze %dma_wait3A_21 : memref<1x625x128xf32, #tpu.memory_space<hbm>> -> memref<625x128xf32, #tpu.memory_space<hbm>>
      %dma_wait3A_23 = arith.constant 0 : i32
      %dma_wait3A_24 = tpu.memref_slice %arg9[%mul3A_2, %dma_wait3A_23] : memref<10000x128xf32, #tpu.memory_space<vmem_shared>> -> memref<625x128xf32, #tpu.memory_space<vmem_shared>>
      tpu.wait_dma2 semaphore(%run_scoped3A : memref<!tpu.dma_semaphore, #tpu.memory_space<semaphore_mem>>) src(%dma_wait3A_24 : memref<625x128xf32, #tpu.memory_space<vmem_shared>>) dst(%dma_wait3A_22 : memref<625x128xf32, #tpu.memory_space<hbm>>)
      tpu.yield
    }) : () -> ()
    return
  }
}

#map = affine_map<(d0, d1) -> (0, 0)>
#map1 = affine_map<(d0, d1) -> (0, 0, 0)>
module attributes {stable_mosaic.version = 14 : i64} {
  func.func @k(%arg0: i32, %arg1: i32, %arg2: memref<10000x32xf32, #tpu.memory_space<hbm>>, %arg3: memref<10000x64xf32, #tpu.memory_space<hbm>>, %arg4: memref<32x80x128xi32, #tpu.memory_space<hbm>>, %arg5: memref<32x80x128xi32, #tpu.memory_space<hbm>>, %arg6: memref<327680x128xf32, #tpu.memory_space<hbm>>, %arg7: memref<80x128xi32, #tpu.memory_space<vmem>>, %arg8: memref<80x128xi32, #tpu.memory_space<vmem>>, %arg9: memref<512x32xf32, #tpu.memory_space<vmem>>, %arg10: memref<512x64xf32, #tpu.memory_space<vmem>>, %arg11: memref<10000x32xf32, #tpu.memory_space<vmem_shared>>, %arg12: memref<10000x64xf32, #tpu.memory_space<vmem_shared>>, %arg13: memref<!tpu.dma_semaphore, #tpu.memory_space<semaphore_mem>>, %arg14: memref<!tpu.dma_semaphore, #tpu.memory_space<semaphore_mem>>, %arg15: memref<!tpu.dma_semaphore, #tpu.memory_space<semaphore_mem>>, %arg16: memref<!tpu.dma_semaphore, #tpu.memory_space<semaphore_mem>>) attributes {dimension_semantics = [#tpu.dimension_semantics<core_parallel>, #tpu.dimension_semantics<subcore_parallel>], iteration_bounds = array<i64: 2, 16>, scalar_prefetch = 0 : i64, scratch_operands = 10 : i64, tpu.core_type = #tpu.core_type<sc_vector_subcore>, window_params = [{transform_indices = #map}, {transform_indices = #map}, {transform_indices = #map1}, {transform_indices = #map1}, {transform_indices = #map}]} {
    %mul3A = arith.constant 2 : i32
    %mul3A_0 = arith.muli %arg1, %mul3A : i32
    %add3A = arith.addi %mul3A_0, %arg0 : i32
    %mul3A_1 = arith.constant 625 : i32
    %mul3A_2 = arith.muli %arg1, %mul3A_1 : i32
    "tpu.region"() ({
      %run_scoped3A = tpu.sem_alloc : memref<!tpu.dma_semaphore, #tpu.memory_space<semaphore_mem>>
      %dma_start3A_47 = arith.constant 0 : i32
      %dma_start3A_48 = tpu.memref_slice %arg11[%mul3A_2, %dma_start3A_47] : memref<10000x32xf32, #tpu.memory_space<vmem_shared>> -> memref<625x32xf32, #tpu.memory_space<vmem_shared>>
      %dma_start3A_49 = arith.constant 0 : i32
      %dma_start3A_50 = tpu.memref_slice %arg2[%mul3A_2, %dma_start3A_49] : memref<10000x32xf32, #tpu.memory_space<hbm>> -> memref<625x32xf32, #tpu.memory_space<hbm>>
      tpu.enqueue_dma source(%dma_start3A_50 : memref<625x32xf32, #tpu.memory_space<hbm>>) target(%dma_start3A_48 : memref<625x32xf32, #tpu.memory_space<vmem_shared>>) target_semaphore(%run_scoped3A : memref<!tpu.dma_semaphore, #tpu.memory_space<semaphore_mem>>)
      %dma_wait3A = arith.constant 0 : i32
      %dma_wait3A_51 = tpu.memref_slice %arg11[%mul3A_2, %dma_wait3A] : memref<10000x32xf32, #tpu.memory_space<vmem_shared>> -> memref<625x32xf32, #tpu.memory_space<vmem_shared>>
      %dma_wait3A_52 = arith.constant 0 : i32
      %dma_wait3A_53 = tpu.memref_slice %arg2[%mul3A_2, %dma_wait3A_52] : memref<10000x32xf32, #tpu.memory_space<hbm>> -> memref<625x32xf32, #tpu.memory_space<hbm>>
      tpu.wait_dma2 semaphore(%run_scoped3A : memref<!tpu.dma_semaphore, #tpu.memory_space<semaphore_mem>>) src(%dma_wait3A_53 : memref<625x32xf32, #tpu.memory_space<hbm>>) dst(%dma_wait3A_51 : memref<625x32xf32, #tpu.memory_space<vmem_shared>>)
      tpu.yield
    }) : () -> ()
    "tpu.region"() ({
      %run_scoped3A = tpu.sem_alloc : memref<!tpu.dma_semaphore, #tpu.memory_space<semaphore_mem>>
      %dma_start3A_47 = arith.constant 0 : i32
      %dma_start3A_48 = tpu.memref_slice %arg12[%mul3A_2, %dma_start3A_47] : memref<10000x64xf32, #tpu.memory_space<vmem_shared>> -> memref<625x64xf32, #tpu.memory_space<vmem_shared>>
      %dma_start3A_49 = arith.constant 0 : i32
      %dma_start3A_50 = tpu.memref_slice %arg3[%mul3A_2, %dma_start3A_49] : memref<10000x64xf32, #tpu.memory_space<hbm>> -> memref<625x64xf32, #tpu.memory_space<hbm>>
      tpu.enqueue_dma source(%dma_start3A_50 : memref<625x64xf32, #tpu.memory_space<hbm>>) target(%dma_start3A_48 : memref<625x64xf32, #tpu.memory_space<vmem_shared>>) target_semaphore(%run_scoped3A : memref<!tpu.dma_semaphore, #tpu.memory_space<semaphore_mem>>)
      %dma_wait3A = arith.constant 0 : i32
      %dma_wait3A_51 = tpu.memref_slice %arg12[%mul3A_2, %dma_wait3A] : memref<10000x64xf32, #tpu.memory_space<vmem_shared>> -> memref<625x64xf32, #tpu.memory_space<vmem_shared>>
      %dma_wait3A_52 = arith.constant 0 : i32
      %dma_wait3A_53 = tpu.memref_slice %arg3[%mul3A_2, %dma_wait3A_52] : memref<10000x64xf32, #tpu.memory_space<hbm>> -> memref<625x64xf32, #tpu.memory_space<hbm>>
      tpu.wait_dma2 semaphore(%run_scoped3A : memref<!tpu.dma_semaphore, #tpu.memory_space<semaphore_mem>>) src(%dma_wait3A_53 : memref<625x64xf32, #tpu.memory_space<hbm>>) dst(%dma_wait3A_51 : memref<625x64xf32, #tpu.memory_space<vmem_shared>>)
      tpu.yield
    }) : () -> ()
    "tpu.region"() ({
      %run_scoped3A = tpu.sem_alloc : memref<!tpu.dma_semaphore, #tpu.memory_space<semaphore_mem>>
      %dma_start3A_47 = arith.constant 0 : i32
      %dma_start3A_48 = arith.constant 0 : i32
      %dma_start3A_49 = tpu.memref_slice %arg4[%add3A, %dma_start3A_47, %dma_start3A_48] : memref<32x80x128xi32, #tpu.memory_space<hbm>> -> memref<1x80x128xi32, #tpu.memory_space<hbm>>
      %dma_start3A_50 = tpu.memref_squeeze %dma_start3A_49 : memref<1x80x128xi32, #tpu.memory_space<hbm>> -> memref<80x128xi32, #tpu.memory_space<hbm>>
      %dma_start3A_51 = arith.constant 0 : i32
      %dma_start3A_52 = arith.constant 0 : i32
      %dma_start3A_53 = tpu.memref_slice %arg4[%add3A, %dma_start3A_51, %dma_start3A_52] : memref<32x80x128xi32, #tpu.memory_space<hbm>> -> memref<1x80x128xi32, #tpu.memory_space<hbm>>
      %dma_start3A_54 = tpu.memref_squeeze %dma_start3A_53 : memref<1x80x128xi32, #tpu.memory_space<hbm>> -> memref<80x128xi32, #tpu.memory_space<hbm>>
      tpu.enqueue_dma source(%dma_start3A_54 : memref<80x128xi32, #tpu.memory_space<hbm>>) target(%arg7 : memref<80x128xi32, #tpu.memory_space<vmem>>) target_semaphore(%run_scoped3A : memref<!tpu.dma_semaphore, #tpu.memory_space<semaphore_mem>>)
      %dma_wait3A = arith.constant 0 : i32
      %dma_wait3A_55 = arith.constant 0 : i32
      %dma_wait3A_56 = tpu.memref_slice %arg4[%add3A, %dma_wait3A, %dma_wait3A_55] : memref<32x80x128xi32, #tpu.memory_space<hbm>> -> memref<1x80x128xi32, #tpu.memory_space<hbm>>
      %dma_wait3A_57 = tpu.memref_squeeze %dma_wait3A_56 : memref<1x80x128xi32, #tpu.memory_space<hbm>> -> memref<80x128xi32, #tpu.memory_space<hbm>>
      %dma_wait3A_58 = arith.constant 0 : i32
      %dma_wait3A_59 = arith.constant 0 : i32
      %dma_wait3A_60 = tpu.memref_slice %arg4[%add3A, %dma_wait3A_58, %dma_wait3A_59] : memref<32x80x128xi32, #tpu.memory_space<hbm>> -> memref<1x80x128xi32, #tpu.memory_space<hbm>>
      %dma_wait3A_61 = tpu.memref_squeeze %dma_wait3A_60 : memref<1x80x128xi32, #tpu.memory_space<hbm>> -> memref<80x128xi32, #tpu.memory_space<hbm>>
      tpu.wait_dma2 semaphore(%run_scoped3A : memref<!tpu.dma_semaphore, #tpu.memory_space<semaphore_mem>>) src(%dma_wait3A_61 : memref<80x128xi32, #tpu.memory_space<hbm>>) dst(%arg7 : memref<80x128xi32, #tpu.memory_space<vmem>>)
      tpu.yield
    }) : () -> ()
    "tpu.region"() ({
      %run_scoped3A = tpu.sem_alloc : memref<!tpu.dma_semaphore, #tpu.memory_space<semaphore_mem>>
      %dma_start3A_47 = arith.constant 0 : i32
      %dma_start3A_48 = arith.constant 0 : i32
      %dma_start3A_49 = tpu.memref_slice %arg5[%add3A, %dma_start3A_47, %dma_start3A_48] : memref<32x80x128xi32, #tpu.memory_space<hbm>> -> memref<1x80x128xi32, #tpu.memory_space<hbm>>
      %dma_start3A_50 = tpu.memref_squeeze %dma_start3A_49 : memref<1x80x128xi32, #tpu.memory_space<hbm>> -> memref<80x128xi32, #tpu.memory_space<hbm>>
      %dma_start3A_51 = arith.constant 0 : i32
      %dma_start3A_52 = arith.constant 0 : i32
      %dma_start3A_53 = tpu.memref_slice %arg5[%add3A, %dma_start3A_51, %dma_start3A_52] : memref<32x80x128xi32, #tpu.memory_space<hbm>> -> memref<1x80x128xi32, #tpu.memory_space<hbm>>
      %dma_start3A_54 = tpu.memref_squeeze %dma_start3A_53 : memref<1x80x128xi32, #tpu.memory_space<hbm>> -> memref<80x128xi32, #tpu.memory_space<hbm>>
      tpu.enqueue_dma source(%dma_start3A_54 : memref<80x128xi32, #tpu.memory_space<hbm>>) target(%arg8 : memref<80x128xi32, #tpu.memory_space<vmem>>) target_semaphore(%run_scoped3A : memref<!tpu.dma_semaphore, #tpu.memory_space<semaphore_mem>>)
      %dma_wait3A = arith.constant 0 : i32
      %dma_wait3A_55 = arith.constant 0 : i32
      %dma_wait3A_56 = tpu.memref_slice %arg5[%add3A, %dma_wait3A, %dma_wait3A_55] : memref<32x80x128xi32, #tpu.memory_space<hbm>> -> memref<1x80x128xi32, #tpu.memory_space<hbm>>
      %dma_wait3A_57 = tpu.memref_squeeze %dma_wait3A_56 : memref<1x80x128xi32, #tpu.memory_space<hbm>> -> memref<80x128xi32, #tpu.memory_space<hbm>>
      %dma_wait3A_58 = arith.constant 0 : i32
      %dma_wait3A_59 = arith.constant 0 : i32
      %dma_wait3A_60 = tpu.memref_slice %arg5[%add3A, %dma_wait3A_58, %dma_wait3A_59] : memref<32x80x128xi32, #tpu.memory_space<hbm>> -> memref<1x80x128xi32, #tpu.memory_space<hbm>>
      %dma_wait3A_61 = tpu.memref_squeeze %dma_wait3A_60 : memref<1x80x128xi32, #tpu.memory_space<hbm>> -> memref<80x128xi32, #tpu.memory_space<hbm>>
      tpu.wait_dma2 semaphore(%run_scoped3A : memref<!tpu.dma_semaphore, #tpu.memory_space<semaphore_mem>>) src(%dma_wait3A_61 : memref<80x128xi32, #tpu.memory_space<hbm>>) dst(%arg8 : memref<80x128xi32, #tpu.memory_space<vmem>>)
      tpu.yield
    }) : () -> ()
    %barrier3A = arith.constant 0 : index
    tpu.barrier barrier_id(%barrier3A)
    %dma_start3A = arith.constant 0 : i32
    %dma_start3A_3 = arith.constant 0 : i32
    %dma_start3A_4 = arith.constant 0 : i32
    %dma_start3A_5 = tpu.memref_slice %arg9[%dma_start3A_3, %dma_start3A_4] : memref<512x32xf32, #tpu.memory_space<vmem>> -> memref<128x32xf32, #tpu.memory_space<vmem>>
    %dma_start3A_6 = arith.constant 0 : i32
    %dma_start3A_7 = tpu.memref_slice %arg7[%dma_start3A, %dma_start3A_6] : memref<80x128xi32, #tpu.memory_space<vmem>> -> memref<1x128xi32, #tpu.memory_space<vmem>>
    %dma_start3A_8 = tpu.memref_squeeze %dma_start3A_7 : memref<1x128xi32, #tpu.memory_space<vmem>> -> memref<128xi32, #tpu.memory_space<vmem>>
    %dma_start3A_9 = arith.constant 0 : i32
    %dma_start3A_10 = arith.constant 0 : i32
    %dma_start3A_11 = tpu.memref_slice %arg11[%dma_start3A_9, %dma_start3A_10] : memref<10000x32xf32, #tpu.memory_space<vmem_shared>> -> memref<10000x32xf32, #tpu.memory_space<vmem_shared>>
    tpu.enqueue_indirect_dma source(%dma_start3A_11 : memref<10000x32xf32, #tpu.memory_space<vmem_shared>>) target(%dma_start3A_5 : memref<128x32xf32, #tpu.memory_space<vmem>>) offsets(%dma_start3A_8 : memref<128xi32, #tpu.memory_space<vmem>>) semaphore(%arg13 : memref<!tpu.dma_semaphore, #tpu.memory_space<semaphore_mem>>)
    %dma_start3A_12 = arith.constant 0 : i32
    %dma_start3A_13 = arith.constant 0 : i32
    %dma_start3A_14 = arith.constant 0 : i32
    %dma_start3A_15 = tpu.memref_slice %arg10[%dma_start3A_13, %dma_start3A_14] : memref<512x64xf32, #tpu.memory_space<vmem>> -> memref<128x64xf32, #tpu.memory_space<vmem>>
    %dma_start3A_16 = arith.constant 0 : i32
    %dma_start3A_17 = tpu.memref_slice %arg8[%dma_start3A_12, %dma_start3A_16] : memref<80x128xi32, #tpu.memory_space<vmem>> -> memref<1x128xi32, #tpu.memory_space<vmem>>
    %dma_start3A_18 = tpu.memref_squeeze %dma_start3A_17 : memref<1x128xi32, #tpu.memory_space<vmem>> -> memref<128xi32, #tpu.memory_space<vmem>>
    %dma_start3A_19 = arith.constant 0 : i32
    %dma_start3A_20 = arith.constant 0 : i32
    %dma_start3A_21 = tpu.memref_slice %arg12[%dma_start3A_19, %dma_start3A_20] : memref<10000x64xf32, #tpu.memory_space<vmem_shared>> -> memref<10000x64xf32, #tpu.memory_space<vmem_shared>>
    tpu.enqueue_indirect_dma source(%dma_start3A_21 : memref<10000x64xf32, #tpu.memory_space<vmem_shared>>) target(%dma_start3A_15 : memref<128x64xf32, #tpu.memory_space<vmem>>) offsets(%dma_start3A_18 : memref<128xi32, #tpu.memory_space<vmem>>) semaphore(%arg15 : memref<!tpu.dma_semaphore, #tpu.memory_space<semaphore_mem>>)
    %dma_start3A_22 = arith.constant 1 : i32
    %dma_start3A_23 = arith.constant 128 : i32
    %dma_start3A_24 = arith.constant 0 : i32
    %dma_start3A_25 = tpu.memref_slice %arg9[%dma_start3A_23, %dma_start3A_24] : memref<512x32xf32, #tpu.memory_space<vmem>> -> memref<128x32xf32, #tpu.memory_space<vmem>>
    %dma_start3A_26 = arith.constant 0 : i32
    %dma_start3A_27 = tpu.memref_slice %arg7[%dma_start3A_22, %dma_start3A_26] : memref<80x128xi32, #tpu.memory_space<vmem>> -> memref<1x128xi32, #tpu.memory_space<vmem>>
    %dma_start3A_28 = tpu.memref_squeeze %dma_start3A_27 : memref<1x128xi32, #tpu.memory_space<vmem>> -> memref<128xi32, #tpu.memory_space<vmem>>
    %dma_start3A_29 = arith.constant 0 : i32
    %dma_start3A_30 = arith.constant 0 : i32
    %dma_start3A_31 = tpu.memref_slice %arg11[%dma_start3A_29, %dma_start3A_30] : memref<10000x32xf32, #tpu.memory_space<vmem_shared>> -> memref<10000x32xf32, #tpu.memory_space<vmem_shared>>
    tpu.enqueue_indirect_dma source(%dma_start3A_31 : memref<10000x32xf32, #tpu.memory_space<vmem_shared>>) target(%dma_start3A_25 : memref<128x32xf32, #tpu.memory_space<vmem>>) offsets(%dma_start3A_28 : memref<128xi32, #tpu.memory_space<vmem>>) semaphore(%arg13 : memref<!tpu.dma_semaphore, #tpu.memory_space<semaphore_mem>>)
    %dma_start3A_32 = arith.constant 1 : i32
    %dma_start3A_33 = arith.constant 128 : i32
    %dma_start3A_34 = arith.constant 0 : i32
    %dma_start3A_35 = tpu.memref_slice %arg10[%dma_start3A_33, %dma_start3A_34] : memref<512x64xf32, #tpu.memory_space<vmem>> -> memref<128x64xf32, #tpu.memory_space<vmem>>
    %dma_start3A_36 = arith.constant 0 : i32
    %dma_start3A_37 = tpu.memref_slice %arg8[%dma_start3A_32, %dma_start3A_36] : memref<80x128xi32, #tpu.memory_space<vmem>> -> memref<1x128xi32, #tpu.memory_space<vmem>>
    %dma_start3A_38 = tpu.memref_squeeze %dma_start3A_37 : memref<1x128xi32, #tpu.memory_space<vmem>> -> memref<128xi32, #tpu.memory_space<vmem>>
    %dma_start3A_39 = arith.constant 0 : i32
    %dma_start3A_40 = arith.constant 0 : i32
    %dma_start3A_41 = tpu.memref_slice %arg12[%dma_start3A_39, %dma_start3A_40] : memref<10000x64xf32, #tpu.memory_space<vmem_shared>> -> memref<10000x64xf32, #tpu.memory_space<vmem_shared>>
    tpu.enqueue_indirect_dma source(%dma_start3A_41 : memref<10000x64xf32, #tpu.memory_space<vmem_shared>>) target(%dma_start3A_35 : memref<128x64xf32, #tpu.memory_space<vmem>>) offsets(%dma_start3A_38 : memref<128xi32, #tpu.memory_space<vmem>>) semaphore(%arg15 : memref<!tpu.dma_semaphore, #tpu.memory_space<semaphore_mem>>)
    %scan3A = arith.constant 0 : i32
    %scan3A_42 = arith.constant 0 : i32
    %scan3A_43 = arith.constant 20 : i32
    %scan3A_44 = arith.addi %scan3A_42, %scan3A_43 : i32
    %scan3A_45 = arith.constant 1 : i32
    scf.for %scan3A_47 = %scan3A_42 to %scan3A_44 step %scan3A_45  : i32 {
      %mul3A_48 = arith.constant 2 : i32
      %mul3A_49 = arith.muli %mul3A_48, %scan3A_47 : i32
      %add3A_50 = arith.constant 1 : i32
      %add3A_51 = arith.addi %mul3A_49, %add3A_50 : i32
      %lt3A = arith.constant 40 : i32
      %lt3A_52 = arith.cmpi slt, %add3A_51, %lt3A : i32
      %convert_element_type3A = arith.extui %lt3A_52 : i1 to i32
      %cond3A = arith.constant 0 : i32
      %cond3A_53 = arith.cmpi ne, %convert_element_type3A, %cond3A : i32
      scf.if %cond3A_53 {
        %add3A_116 = arith.constant 1 : i32
        %add3A_117 = arith.addi %mul3A_49, %add3A_116 : i32
        %mul3A_118 = arith.constant 2 : i32
        %mul3A_119 = arith.muli %mul3A_118, %add3A_117 : i32
        %add3A_120 = arith.constant 0 : i32
        %add3A_121 = arith.addi %mul3A_119, %add3A_120 : i32
        %dma_start3A_122 = arith.constant 256 : i32
        %dma_start3A_123 = arith.constant 0 : i32
        %dma_start3A_124 = tpu.memref_slice %arg9[%dma_start3A_122, %dma_start3A_123] : memref<512x32xf32, #tpu.memory_space<vmem>> -> memref<128x32xf32, #tpu.memory_space<vmem>>
        %dma_start3A_125 = arith.constant 0 : i32
        %dma_start3A_126 = tpu.memref_slice %arg7[%add3A_121, %dma_start3A_125] : memref<80x128xi32, #tpu.memory_space<vmem>> -> memref<1x128xi32, #tpu.memory_space<vmem>>
        %dma_start3A_127 = tpu.memref_squeeze %dma_start3A_126 : memref<1x128xi32, #tpu.memory_space<vmem>> -> memref<128xi32, #tpu.memory_space<vmem>>
        %dma_start3A_128 = arith.constant 0 : i32
        %dma_start3A_129 = arith.constant 0 : i32
        %dma_start3A_130 = tpu.memref_slice %arg11[%dma_start3A_128, %dma_start3A_129] : memref<10000x32xf32, #tpu.memory_space<vmem_shared>> -> memref<10000x32xf32, #tpu.memory_space<vmem_shared>>
        tpu.enqueue_indirect_dma source(%dma_start3A_130 : memref<10000x32xf32, #tpu.memory_space<vmem_shared>>) target(%dma_start3A_124 : memref<128x32xf32, #tpu.memory_space<vmem>>) offsets(%dma_start3A_127 : memref<128xi32, #tpu.memory_space<vmem>>) semaphore(%arg14 : memref<!tpu.dma_semaphore, #tpu.memory_space<semaphore_mem>>)
        %dma_start3A_131 = arith.constant 256 : i32
        %dma_start3A_132 = arith.constant 0 : i32
        %dma_start3A_133 = tpu.memref_slice %arg10[%dma_start3A_131, %dma_start3A_132] : memref<512x64xf32, #tpu.memory_space<vmem>> -> memref<128x64xf32, #tpu.memory_space<vmem>>
        %dma_start3A_134 = arith.constant 0 : i32
        %dma_start3A_135 = tpu.memref_slice %arg8[%add3A_121, %dma_start3A_134] : memref<80x128xi32, #tpu.memory_space<vmem>> -> memref<1x128xi32, #tpu.memory_space<vmem>>
        %dma_start3A_136 = tpu.memref_squeeze %dma_start3A_135 : memref<1x128xi32, #tpu.memory_space<vmem>> -> memref<128xi32, #tpu.memory_space<vmem>>
        %dma_start3A_137 = arith.constant 0 : i32
        %dma_start3A_138 = arith.constant 0 : i32
        %dma_start3A_139 = tpu.memref_slice %arg12[%dma_start3A_137, %dma_start3A_138] : memref<10000x64xf32, #tpu.memory_space<vmem_shared>> -> memref<10000x64xf32, #tpu.memory_space<vmem_shared>>
        tpu.enqueue_indirect_dma source(%dma_start3A_139 : memref<10000x64xf32, #tpu.memory_space<vmem_shared>>) target(%dma_start3A_133 : memref<128x64xf32, #tpu.memory_space<vmem>>) offsets(%dma_start3A_136 : memref<128xi32, #tpu.memory_space<vmem>>) semaphore(%arg16 : memref<!tpu.dma_semaphore, #tpu.memory_space<semaphore_mem>>)
        %mul3A_140 = arith.constant 2 : i32
        %mul3A_141 = arith.muli %mul3A_140, %add3A_117 : i32
        %add3A_142 = arith.constant 1 : i32
        %add3A_143 = arith.addi %mul3A_141, %add3A_142 : i32
        %dma_start3A_144 = arith.constant 384 : i32
        %dma_start3A_145 = arith.constant 0 : i32
        %dma_start3A_146 = tpu.memref_slice %arg9[%dma_start3A_144, %dma_start3A_145] : memref<512x32xf32, #tpu.memory_space<vmem>> -> memref<128x32xf32, #tpu.memory_space<vmem>>
        %dma_start3A_147 = arith.constant 0 : i32
        %dma_start3A_148 = tpu.memref_slice %arg7[%add3A_143, %dma_start3A_147] : memref<80x128xi32, #tpu.memory_space<vmem>> -> memref<1x128xi32, #tpu.memory_space<vmem>>
        %dma_start3A_149 = tpu.memref_squeeze %dma_start3A_148 : memref<1x128xi32, #tpu.memory_space<vmem>> -> memref<128xi32, #tpu.memory_space<vmem>>
        %dma_start3A_150 = arith.constant 0 : i32
        %dma_start3A_151 = arith.constant 0 : i32
        %dma_start3A_152 = tpu.memref_slice %arg11[%dma_start3A_150, %dma_start3A_151] : memref<10000x32xf32, #tpu.memory_space<vmem_shared>> -> memref<10000x32xf32, #tpu.memory_space<vmem_shared>>
        tpu.enqueue_indirect_dma source(%dma_start3A_152 : memref<10000x32xf32, #tpu.memory_space<vmem_shared>>) target(%dma_start3A_146 : memref<128x32xf32, #tpu.memory_space<vmem>>) offsets(%dma_start3A_149 : memref<128xi32, #tpu.memory_space<vmem>>) semaphore(%arg14 : memref<!tpu.dma_semaphore, #tpu.memory_space<semaphore_mem>>)
        %dma_start3A_153 = arith.constant 384 : i32
        %dma_start3A_154 = arith.constant 0 : i32
        %dma_start3A_155 = tpu.memref_slice %arg10[%dma_start3A_153, %dma_start3A_154] : memref<512x64xf32, #tpu.memory_space<vmem>> -> memref<128x64xf32, #tpu.memory_space<vmem>>
        %dma_start3A_156 = arith.constant 0 : i32
        %dma_start3A_157 = tpu.memref_slice %arg8[%add3A_143, %dma_start3A_156] : memref<80x128xi32, #tpu.memory_space<vmem>> -> memref<1x128xi32, #tpu.memory_space<vmem>>
        %dma_start3A_158 = tpu.memref_squeeze %dma_start3A_157 : memref<1x128xi32, #tpu.memory_space<vmem>> -> memref<128xi32, #tpu.memory_space<vmem>>
        %dma_start3A_159 = arith.constant 0 : i32
        %dma_start3A_160 = arith.constant 0 : i32
        %dma_start3A_161 = tpu.memref_slice %arg12[%dma_start3A_159, %dma_start3A_160] : memref<10000x64xf32, #tpu.memory_space<vmem_shared>> -> memref<10000x64xf32, #tpu.memory_space<vmem_shared>>
        tpu.enqueue_indirect_dma source(%dma_start3A_161 : memref<10000x64xf32, #tpu.memory_space<vmem_shared>>) target(%dma_start3A_155 : memref<128x64xf32, #tpu.memory_space<vmem>>) offsets(%dma_start3A_158 : memref<128xi32, #tpu.memory_space<vmem>>) semaphore(%arg16 : memref<!tpu.dma_semaphore, #tpu.memory_space<semaphore_mem>>)
      } else {
      }
      %mul3A_54 = arith.constant 2 : i32
      %mul3A_55 = arith.muli %mul3A_54, %mul3A_49 : i32
      %add3A_56 = arith.constant 0 : i32
      %add3A_57 = arith.addi %mul3A_55, %add3A_56 : i32
      %dma_wait3A = arith.constant 0 : i32
      %dma_wait3A_58 = arith.constant 0 : i32
      %dma_wait3A_59 = tpu.memref_slice %arg9[%dma_wait3A, %dma_wait3A_58] : memref<512x32xf32, #tpu.memory_space<vmem>> -> memref<128x32xf32, #tpu.memory_space<vmem>>
      %dma_wait3A_60 = arith.constant 0 : i32
      %dma_wait3A_61 = tpu.memref_slice %arg7[%add3A_57, %dma_wait3A_60] : memref<80x128xi32, #tpu.memory_space<vmem>> -> memref<1x128xi32, #tpu.memory_space<vmem>>
      %dma_wait3A_62 = tpu.memref_squeeze %dma_wait3A_61 : memref<1x128xi32, #tpu.memory_space<vmem>> -> memref<128xi32, #tpu.memory_space<vmem>>
      %dma_wait3A_63 = arith.constant 0 : i32
      %dma_wait3A_64 = arith.constant 0 : i32
      %dma_wait3A_65 = tpu.memref_slice %arg11[%dma_wait3A_63, %dma_wait3A_64] : memref<10000x32xf32, #tpu.memory_space<vmem_shared>> -> memref<10000x32xf32, #tpu.memory_space<vmem_shared>>
      tpu.wait_indirect_dma semaphore(%arg13 : memref<!tpu.dma_semaphore, #tpu.memory_space<semaphore_mem>>) src(%dma_wait3A_65 : memref<10000x32xf32, #tpu.memory_space<vmem_shared>>) dst(%dma_wait3A_59 : memref<128x32xf32, #tpu.memory_space<vmem>>)
      %dma_wait3A_66 = arith.constant 0 : i32
      %dma_wait3A_67 = arith.constant 0 : i32
      %dma_wait3A_68 = tpu.memref_slice %arg10[%dma_wait3A_66, %dma_wait3A_67] : memref<512x64xf32, #tpu.memory_space<vmem>> -> memref<128x64xf32, #tpu.memory_space<vmem>>
      %dma_wait3A_69 = arith.constant 0 : i32
      %dma_wait3A_70 = tpu.memref_slice %arg8[%add3A_57, %dma_wait3A_69] : memref<80x128xi32, #tpu.memory_space<vmem>> -> memref<1x128xi32, #tpu.memory_space<vmem>>
      %dma_wait3A_71 = tpu.memref_squeeze %dma_wait3A_70 : memref<1x128xi32, #tpu.memory_space<vmem>> -> memref<128xi32, #tpu.memory_space<vmem>>
      %dma_wait3A_72 = arith.constant 0 : i32
      %dma_wait3A_73 = arith.constant 0 : i32
      %dma_wait3A_74 = tpu.memref_slice %arg12[%dma_wait3A_72, %dma_wait3A_73] : memref<10000x64xf32, #tpu.memory_space<vmem_shared>> -> memref<10000x64xf32, #tpu.memory_space<vmem_shared>>
      tpu.wait_indirect_dma semaphore(%arg15 : memref<!tpu.dma_semaphore, #tpu.memory_space<semaphore_mem>>) src(%dma_wait3A_74 : memref<10000x64xf32, #tpu.memory_space<vmem_shared>>) dst(%dma_wait3A_68 : memref<128x64xf32, #tpu.memory_space<vmem>>)
      %mul3A_75 = arith.constant 2 : i32
      %mul3A_76 = arith.muli %mul3A_75, %mul3A_49 : i32
      %add3A_77 = arith.constant 1 : i32
      %add3A_78 = arith.addi %mul3A_76, %add3A_77 : i32
      %dma_wait3A_79 = arith.constant 128 : i32
      %dma_wait3A_80 = arith.constant 0 : i32
      %dma_wait3A_81 = tpu.memref_slice %arg9[%dma_wait3A_79, %dma_wait3A_80] : memref<512x32xf32, #tpu.memory_space<vmem>> -> memref<128x32xf32, #tpu.memory_space<vmem>>
      %dma_wait3A_82 = arith.constant 0 : i32
      %dma_wait3A_83 = tpu.memref_slice %arg7[%add3A_78, %dma_wait3A_82] : memref<80x128xi32, #tpu.memory_space<vmem>> -> memref<1x128xi32, #tpu.memory_space<vmem>>
      %dma_wait3A_84 = tpu.memref_squeeze %dma_wait3A_83 : memref<1x128xi32, #tpu.memory_space<vmem>> -> memref<128xi32, #tpu.memory_space<vmem>>
      %dma_wait3A_85 = arith.constant 0 : i32
      %dma_wait3A_86 = arith.constant 0 : i32
      %dma_wait3A_87 = tpu.memref_slice %arg11[%dma_wait3A_85, %dma_wait3A_86] : memref<10000x32xf32, #tpu.memory_space<vmem_shared>> -> memref<10000x32xf32, #tpu.memory_space<vmem_shared>>
      tpu.wait_indirect_dma semaphore(%arg13 : memref<!tpu.dma_semaphore, #tpu.memory_space<semaphore_mem>>) src(%dma_wait3A_87 : memref<10000x32xf32, #tpu.memory_space<vmem_shared>>) dst(%dma_wait3A_81 : memref<128x32xf32, #tpu.memory_space<vmem>>)
      %dma_wait3A_88 = arith.constant 128 : i32
      %dma_wait3A_89 = arith.constant 0 : i32
      %dma_wait3A_90 = tpu.memref_slice %arg10[%dma_wait3A_88, %dma_wait3A_89] : memref<512x64xf32, #tpu.memory_space<vmem>> -> memref<128x64xf32, #tpu.memory_space<vmem>>
      %dma_wait3A_91 = arith.constant 0 : i32
      %dma_wait3A_92 = tpu.memref_slice %arg8[%add3A_78, %dma_wait3A_91] : memref<80x128xi32, #tpu.memory_space<vmem>> -> memref<1x128xi32, #tpu.memory_space<vmem>>
      %dma_wait3A_93 = tpu.memref_squeeze %dma_wait3A_92 : memref<1x128xi32, #tpu.memory_space<vmem>> -> memref<128xi32, #tpu.memory_space<vmem>>
      %dma_wait3A_94 = arith.constant 0 : i32
      %dma_wait3A_95 = arith.constant 0 : i32
      %dma_wait3A_96 = tpu.memref_slice %arg12[%dma_wait3A_94, %dma_wait3A_95] : memref<10000x64xf32, #tpu.memory_space<vmem_shared>> -> memref<10000x64xf32, #tpu.memory_space<vmem_shared>>
      tpu.wait_indirect_dma semaphore(%arg15 : memref<!tpu.dma_semaphore, #tpu.memory_space<semaphore_mem>>) src(%dma_wait3A_96 : memref<10000x64xf32, #tpu.memory_space<vmem_shared>>) dst(%dma_wait3A_90 : memref<128x64xf32, #tpu.memory_space<vmem>>)
      %mul3A_97 = arith.constant 10240 : i32
      %mul3A_98 = arith.muli %add3A, %mul3A_97 : i32
      %mul3A_99 = arith.constant 256 : i32
      %mul3A_100 = arith.muli %mul3A_49, %mul3A_99 : i32
      %add3A_101 = arith.addi %mul3A_98, %mul3A_100 : i32
      "tpu.region"() ({
        %run_scoped3A = tpu.sem_alloc : memref<!tpu.dma_semaphore, #tpu.memory_space<semaphore_mem>>
        %dma_start3A_116 = arith.constant 0 : i32
        %dma_start3A_117 = arith.constant 0 : i32
        %dma_start3A_118 = tpu.memref_slice %arg9[%dma_start3A_116, %dma_start3A_117] : memref<512x32xf32, #tpu.memory_space<vmem>> -> memref<256x32xf32, #tpu.memory_space<vmem>>
        %dma_start3A_119 = arith.constant 0 : i32
        %dma_start3A_120 = tpu.memref_slice %arg6[%add3A_101, %dma_start3A_119] : memref<327680x128xf32, #tpu.memory_space<hbm>> -> memref<256x32xf32, #tpu.memory_space<hbm>>
        %dma_start3A_121 = arith.constant 0 : i32
        %dma_start3A_122 = tpu.memref_slice %arg6[%add3A_101, %dma_start3A_121] : memref<327680x128xf32, #tpu.memory_space<hbm>> -> memref<256x32xf32, #tpu.memory_space<hbm>>
        %dma_start3A_123 = arith.constant 0 : i32
        %dma_start3A_124 = arith.constant 0 : i32
        %dma_start3A_125 = tpu.memref_slice %arg9[%dma_start3A_123, %dma_start3A_124] : memref<512x32xf32, #tpu.memory_space<vmem>> -> memref<256x32xf32, #tpu.memory_space<vmem>>
        tpu.enqueue_dma source(%dma_start3A_125 : memref<256x32xf32, #tpu.memory_space<vmem>>) target(%dma_start3A_122 : memref<256x32xf32, #tpu.memory_space<hbm>>) target_semaphore(%run_scoped3A : memref<!tpu.dma_semaphore, #tpu.memory_space<semaphore_mem>>)
        %dma_wait3A_126 = arith.constant 0 : i32
        %dma_wait3A_127 = arith.constant 0 : i32
        %dma_wait3A_128 = tpu.memref_slice %arg9[%dma_wait3A_126, %dma_wait3A_127] : memref<512x32xf32, #tpu.memory_space<vmem>> -> memref<256x32xf32, #tpu.memory_space<vmem>>
        %dma_wait3A_129 = arith.constant 0 : i32
        %dma_wait3A_130 = tpu.memref_slice %arg6[%add3A_101, %dma_wait3A_129] : memref<327680x128xf32, #tpu.memory_space<hbm>> -> memref<256x32xf32, #tpu.memory_space<hbm>>
        %dma_wait3A_131 = arith.constant 0 : i32
        %dma_wait3A_132 = tpu.memref_slice %arg6[%add3A_101, %dma_wait3A_131] : memref<327680x128xf32, #tpu.memory_space<hbm>> -> memref<256x32xf32, #tpu.memory_space<hbm>>
        %dma_wait3A_133 = arith.constant 0 : i32
        %dma_wait3A_134 = arith.constant 0 : i32
        %dma_wait3A_135 = tpu.memref_slice %arg9[%dma_wait3A_133, %dma_wait3A_134] : memref<512x32xf32, #tpu.memory_space<vmem>> -> memref<256x32xf32, #tpu.memory_space<vmem>>
        tpu.wait_dma2 semaphore(%run_scoped3A : memref<!tpu.dma_semaphore, #tpu.memory_space<semaphore_mem>>) src(%dma_wait3A_135 : memref<256x32xf32, #tpu.memory_space<vmem>>) dst(%dma_wait3A_132 : memref<256x32xf32, #tpu.memory_space<hbm>>)
        tpu.yield
      }) : () -> ()
      "tpu.region"() ({
        %run_scoped3A = tpu.sem_alloc : memref<!tpu.dma_semaphore, #tpu.memory_space<semaphore_mem>>
        %dma_start3A_116 = arith.constant 0 : i32
        %dma_start3A_117 = arith.constant 0 : i32
        %dma_start3A_118 = tpu.memref_slice %arg10[%dma_start3A_116, %dma_start3A_117] : memref<512x64xf32, #tpu.memory_space<vmem>> -> memref<256x64xf32, #tpu.memory_space<vmem>>
        %dma_start3A_119 = arith.constant 32 : i32
        %dma_start3A_120 = tpu.memref_slice %arg6[%add3A_101, %dma_start3A_119] : memref<327680x128xf32, #tpu.memory_space<hbm>> -> memref<256x64xf32, #tpu.memory_space<hbm>>
        %dma_start3A_121 = arith.constant 32 : i32
        %dma_start3A_122 = tpu.memref_slice %arg6[%add3A_101, %dma_start3A_121] : memref<327680x128xf32, #tpu.memory_space<hbm>> -> memref<256x64xf32, #tpu.memory_space<hbm>>
        %dma_start3A_123 = arith.constant 0 : i32
        %dma_start3A_124 = arith.constant 0 : i32
        %dma_start3A_125 = tpu.memref_slice %arg10[%dma_start3A_123, %dma_start3A_124] : memref<512x64xf32, #tpu.memory_space<vmem>> -> memref<256x64xf32, #tpu.memory_space<vmem>>
        tpu.enqueue_dma source(%dma_start3A_125 : memref<256x64xf32, #tpu.memory_space<vmem>>) target(%dma_start3A_122 : memref<256x64xf32, #tpu.memory_space<hbm>>) target_semaphore(%run_scoped3A : memref<!tpu.dma_semaphore, #tpu.memory_space<semaphore_mem>>)
        %dma_wait3A_126 = arith.constant 0 : i32
        %dma_wait3A_127 = arith.constant 0 : i32
        %dma_wait3A_128 = tpu.memref_slice %arg10[%dma_wait3A_126, %dma_wait3A_127] : memref<512x64xf32, #tpu.memory_space<vmem>> -> memref<256x64xf32, #tpu.memory_space<vmem>>
        %dma_wait3A_129 = arith.constant 32 : i32
        %dma_wait3A_130 = tpu.memref_slice %arg6[%add3A_101, %dma_wait3A_129] : memref<327680x128xf32, #tpu.memory_space<hbm>> -> memref<256x64xf32, #tpu.memory_space<hbm>>
        %dma_wait3A_131 = arith.constant 32 : i32
        %dma_wait3A_132 = tpu.memref_slice %arg6[%add3A_101, %dma_wait3A_131] : memref<327680x128xf32, #tpu.memory_space<hbm>> -> memref<256x64xf32, #tpu.memory_space<hbm>>
        %dma_wait3A_133 = arith.constant 0 : i32
        %dma_wait3A_134 = arith.constant 0 : i32
        %dma_wait3A_135 = tpu.memref_slice %arg10[%dma_wait3A_133, %dma_wait3A_134] : memref<512x64xf32, #tpu.memory_space<vmem>> -> memref<256x64xf32, #tpu.memory_space<vmem>>
        tpu.wait_dma2 semaphore(%run_scoped3A : memref<!tpu.dma_semaphore, #tpu.memory_space<semaphore_mem>>) src(%dma_wait3A_135 : memref<256x64xf32, #tpu.memory_space<vmem>>) dst(%dma_wait3A_132 : memref<256x64xf32, #tpu.memory_space<hbm>>)
        tpu.yield
      }) : () -> ()
      %add3A_102 = arith.constant 2 : i32
      %add3A_103 = arith.addi %mul3A_49, %add3A_102 : i32
      %lt3A_104 = arith.constant 40 : i32
      %lt3A_105 = arith.cmpi slt, %add3A_103, %lt3A_104 : i32
      %convert_element_type3A_106 = arith.extui %lt3A_105 : i1 to i32
      %cond3A_107 = arith.constant 0 : i32
      %cond3A_108 = arith.cmpi ne, %convert_element_type3A_106, %cond3A_107 : i32
      scf.if %cond3A_108 {
        %add3A_116 = arith.constant 2 : i32
        %add3A_117 = arith.addi %mul3A_49, %add3A_116 : i32
        %mul3A_118 = arith.constant 2 : i32
        %mul3A_119 = arith.muli %mul3A_118, %add3A_117 : i32
        %add3A_120 = arith.constant 0 : i32
        %add3A_121 = arith.addi %mul3A_119, %add3A_120 : i32
        %dma_start3A_122 = arith.constant 0 : i32
        %dma_start3A_123 = arith.constant 0 : i32
        %dma_start3A_124 = tpu.memref_slice %arg9[%dma_start3A_122, %dma_start3A_123] : memref<512x32xf32, #tpu.memory_space<vmem>> -> memref<128x32xf32, #tpu.memory_space<vmem>>
        %dma_start3A_125 = arith.constant 0 : i32
        %dma_start3A_126 = tpu.memref_slice %arg7[%add3A_121, %dma_start3A_125] : memref<80x128xi32, #tpu.memory_space<vmem>> -> memref<1x128xi32, #tpu.memory_space<vmem>>
        %dma_start3A_127 = tpu.memref_squeeze %dma_start3A_126 : memref<1x128xi32, #tpu.memory_space<vmem>> -> memref<128xi32, #tpu.memory_space<vmem>>
        %dma_start3A_128 = arith.constant 0 : i32
        %dma_start3A_129 = arith.constant 0 : i32
        %dma_start3A_130 = tpu.memref_slice %arg11[%dma_start3A_128, %dma_start3A_129] : memref<10000x32xf32, #tpu.memory_space<vmem_shared>> -> memref<10000x32xf32, #tpu.memory_space<vmem_shared>>
        tpu.enqueue_indirect_dma source(%dma_start3A_130 : memref<10000x32xf32, #tpu.memory_space<vmem_shared>>) target(%dma_start3A_124 : memref<128x32xf32, #tpu.memory_space<vmem>>) offsets(%dma_start3A_127 : memref<128xi32, #tpu.memory_space<vmem>>) semaphore(%arg13 : memref<!tpu.dma_semaphore, #tpu.memory_space<semaphore_mem>>)
        %dma_start3A_131 = arith.constant 0 : i32
        %dma_start3A_132 = arith.constant 0 : i32
        %dma_start3A_133 = tpu.memref_slice %arg10[%dma_start3A_131, %dma_start3A_132] : memref<512x64xf32, #tpu.memory_space<vmem>> -> memref<128x64xf32, #tpu.memory_space<vmem>>
        %dma_start3A_134 = arith.constant 0 : i32
        %dma_start3A_135 = tpu.memref_slice %arg8[%add3A_121, %dma_start3A_134] : memref<80x128xi32, #tpu.memory_space<vmem>> -> memref<1x128xi32, #tpu.memory_space<vmem>>
        %dma_start3A_136 = tpu.memref_squeeze %dma_start3A_135 : memref<1x128xi32, #tpu.memory_space<vmem>> -> memref<128xi32, #tpu.memory_space<vmem>>
        %dma_start3A_137 = arith.constant 0 : i32
        %dma_start3A_138 = arith.constant 0 : i32
        %dma_start3A_139 = tpu.memref_slice %arg12[%dma_start3A_137, %dma_start3A_138] : memref<10000x64xf32, #tpu.memory_space<vmem_shared>> -> memref<10000x64xf32, #tpu.memory_space<vmem_shared>>
        tpu.enqueue_indirect_dma source(%dma_start3A_139 : memref<10000x64xf32, #tpu.memory_space<vmem_shared>>) target(%dma_start3A_133 : memref<128x64xf32, #tpu.memory_space<vmem>>) offsets(%dma_start3A_136 : memref<128xi32, #tpu.memory_space<vmem>>) semaphore(%arg15 : memref<!tpu.dma_semaphore, #tpu.memory_space<semaphore_mem>>)
        %mul3A_140 = arith.constant 2 : i32
        %mul3A_141 = arith.muli %mul3A_140, %add3A_117 : i32
        %add3A_142 = arith.constant 1 : i32
        %add3A_143 = arith.addi %mul3A_141, %add3A_142 : i32
        %dma_start3A_144 = arith.constant 128 : i32
        %dma_start3A_145 = arith.constant 0 : i32
        %dma_start3A_146 = tpu.memref_slice %arg9[%dma_start3A_144, %dma_start3A_145] : memref<512x32xf32, #tpu.memory_space<vmem>> -> memref<128x32xf32, #tpu.memory_space<vmem>>
        %dma_start3A_147 = arith.constant 0 : i32
        %dma_start3A_148 = tpu.memref_slice %arg7[%add3A_143, %dma_start3A_147] : memref<80x128xi32, #tpu.memory_space<vmem>> -> memref<1x128xi32, #tpu.memory_space<vmem>>
        %dma_start3A_149 = tpu.memref_squeeze %dma_start3A_148 : memref<1x128xi32, #tpu.memory_space<vmem>> -> memref<128xi32, #tpu.memory_space<vmem>>
        %dma_start3A_150 = arith.constant 0 : i32
        %dma_start3A_151 = arith.constant 0 : i32
        %dma_start3A_152 = tpu.memref_slice %arg11[%dma_start3A_150, %dma_start3A_151] : memref<10000x32xf32, #tpu.memory_space<vmem_shared>> -> memref<10000x32xf32, #tpu.memory_space<vmem_shared>>
        tpu.enqueue_indirect_dma source(%dma_start3A_152 : memref<10000x32xf32, #tpu.memory_space<vmem_shared>>) target(%dma_start3A_146 : memref<128x32xf32, #tpu.memory_space<vmem>>) offsets(%dma_start3A_149 : memref<128xi32, #tpu.memory_space<vmem>>) semaphore(%arg13 : memref<!tpu.dma_semaphore, #tpu.memory_space<semaphore_mem>>)
        %dma_start3A_153 = arith.constant 128 : i32
        %dma_start3A_154 = arith.constant 0 : i32
        %dma_start3A_155 = tpu.memref_slice %arg10[%dma_start3A_153, %dma_start3A_154] : memref<512x64xf32, #tpu.memory_space<vmem>> -> memref<128x64xf32, #tpu.memory_space<vmem>>
        %dma_start3A_156 = arith.constant 0 : i32
        %dma_start3A_157 = tpu.memref_slice %arg8[%add3A_143, %dma_start3A_156] : memref<80x128xi32, #tpu.memory_space<vmem>> -> memref<1x128xi32, #tpu.memory_space<vmem>>
        %dma_start3A_158 = tpu.memref_squeeze %dma_start3A_157 : memref<1x128xi32, #tpu.memory_space<vmem>> -> memref<128xi32, #tpu.memory_space<vmem>>
        %dma_start3A_159 = arith.constant 0 : i32
        %dma_start3A_160 = arith.constant 0 : i32
        %dma_start3A_161 = tpu.memref_slice %arg12[%dma_start3A_159, %dma_start3A_160] : memref<10000x64xf32, #tpu.memory_space<vmem_shared>> -> memref<10000x64xf32, #tpu.memory_space<vmem_shared>>
        tpu.enqueue_indirect_dma source(%dma_start3A_161 : memref<10000x64xf32, #tpu.memory_space<vmem_shared>>) target(%dma_start3A_155 : memref<128x64xf32, #tpu.memory_space<vmem>>) offsets(%dma_start3A_158 : memref<128xi32, #tpu.memory_space<vmem>>) semaphore(%arg15 : memref<!tpu.dma_semaphore, #tpu.memory_space<semaphore_mem>>)
      } else {
      }
      %add3A_109 = arith.constant 1 : i32
      %add3A_110 = arith.addi %mul3A_49, %add3A_109 : i32
      %lt3A_111 = arith.constant 40 : i32
      %lt3A_112 = arith.cmpi slt, %add3A_110, %lt3A_111 : i32
      %convert_element_type3A_113 = arith.extui %lt3A_112 : i1 to i32
      %cond3A_114 = arith.constant 0 : i32
      %cond3A_115 = arith.cmpi ne, %convert_element_type3A_113, %cond3A_114 : i32
      scf.if %cond3A_115 {
        %add3A_116 = arith.constant 1 : i32
        %add3A_117 = arith.addi %mul3A_49, %add3A_116 : i32
        %mul3A_118 = arith.constant 2 : i32
        %mul3A_119 = arith.muli %mul3A_118, %add3A_117 : i32
        %add3A_120 = arith.constant 0 : i32
        %add3A_121 = arith.addi %mul3A_119, %add3A_120 : i32
        %dma_wait3A_122 = arith.constant 256 : i32
        %dma_wait3A_123 = arith.constant 0 : i32
        %dma_wait3A_124 = tpu.memref_slice %arg9[%dma_wait3A_122, %dma_wait3A_123] : memref<512x32xf32, #tpu.memory_space<vmem>> -> memref<128x32xf32, #tpu.memory_space<vmem>>
        %dma_wait3A_125 = arith.constant 0 : i32
        %dma_wait3A_126 = tpu.memref_slice %arg7[%add3A_121, %dma_wait3A_125] : memref<80x128xi32, #tpu.memory_space<vmem>> -> memref<1x128xi32, #tpu.memory_space<vmem>>
        %dma_wait3A_127 = tpu.memref_squeeze %dma_wait3A_126 : memref<1x128xi32, #tpu.memory_space<vmem>> -> memref<128xi32, #tpu.memory_space<vmem>>
        %dma_wait3A_128 = arith.constant 0 : i32
        %dma_wait3A_129 = arith.constant 0 : i32
        %dma_wait3A_130 = tpu.memref_slice %arg11[%dma_wait3A_128, %dma_wait3A_129] : memref<10000x32xf32, #tpu.memory_space<vmem_shared>> -> memref<10000x32xf32, #tpu.memory_space<vmem_shared>>
        tpu.wait_indirect_dma semaphore(%arg14 : memref<!tpu.dma_semaphore, #tpu.memory_space<semaphore_mem>>) src(%dma_wait3A_130 : memref<10000x32xf32, #tpu.memory_space<vmem_shared>>) dst(%dma_wait3A_124 : memref<128x32xf32, #tpu.memory_space<vmem>>)
        %dma_wait3A_131 = arith.constant 256 : i32
        %dma_wait3A_132 = arith.constant 0 : i32
        %dma_wait3A_133 = tpu.memref_slice %arg10[%dma_wait3A_131, %dma_wait3A_132] : memref<512x64xf32, #tpu.memory_space<vmem>> -> memref<128x64xf32, #tpu.memory_space<vmem>>
        %dma_wait3A_134 = arith.constant 0 : i32
        %dma_wait3A_135 = tpu.memref_slice %arg8[%add3A_121, %dma_wait3A_134] : memref<80x128xi32, #tpu.memory_space<vmem>> -> memref<1x128xi32, #tpu.memory_space<vmem>>
        %dma_wait3A_136 = tpu.memref_squeeze %dma_wait3A_135 : memref<1x128xi32, #tpu.memory_space<vmem>> -> memref<128xi32, #tpu.memory_space<vmem>>
        %dma_wait3A_137 = arith.constant 0 : i32
        %dma_wait3A_138 = arith.constant 0 : i32
        %dma_wait3A_139 = tpu.memref_slice %arg12[%dma_wait3A_137, %dma_wait3A_138] : memref<10000x64xf32, #tpu.memory_space<vmem_shared>> -> memref<10000x64xf32, #tpu.memory_space<vmem_shared>>
        tpu.wait_indirect_dma semaphore(%arg16 : memref<!tpu.dma_semaphore, #tpu.memory_space<semaphore_mem>>) src(%dma_wait3A_139 : memref<10000x64xf32, #tpu.memory_space<vmem_shared>>) dst(%dma_wait3A_133 : memref<128x64xf32, #tpu.memory_space<vmem>>)
        %mul3A_140 = arith.constant 2 : i32
        %mul3A_141 = arith.muli %mul3A_140, %add3A_117 : i32
        %add3A_142 = arith.constant 1 : i32
        %add3A_143 = arith.addi %mul3A_141, %add3A_142 : i32
        %dma_wait3A_144 = arith.constant 384 : i32
        %dma_wait3A_145 = arith.constant 0 : i32
        %dma_wait3A_146 = tpu.memref_slice %arg9[%dma_wait3A_144, %dma_wait3A_145] : memref<512x32xf32, #tpu.memory_space<vmem>> -> memref<128x32xf32, #tpu.memory_space<vmem>>
        %dma_wait3A_147 = arith.constant 0 : i32
        %dma_wait3A_148 = tpu.memref_slice %arg7[%add3A_143, %dma_wait3A_147] : memref<80x128xi32, #tpu.memory_space<vmem>> -> memref<1x128xi32, #tpu.memory_space<vmem>>
        %dma_wait3A_149 = tpu.memref_squeeze %dma_wait3A_148 : memref<1x128xi32, #tpu.memory_space<vmem>> -> memref<128xi32, #tpu.memory_space<vmem>>
        %dma_wait3A_150 = arith.constant 0 : i32
        %dma_wait3A_151 = arith.constant 0 : i32
        %dma_wait3A_152 = tpu.memref_slice %arg11[%dma_wait3A_150, %dma_wait3A_151] : memref<10000x32xf32, #tpu.memory_space<vmem_shared>> -> memref<10000x32xf32, #tpu.memory_space<vmem_shared>>
        tpu.wait_indirect_dma semaphore(%arg14 : memref<!tpu.dma_semaphore, #tpu.memory_space<semaphore_mem>>) src(%dma_wait3A_152 : memref<10000x32xf32, #tpu.memory_space<vmem_shared>>) dst(%dma_wait3A_146 : memref<128x32xf32, #tpu.memory_space<vmem>>)
        %dma_wait3A_153 = arith.constant 384 : i32
        %dma_wait3A_154 = arith.constant 0 : i32
        %dma_wait3A_155 = tpu.memref_slice %arg10[%dma_wait3A_153, %dma_wait3A_154] : memref<512x64xf32, #tpu.memory_space<vmem>> -> memref<128x64xf32, #tpu.memory_space<vmem>>
        %dma_wait3A_156 = arith.constant 0 : i32
        %dma_wait3A_157 = tpu.memref_slice %arg8[%add3A_143, %dma_wait3A_156] : memref<80x128xi32, #tpu.memory_space<vmem>> -> memref<1x128xi32, #tpu.memory_space<vmem>>
        %dma_wait3A_158 = tpu.memref_squeeze %dma_wait3A_157 : memref<1x128xi32, #tpu.memory_space<vmem>> -> memref<128xi32, #tpu.memory_space<vmem>>
        %dma_wait3A_159 = arith.constant 0 : i32
        %dma_wait3A_160 = arith.constant 0 : i32
        %dma_wait3A_161 = tpu.memref_slice %arg12[%dma_wait3A_159, %dma_wait3A_160] : memref<10000x64xf32, #tpu.memory_space<vmem_shared>> -> memref<10000x64xf32, #tpu.memory_space<vmem_shared>>
        tpu.wait_indirect_dma semaphore(%arg16 : memref<!tpu.dma_semaphore, #tpu.memory_space<semaphore_mem>>) src(%dma_wait3A_161 : memref<10000x64xf32, #tpu.memory_space<vmem_shared>>) dst(%dma_wait3A_155 : memref<128x64xf32, #tpu.memory_space<vmem>>)
        %mul3A_162 = arith.constant 10240 : i32
        %mul3A_163 = arith.muli %add3A, %mul3A_162 : i32
        %mul3A_164 = arith.constant 256 : i32
        %mul3A_165 = arith.muli %add3A_117, %mul3A_164 : i32
        %add3A_166 = arith.addi %mul3A_163, %mul3A_165 : i32
        "tpu.region"() ({
          %run_scoped3A = tpu.sem_alloc : memref<!tpu.dma_semaphore, #tpu.memory_space<semaphore_mem>>
          %dma_start3A_167 = arith.constant 256 : i32
          %dma_start3A_168 = arith.constant 0 : i32
          %dma_start3A_169 = tpu.memref_slice %arg9[%dma_start3A_167, %dma_start3A_168] : memref<512x32xf32, #tpu.memory_space<vmem>> -> memref<256x32xf32, #tpu.memory_space<vmem>>
          %dma_start3A_170 = arith.constant 0 : i32
          %dma_start3A_171 = tpu.memref_slice %arg6[%add3A_166, %dma_start3A_170] : memref<327680x128xf32, #tpu.memory_space<hbm>> -> memref<256x32xf32, #tpu.memory_space<hbm>>
          %dma_start3A_172 = arith.constant 0 : i32
          %dma_start3A_173 = tpu.memref_slice %arg6[%add3A_166, %dma_start3A_172] : memref<327680x128xf32, #tpu.memory_space<hbm>> -> memref<256x32xf32, #tpu.memory_space<hbm>>
          %dma_start3A_174 = arith.constant 256 : i32
          %dma_start3A_175 = arith.constant 0 : i32
          %dma_start3A_176 = tpu.memref_slice %arg9[%dma_start3A_174, %dma_start3A_175] : memref<512x32xf32, #tpu.memory_space<vmem>> -> memref<256x32xf32, #tpu.memory_space<vmem>>
          tpu.enqueue_dma source(%dma_start3A_176 : memref<256x32xf32, #tpu.memory_space<vmem>>) target(%dma_start3A_173 : memref<256x32xf32, #tpu.memory_space<hbm>>) target_semaphore(%run_scoped3A : memref<!tpu.dma_semaphore, #tpu.memory_space<semaphore_mem>>)
          %dma_wait3A_177 = arith.constant 256 : i32
          %dma_wait3A_178 = arith.constant 0 : i32
          %dma_wait3A_179 = tpu.memref_slice %arg9[%dma_wait3A_177, %dma_wait3A_178] : memref<512x32xf32, #tpu.memory_space<vmem>> -> memref<256x32xf32, #tpu.memory_space<vmem>>
          %dma_wait3A_180 = arith.constant 0 : i32
          %dma_wait3A_181 = tpu.memref_slice %arg6[%add3A_166, %dma_wait3A_180] : memref<327680x128xf32, #tpu.memory_space<hbm>> -> memref<256x32xf32, #tpu.memory_space<hbm>>
          %dma_wait3A_182 = arith.constant 0 : i32
          %dma_wait3A_183 = tpu.memref_slice %arg6[%add3A_166, %dma_wait3A_182] : memref<327680x128xf32, #tpu.memory_space<hbm>> -> memref<256x32xf32, #tpu.memory_space<hbm>>
          %dma_wait3A_184 = arith.constant 256 : i32
          %dma_wait3A_185 = arith.constant 0 : i32
          %dma_wait3A_186 = tpu.memref_slice %arg9[%dma_wait3A_184, %dma_wait3A_185] : memref<512x32xf32, #tpu.memory_space<vmem>> -> memref<256x32xf32, #tpu.memory_space<vmem>>
          tpu.wait_dma2 semaphore(%run_scoped3A : memref<!tpu.dma_semaphore, #tpu.memory_space<semaphore_mem>>) src(%dma_wait3A_186 : memref<256x32xf32, #tpu.memory_space<vmem>>) dst(%dma_wait3A_183 : memref<256x32xf32, #tpu.memory_space<hbm>>)
          tpu.yield
        }) : () -> ()
        "tpu.region"() ({
          %run_scoped3A = tpu.sem_alloc : memref<!tpu.dma_semaphore, #tpu.memory_space<semaphore_mem>>
          %dma_start3A_167 = arith.constant 256 : i32
          %dma_start3A_168 = arith.constant 0 : i32
          %dma_start3A_169 = tpu.memref_slice %arg10[%dma_start3A_167, %dma_start3A_168] : memref<512x64xf32, #tpu.memory_space<vmem>> -> memref<256x64xf32, #tpu.memory_space<vmem>>
          %dma_start3A_170 = arith.constant 32 : i32
          %dma_start3A_171 = tpu.memref_slice %arg6[%add3A_166, %dma_start3A_170] : memref<327680x128xf32, #tpu.memory_space<hbm>> -> memref<256x64xf32, #tpu.memory_space<hbm>>
          %dma_start3A_172 = arith.constant 32 : i32
          %dma_start3A_173 = tpu.memref_slice %arg6[%add3A_166, %dma_start3A_172] : memref<327680x128xf32, #tpu.memory_space<hbm>> -> memref<256x64xf32, #tpu.memory_space<hbm>>
          %dma_start3A_174 = arith.constant 256 : i32
          %dma_start3A_175 = arith.constant 0 : i32
          %dma_start3A_176 = tpu.memref_slice %arg10[%dma_start3A_174, %dma_start3A_175] : memref<512x64xf32, #tpu.memory_space<vmem>> -> memref<256x64xf32, #tpu.memory_space<vmem>>
          tpu.enqueue_dma source(%dma_start3A_176 : memref<256x64xf32, #tpu.memory_space<vmem>>) target(%dma_start3A_173 : memref<256x64xf32, #tpu.memory_space<hbm>>) target_semaphore(%run_scoped3A : memref<!tpu.dma_semaphore, #tpu.memory_space<semaphore_mem>>)
          %dma_wait3A_177 = arith.constant 256 : i32
          %dma_wait3A_178 = arith.constant 0 : i32
          %dma_wait3A_179 = tpu.memref_slice %arg10[%dma_wait3A_177, %dma_wait3A_178] : memref<512x64xf32, #tpu.memory_space<vmem>> -> memref<256x64xf32, #tpu.memory_space<vmem>>
          %dma_wait3A_180 = arith.constant 32 : i32
          %dma_wait3A_181 = tpu.memref_slice %arg6[%add3A_166, %dma_wait3A_180] : memref<327680x128xf32, #tpu.memory_space<hbm>> -> memref<256x64xf32, #tpu.memory_space<hbm>>
          %dma_wait3A_182 = arith.constant 32 : i32
          %dma_wait3A_183 = tpu.memref_slice %arg6[%add3A_166, %dma_wait3A_182] : memref<327680x128xf32, #tpu.memory_space<hbm>> -> memref<256x64xf32, #tpu.memory_space<hbm>>
          %dma_wait3A_184 = arith.constant 256 : i32
          %dma_wait3A_185 = arith.constant 0 : i32
          %dma_wait3A_186 = tpu.memref_slice %arg10[%dma_wait3A_184, %dma_wait3A_185] : memref<512x64xf32, #tpu.memory_space<vmem>> -> memref<256x64xf32, #tpu.memory_space<vmem>>
          tpu.wait_dma2 semaphore(%run_scoped3A : memref<!tpu.dma_semaphore, #tpu.memory_space<semaphore_mem>>) src(%dma_wait3A_186 : memref<256x64xf32, #tpu.memory_space<vmem>>) dst(%dma_wait3A_183 : memref<256x64xf32, #tpu.memory_space<hbm>>)
          tpu.yield
        }) : () -> ()
      } else {
      }
    }
    %scan3A_46 = arith.constant 20 : i32
    return
  }
}

#map = affine_map<(d0, d1) -> (0, 0)>
#map1 = affine_map<(d0, d1) -> (0, 0, 0)>
module attributes {stable_mosaic.version = 14 : i64} {
  func.func @k(%arg0: i32, %arg1: i32, %arg2: memref<10000x32xf32, #tpu.memory_space<hbm>>, %arg3: memref<10000x64xf32, #tpu.memory_space<hbm>>, %arg4: memref<32x80x128xi32, #tpu.memory_space<hbm>>, %arg5: memref<32x80x128xi32, #tpu.memory_space<hbm>>, %arg6: memref<327680x128xf32, #tpu.memory_space<hbm>>, %arg7: memref<80x128xi32, #tpu.memory_space<vmem>>, %arg8: memref<80x128xi32, #tpu.memory_space<vmem>>, %arg9: memref<512x32xf32, #tpu.memory_space<vmem>>, %arg10: memref<512x64xf32, #tpu.memory_space<vmem>>, %arg11: memref<10000x32xf32, #tpu.memory_space<vmem_shared>>, %arg12: memref<10000x64xf32, #tpu.memory_space<vmem_shared>>, %arg13: memref<!tpu.dma_semaphore, #tpu.memory_space<semaphore_mem>>, %arg14: memref<!tpu.dma_semaphore, #tpu.memory_space<semaphore_mem>>, %arg15: memref<!tpu.dma_semaphore, #tpu.memory_space<semaphore_mem>>, %arg16: memref<!tpu.dma_semaphore, #tpu.memory_space<semaphore_mem>>) attributes {dimension_semantics = [#tpu.dimension_semantics<core_parallel>, #tpu.dimension_semantics<subcore_parallel>], iteration_bounds = array<i64: 2, 16>, scalar_prefetch = 0 : i64, scratch_operands = 10 : i64, tpu.core_type = #tpu.core_type<sc_vector_subcore>, window_params = [{transform_indices = #map}, {transform_indices = #map}, {transform_indices = #map1}, {transform_indices = #map1}, {transform_indices = #map}]} {
    %mul3A = arith.constant 2 : i32
    %mul3A_0 = arith.muli %arg1, %mul3A : i32
    %add3A = arith.addi %mul3A_0, %arg0 : i32
    %mul3A_1 = arith.constant 625 : i32
    %mul3A_2 = arith.muli %arg1, %mul3A_1 : i32
    "tpu.region"() ({
      %run_scoped3A = tpu.sem_alloc : memref<!tpu.dma_semaphore, #tpu.memory_space<semaphore_mem>>
      %dma_start3A_47 = arith.constant 0 : i32
      %dma_start3A_48 = tpu.memref_slice %arg11[%mul3A_2, %dma_start3A_47] : memref<10000x32xf32, #tpu.memory_space<vmem_shared>> -> memref<625x32xf32, #tpu.memory_space<vmem_shared>>
      %dma_start3A_49 = arith.constant 0 : i32
      %dma_start3A_50 = tpu.memref_slice %arg2[%mul3A_2, %dma_start3A_49] : memref<10000x32xf32, #tpu.memory_space<hbm>> -> memref<625x32xf32, #tpu.memory_space<hbm>>
      tpu.enqueue_dma source(%dma_start3A_50 : memref<625x32xf32, #tpu.memory_space<hbm>>) target(%dma_start3A_48 : memref<625x32xf32, #tpu.memory_space<vmem_shared>>) target_semaphore(%run_scoped3A : memref<!tpu.dma_semaphore, #tpu.memory_space<semaphore_mem>>)
      %dma_wait3A = arith.constant 0 : i32
      %dma_wait3A_51 = tpu.memref_slice %arg11[%mul3A_2, %dma_wait3A] : memref<10000x32xf32, #tpu.memory_space<vmem_shared>> -> memref<625x32xf32, #tpu.memory_space<vmem_shared>>
      %dma_wait3A_52 = arith.constant 0 : i32
      %dma_wait3A_53 = tpu.memref_slice %arg2[%mul3A_2, %dma_wait3A_52] : memref<10000x32xf32, #tpu.memory_space<hbm>> -> memref<625x32xf32, #tpu.memory_space<hbm>>
      tpu.wait_dma2 semaphore(%run_scoped3A : memref<!tpu.dma_semaphore, #tpu.memory_space<semaphore_mem>>) src(%dma_wait3A_53 : memref<625x32xf32, #tpu.memory_space<hbm>>) dst(%dma_wait3A_51 : memref<625x32xf32, #tpu.memory_space<vmem_shared>>)
      tpu.yield
    }) : () -> ()
    "tpu.region"() ({
      %run_scoped3A = tpu.sem_alloc : memref<!tpu.dma_semaphore, #tpu.memory_space<semaphore_mem>>
      %dma_start3A_47 = arith.constant 0 : i32
      %dma_start3A_48 = tpu.memref_slice %arg12[%mul3A_2, %dma_start3A_47] : memref<10000x64xf32, #tpu.memory_space<vmem_shared>> -> memref<625x64xf32, #tpu.memory_space<vmem_shared>>
      %dma_start3A_49 = arith.constant 0 : i32
      %dma_start3A_50 = tpu.memref_slice %arg3[%mul3A_2, %dma_start3A_49] : memref<10000x64xf32, #tpu.memory_space<hbm>> -> memref<625x64xf32, #tpu.memory_space<hbm>>
      tpu.enqueue_dma source(%dma_start3A_50 : memref<625x64xf32, #tpu.memory_space<hbm>>) target(%dma_start3A_48 : memref<625x64xf32, #tpu.memory_space<vmem_shared>>) target_semaphore(%run_scoped3A : memref<!tpu.dma_semaphore, #tpu.memory_space<semaphore_mem>>)
      %dma_wait3A = arith.constant 0 : i32
      %dma_wait3A_51 = tpu.memref_slice %arg12[%mul3A_2, %dma_wait3A] : memref<10000x64xf32, #tpu.memory_space<vmem_shared>> -> memref<625x64xf32, #tpu.memory_space<vmem_shared>>
      %dma_wait3A_52 = arith.constant 0 : i32
      %dma_wait3A_53 = tpu.memref_slice %arg3[%mul3A_2, %dma_wait3A_52] : memref<10000x64xf32, #tpu.memory_space<hbm>> -> memref<625x64xf32, #tpu.memory_space<hbm>>
      tpu.wait_dma2 semaphore(%run_scoped3A : memref<!tpu.dma_semaphore, #tpu.memory_space<semaphore_mem>>) src(%dma_wait3A_53 : memref<625x64xf32, #tpu.memory_space<hbm>>) dst(%dma_wait3A_51 : memref<625x64xf32, #tpu.memory_space<vmem_shared>>)
      tpu.yield
    }) : () -> ()
    "tpu.region"() ({
      %run_scoped3A = tpu.sem_alloc : memref<!tpu.dma_semaphore, #tpu.memory_space<semaphore_mem>>
      %dma_start3A_47 = arith.constant 0 : i32
      %dma_start3A_48 = arith.constant 0 : i32
      %dma_start3A_49 = tpu.memref_slice %arg4[%add3A, %dma_start3A_47, %dma_start3A_48] : memref<32x80x128xi32, #tpu.memory_space<hbm>> -> memref<1x80x128xi32, #tpu.memory_space<hbm>>
      %dma_start3A_50 = tpu.memref_squeeze %dma_start3A_49 : memref<1x80x128xi32, #tpu.memory_space<hbm>> -> memref<80x128xi32, #tpu.memory_space<hbm>>
      %dma_start3A_51 = arith.constant 0 : i32
      %dma_start3A_52 = arith.constant 0 : i32
      %dma_start3A_53 = tpu.memref_slice %arg4[%add3A, %dma_start3A_51, %dma_start3A_52] : memref<32x80x128xi32, #tpu.memory_space<hbm>> -> memref<1x80x128xi32, #tpu.memory_space<hbm>>
      %dma_start3A_54 = tpu.memref_squeeze %dma_start3A_53 : memref<1x80x128xi32, #tpu.memory_space<hbm>> -> memref<80x128xi32, #tpu.memory_space<hbm>>
      tpu.enqueue_dma source(%dma_start3A_54 : memref<80x128xi32, #tpu.memory_space<hbm>>) target(%arg7 : memref<80x128xi32, #tpu.memory_space<vmem>>) target_semaphore(%run_scoped3A : memref<!tpu.dma_semaphore, #tpu.memory_space<semaphore_mem>>)
      %dma_wait3A = arith.constant 0 : i32
      %dma_wait3A_55 = arith.constant 0 : i32
      %dma_wait3A_56 = tpu.memref_slice %arg4[%add3A, %dma_wait3A, %dma_wait3A_55] : memref<32x80x128xi32, #tpu.memory_space<hbm>> -> memref<1x80x128xi32, #tpu.memory_space<hbm>>
      %dma_wait3A_57 = tpu.memref_squeeze %dma_wait3A_56 : memref<1x80x128xi32, #tpu.memory_space<hbm>> -> memref<80x128xi32, #tpu.memory_space<hbm>>
      %dma_wait3A_58 = arith.constant 0 : i32
      %dma_wait3A_59 = arith.constant 0 : i32
      %dma_wait3A_60 = tpu.memref_slice %arg4[%add3A, %dma_wait3A_58, %dma_wait3A_59] : memref<32x80x128xi32, #tpu.memory_space<hbm>> -> memref<1x80x128xi32, #tpu.memory_space<hbm>>
      %dma_wait3A_61 = tpu.memref_squeeze %dma_wait3A_60 : memref<1x80x128xi32, #tpu.memory_space<hbm>> -> memref<80x128xi32, #tpu.memory_space<hbm>>
      tpu.wait_dma2 semaphore(%run_scoped3A : memref<!tpu.dma_semaphore, #tpu.memory_space<semaphore_mem>>) src(%dma_wait3A_61 : memref<80x128xi32, #tpu.memory_space<hbm>>) dst(%arg7 : memref<80x128xi32, #tpu.memory_space<vmem>>)
      tpu.yield
    }) : () -> ()
    "tpu.region"() ({
      %run_scoped3A = tpu.sem_alloc : memref<!tpu.dma_semaphore, #tpu.memory_space<semaphore_mem>>
      %dma_start3A_47 = arith.constant 0 : i32
      %dma_start3A_48 = arith.constant 0 : i32
      %dma_start3A_49 = tpu.memref_slice %arg5[%add3A, %dma_start3A_47, %dma_start3A_48] : memref<32x80x128xi32, #tpu.memory_space<hbm>> -> memref<1x80x128xi32, #tpu.memory_space<hbm>>
      %dma_start3A_50 = tpu.memref_squeeze %dma_start3A_49 : memref<1x80x128xi32, #tpu.memory_space<hbm>> -> memref<80x128xi32, #tpu.memory_space<hbm>>
      %dma_start3A_51 = arith.constant 0 : i32
      %dma_start3A_52 = arith.constant 0 : i32
      %dma_start3A_53 = tpu.memref_slice %arg5[%add3A, %dma_start3A_51, %dma_start3A_52] : memref<32x80x128xi32, #tpu.memory_space<hbm>> -> memref<1x80x128xi32, #tpu.memory_space<hbm>>
      %dma_start3A_54 = tpu.memref_squeeze %dma_start3A_53 : memref<1x80x128xi32, #tpu.memory_space<hbm>> -> memref<80x128xi32, #tpu.memory_space<hbm>>
      tpu.enqueue_dma source(%dma_start3A_54 : memref<80x128xi32, #tpu.memory_space<hbm>>) target(%arg8 : memref<80x128xi32, #tpu.memory_space<vmem>>) target_semaphore(%run_scoped3A : memref<!tpu.dma_semaphore, #tpu.memory_space<semaphore_mem>>)
      %dma_wait3A = arith.constant 0 : i32
      %dma_wait3A_55 = arith.constant 0 : i32
      %dma_wait3A_56 = tpu.memref_slice %arg5[%add3A, %dma_wait3A, %dma_wait3A_55] : memref<32x80x128xi32, #tpu.memory_space<hbm>> -> memref<1x80x128xi32, #tpu.memory_space<hbm>>
      %dma_wait3A_57 = tpu.memref_squeeze %dma_wait3A_56 : memref<1x80x128xi32, #tpu.memory_space<hbm>> -> memref<80x128xi32, #tpu.memory_space<hbm>>
      %dma_wait3A_58 = arith.constant 0 : i32
      %dma_wait3A_59 = arith.constant 0 : i32
      %dma_wait3A_60 = tpu.memref_slice %arg5[%add3A, %dma_wait3A_58, %dma_wait3A_59] : memref<32x80x128xi32, #tpu.memory_space<hbm>> -> memref<1x80x128xi32, #tpu.memory_space<hbm>>
      %dma_wait3A_61 = tpu.memref_squeeze %dma_wait3A_60 : memref<1x80x128xi32, #tpu.memory_space<hbm>> -> memref<80x128xi32, #tpu.memory_space<hbm>>
      tpu.wait_dma2 semaphore(%run_scoped3A : memref<!tpu.dma_semaphore, #tpu.memory_space<semaphore_mem>>) src(%dma_wait3A_61 : memref<80x128xi32, #tpu.memory_space<hbm>>) dst(%arg8 : memref<80x128xi32, #tpu.memory_space<vmem>>)
      tpu.yield
    }) : () -> ()
    %barrier3A = arith.constant 0 : index
    tpu.barrier barrier_id(%barrier3A)
    %dma_start3A = arith.constant 0 : i32
    %dma_start3A_3 = arith.constant 0 : i32
    %dma_start3A_4 = arith.constant 0 : i32
    %dma_start3A_5 = tpu.memref_slice %arg9[%dma_start3A_3, %dma_start3A_4] : memref<512x32xf32, #tpu.memory_space<vmem>> -> memref<128x32xf32, #tpu.memory_space<vmem>>
    %dma_start3A_6 = arith.constant 0 : i32
    %dma_start3A_7 = tpu.memref_slice %arg7[%dma_start3A, %dma_start3A_6] : memref<80x128xi32, #tpu.memory_space<vmem>> -> memref<1x128xi32, #tpu.memory_space<vmem>>
    %dma_start3A_8 = tpu.memref_squeeze %dma_start3A_7 : memref<1x128xi32, #tpu.memory_space<vmem>> -> memref<128xi32, #tpu.memory_space<vmem>>
    %dma_start3A_9 = arith.constant 0 : i32
    %dma_start3A_10 = arith.constant 0 : i32
    %dma_start3A_11 = tpu.memref_slice %arg11[%dma_start3A_9, %dma_start3A_10] : memref<10000x32xf32, #tpu.memory_space<vmem_shared>> -> memref<10000x32xf32, #tpu.memory_space<vmem_shared>>
    tpu.enqueue_indirect_dma source(%dma_start3A_11 : memref<10000x32xf32, #tpu.memory_space<vmem_shared>>) target(%dma_start3A_5 : memref<128x32xf32, #tpu.memory_space<vmem>>) offsets(%dma_start3A_8 : memref<128xi32, #tpu.memory_space<vmem>>) semaphore(%arg13 : memref<!tpu.dma_semaphore, #tpu.memory_space<semaphore_mem>>)
    %dma_start3A_12 = arith.constant 0 : i32
    %dma_start3A_13 = arith.constant 0 : i32
    %dma_start3A_14 = arith.constant 0 : i32
    %dma_start3A_15 = tpu.memref_slice %arg10[%dma_start3A_13, %dma_start3A_14] : memref<512x64xf32, #tpu.memory_space<vmem>> -> memref<128x64xf32, #tpu.memory_space<vmem>>
    %dma_start3A_16 = arith.constant 0 : i32
    %dma_start3A_17 = tpu.memref_slice %arg8[%dma_start3A_12, %dma_start3A_16] : memref<80x128xi32, #tpu.memory_space<vmem>> -> memref<1x128xi32, #tpu.memory_space<vmem>>
    %dma_start3A_18 = tpu.memref_squeeze %dma_start3A_17 : memref<1x128xi32, #tpu.memory_space<vmem>> -> memref<128xi32, #tpu.memory_space<vmem>>
    %dma_start3A_19 = arith.constant 0 : i32
    %dma_start3A_20 = arith.constant 0 : i32
    %dma_start3A_21 = tpu.memref_slice %arg12[%dma_start3A_19, %dma_start3A_20] : memref<10000x64xf32, #tpu.memory_space<vmem_shared>> -> memref<10000x64xf32, #tpu.memory_space<vmem_shared>>
    tpu.enqueue_indirect_dma source(%dma_start3A_21 : memref<10000x64xf32, #tpu.memory_space<vmem_shared>>) target(%dma_start3A_15 : memref<128x64xf32, #tpu.memory_space<vmem>>) offsets(%dma_start3A_18 : memref<128xi32, #tpu.memory_space<vmem>>) semaphore(%arg15 : memref<!tpu.dma_semaphore, #tpu.memory_space<semaphore_mem>>)
    %dma_start3A_22 = arith.constant 1 : i32
    %dma_start3A_23 = arith.constant 128 : i32
    %dma_start3A_24 = arith.constant 0 : i32
    %dma_start3A_25 = tpu.memref_slice %arg9[%dma_start3A_23, %dma_start3A_24] : memref<512x32xf32, #tpu.memory_space<vmem>> -> memref<128x32xf32, #tpu.memory_space<vmem>>
    %dma_start3A_26 = arith.constant 0 : i32
    %dma_start3A_27 = tpu.memref_slice %arg7[%dma_start3A_22, %dma_start3A_26] : memref<80x128xi32, #tpu.memory_space<vmem>> -> memref<1x128xi32, #tpu.memory_space<vmem>>
    %dma_start3A_28 = tpu.memref_squeeze %dma_start3A_27 : memref<1x128xi32, #tpu.memory_space<vmem>> -> memref<128xi32, #tpu.memory_space<vmem>>
    %dma_start3A_29 = arith.constant 0 : i32
    %dma_start3A_30 = arith.constant 0 : i32
    %dma_start3A_31 = tpu.memref_slice %arg11[%dma_start3A_29, %dma_start3A_30] : memref<10000x32xf32, #tpu.memory_space<vmem_shared>> -> memref<10000x32xf32, #tpu.memory_space<vmem_shared>>
    tpu.enqueue_indirect_dma source(%dma_start3A_31 : memref<10000x32xf32, #tpu.memory_space<vmem_shared>>) target(%dma_start3A_25 : memref<128x32xf32, #tpu.memory_space<vmem>>) offsets(%dma_start3A_28 : memref<128xi32, #tpu.memory_space<vmem>>) semaphore(%arg13 : memref<!tpu.dma_semaphore, #tpu.memory_space<semaphore_mem>>)
    %dma_start3A_32 = arith.constant 1 : i32
    %dma_start3A_33 = arith.constant 128 : i32
    %dma_start3A_34 = arith.constant 0 : i32
    %dma_start3A_35 = tpu.memref_slice %arg10[%dma_start3A_33, %dma_start3A_34] : memref<512x64xf32, #tpu.memory_space<vmem>> -> memref<128x64xf32, #tpu.memory_space<vmem>>
    %dma_start3A_36 = arith.constant 0 : i32
    %dma_start3A_37 = tpu.memref_slice %arg8[%dma_start3A_32, %dma_start3A_36] : memref<80x128xi32, #tpu.memory_space<vmem>> -> memref<1x128xi32, #tpu.memory_space<vmem>>
    %dma_start3A_38 = tpu.memref_squeeze %dma_start3A_37 : memref<1x128xi32, #tpu.memory_space<vmem>> -> memref<128xi32, #tpu.memory_space<vmem>>
    %dma_start3A_39 = arith.constant 0 : i32
    %dma_start3A_40 = arith.constant 0 : i32
    %dma_start3A_41 = tpu.memref_slice %arg12[%dma_start3A_39, %dma_start3A_40] : memref<10000x64xf32, #tpu.memory_space<vmem_shared>> -> memref<10000x64xf32, #tpu.memory_space<vmem_shared>>
    tpu.enqueue_indirect_dma source(%dma_start3A_41 : memref<10000x64xf32, #tpu.memory_space<vmem_shared>>) target(%dma_start3A_35 : memref<128x64xf32, #tpu.memory_space<vmem>>) offsets(%dma_start3A_38 : memref<128xi32, #tpu.memory_space<vmem>>) semaphore(%arg15 : memref<!tpu.dma_semaphore, #tpu.memory_space<semaphore_mem>>)
    %scan3A = arith.constant 0 : i32
    %scan3A_42 = arith.constant 0 : i32
    %scan3A_43 = arith.constant 20 : i32
    %scan3A_44 = arith.addi %scan3A_42, %scan3A_43 : i32
    %scan3A_45 = arith.constant 1 : i32
    scf.for %scan3A_47 = %scan3A_42 to %scan3A_44 step %scan3A_45  : i32 {
      %mul3A_48 = arith.constant 2 : i32
      %mul3A_49 = arith.muli %mul3A_48, %scan3A_47 : i32
      %add3A_50 = arith.constant 1 : i32
      %add3A_51 = arith.addi %mul3A_49, %add3A_50 : i32
      %lt3A = arith.constant 40 : i32
      %lt3A_52 = arith.cmpi slt, %add3A_51, %lt3A : i32
      %convert_element_type3A = arith.extui %lt3A_52 : i1 to i32
      %cond3A = arith.constant 0 : i32
      %cond3A_53 = arith.cmpi ne, %convert_element_type3A, %cond3A : i32
      scf.if %cond3A_53 {
        %add3A_116 = arith.constant 1 : i32
        %add3A_117 = arith.addi %mul3A_49, %add3A_116 : i32
        %mul3A_118 = arith.constant 2 : i32
        %mul3A_119 = arith.muli %mul3A_118, %add3A_117 : i32
        %add3A_120 = arith.constant 0 : i32
        %add3A_121 = arith.addi %mul3A_119, %add3A_120 : i32
        %dma_start3A_122 = arith.constant 256 : i32
        %dma_start3A_123 = arith.constant 0 : i32
        %dma_start3A_124 = tpu.memref_slice %arg9[%dma_start3A_122, %dma_start3A_123] : memref<512x32xf32, #tpu.memory_space<vmem>> -> memref<128x32xf32, #tpu.memory_space<vmem>>
        %dma_start3A_125 = arith.constant 0 : i32
        %dma_start3A_126 = tpu.memref_slice %arg7[%add3A_121, %dma_start3A_125] : memref<80x128xi32, #tpu.memory_space<vmem>> -> memref<1x128xi32, #tpu.memory_space<vmem>>
        %dma_start3A_127 = tpu.memref_squeeze %dma_start3A_126 : memref<1x128xi32, #tpu.memory_space<vmem>> -> memref<128xi32, #tpu.memory_space<vmem>>
        %dma_start3A_128 = arith.constant 0 : i32
        %dma_start3A_129 = arith.constant 0 : i32
        %dma_start3A_130 = tpu.memref_slice %arg11[%dma_start3A_128, %dma_start3A_129] : memref<10000x32xf32, #tpu.memory_space<vmem_shared>> -> memref<10000x32xf32, #tpu.memory_space<vmem_shared>>
        tpu.enqueue_indirect_dma source(%dma_start3A_130 : memref<10000x32xf32, #tpu.memory_space<vmem_shared>>) target(%dma_start3A_124 : memref<128x32xf32, #tpu.memory_space<vmem>>) offsets(%dma_start3A_127 : memref<128xi32, #tpu.memory_space<vmem>>) semaphore(%arg14 : memref<!tpu.dma_semaphore, #tpu.memory_space<semaphore_mem>>)
        %dma_start3A_131 = arith.constant 256 : i32
        %dma_start3A_132 = arith.constant 0 : i32
        %dma_start3A_133 = tpu.memref_slice %arg10[%dma_start3A_131, %dma_start3A_132] : memref<512x64xf32, #tpu.memory_space<vmem>> -> memref<128x64xf32, #tpu.memory_space<vmem>>
        %dma_start3A_134 = arith.constant 0 : i32
        %dma_start3A_135 = tpu.memref_slice %arg8[%add3A_121, %dma_start3A_134] : memref<80x128xi32, #tpu.memory_space<vmem>> -> memref<1x128xi32, #tpu.memory_space<vmem>>
        %dma_start3A_136 = tpu.memref_squeeze %dma_start3A_135 : memref<1x128xi32, #tpu.memory_space<vmem>> -> memref<128xi32, #tpu.memory_space<vmem>>
        %dma_start3A_137 = arith.constant 0 : i32
        %dma_start3A_138 = arith.constant 0 : i32
        %dma_start3A_139 = tpu.memref_slice %arg12[%dma_start3A_137, %dma_start3A_138] : memref<10000x64xf32, #tpu.memory_space<vmem_shared>> -> memref<10000x64xf32, #tpu.memory_space<vmem_shared>>
        tpu.enqueue_indirect_dma source(%dma_start3A_139 : memref<10000x64xf32, #tpu.memory_space<vmem_shared>>) target(%dma_start3A_133 : memref<128x64xf32, #tpu.memory_space<vmem>>) offsets(%dma_start3A_136 : memref<128xi32, #tpu.memory_space<vmem>>) semaphore(%arg16 : memref<!tpu.dma_semaphore, #tpu.memory_space<semaphore_mem>>)
        %mul3A_140 = arith.constant 2 : i32
        %mul3A_141 = arith.muli %mul3A_140, %add3A_117 : i32
        %add3A_142 = arith.constant 1 : i32
        %add3A_143 = arith.addi %mul3A_141, %add3A_142 : i32
        %dma_start3A_144 = arith.constant 384 : i32
        %dma_start3A_145 = arith.constant 0 : i32
        %dma_start3A_146 = tpu.memref_slice %arg9[%dma_start3A_144, %dma_start3A_145] : memref<512x32xf32, #tpu.memory_space<vmem>> -> memref<128x32xf32, #tpu.memory_space<vmem>>
        %dma_start3A_147 = arith.constant 0 : i32
        %dma_start3A_148 = tpu.memref_slice %arg7[%add3A_143, %dma_start3A_147] : memref<80x128xi32, #tpu.memory_space<vmem>> -> memref<1x128xi32, #tpu.memory_space<vmem>>
        %dma_start3A_149 = tpu.memref_squeeze %dma_start3A_148 : memref<1x128xi32, #tpu.memory_space<vmem>> -> memref<128xi32, #tpu.memory_space<vmem>>
        %dma_start3A_150 = arith.constant 0 : i32
        %dma_start3A_151 = arith.constant 0 : i32
        %dma_start3A_152 = tpu.memref_slice %arg11[%dma_start3A_150, %dma_start3A_151] : memref<10000x32xf32, #tpu.memory_space<vmem_shared>> -> memref<10000x32xf32, #tpu.memory_space<vmem_shared>>
        tpu.enqueue_indirect_dma source(%dma_start3A_152 : memref<10000x32xf32, #tpu.memory_space<vmem_shared>>) target(%dma_start3A_146 : memref<128x32xf32, #tpu.memory_space<vmem>>) offsets(%dma_start3A_149 : memref<128xi32, #tpu.memory_space<vmem>>) semaphore(%arg14 : memref<!tpu.dma_semaphore, #tpu.memory_space<semaphore_mem>>)
        %dma_start3A_153 = arith.constant 384 : i32
        %dma_start3A_154 = arith.constant 0 : i32
        %dma_start3A_155 = tpu.memref_slice %arg10[%dma_start3A_153, %dma_start3A_154] : memref<512x64xf32, #tpu.memory_space<vmem>> -> memref<128x64xf32, #tpu.memory_space<vmem>>
        %dma_start3A_156 = arith.constant 0 : i32
        %dma_start3A_157 = tpu.memref_slice %arg8[%add3A_143, %dma_start3A_156] : memref<80x128xi32, #tpu.memory_space<vmem>> -> memref<1x128xi32, #tpu.memory_space<vmem>>
        %dma_start3A_158 = tpu.memref_squeeze %dma_start3A_157 : memref<1x128xi32, #tpu.memory_space<vmem>> -> memref<128xi32, #tpu.memory_space<vmem>>
        %dma_start3A_159 = arith.constant 0 : i32
        %dma_start3A_160 = arith.constant 0 : i32
        %dma_start3A_161 = tpu.memref_slice %arg12[%dma_start3A_159, %dma_start3A_160] : memref<10000x64xf32, #tpu.memory_space<vmem_shared>> -> memref<10000x64xf32, #tpu.memory_space<vmem_shared>>
        tpu.enqueue_indirect_dma source(%dma_start3A_161 : memref<10000x64xf32, #tpu.memory_space<vmem_shared>>) target(%dma_start3A_155 : memref<128x64xf32, #tpu.memory_space<vmem>>) offsets(%dma_start3A_158 : memref<128xi32, #tpu.memory_space<vmem>>) semaphore(%arg16 : memref<!tpu.dma_semaphore, #tpu.memory_space<semaphore_mem>>)
      } else {
      }
      %mul3A_54 = arith.constant 2 : i32
      %mul3A_55 = arith.muli %mul3A_54, %mul3A_49 : i32
      %add3A_56 = arith.constant 0 : i32
      %add3A_57 = arith.addi %mul3A_55, %add3A_56 : i32
      %dma_wait3A = arith.constant 0 : i32
      %dma_wait3A_58 = arith.constant 0 : i32
      %dma_wait3A_59 = tpu.memref_slice %arg9[%dma_wait3A, %dma_wait3A_58] : memref<512x32xf32, #tpu.memory_space<vmem>> -> memref<128x32xf32, #tpu.memory_space<vmem>>
      %dma_wait3A_60 = arith.constant 0 : i32
      %dma_wait3A_61 = tpu.memref_slice %arg7[%add3A_57, %dma_wait3A_60] : memref<80x128xi32, #tpu.memory_space<vmem>> -> memref<1x128xi32, #tpu.memory_space<vmem>>
      %dma_wait3A_62 = tpu.memref_squeeze %dma_wait3A_61 : memref<1x128xi32, #tpu.memory_space<vmem>> -> memref<128xi32, #tpu.memory_space<vmem>>
      %dma_wait3A_63 = arith.constant 0 : i32
      %dma_wait3A_64 = arith.constant 0 : i32
      %dma_wait3A_65 = tpu.memref_slice %arg11[%dma_wait3A_63, %dma_wait3A_64] : memref<10000x32xf32, #tpu.memory_space<vmem_shared>> -> memref<10000x32xf32, #tpu.memory_space<vmem_shared>>
      tpu.wait_indirect_dma semaphore(%arg13 : memref<!tpu.dma_semaphore, #tpu.memory_space<semaphore_mem>>) src(%dma_wait3A_65 : memref<10000x32xf32, #tpu.memory_space<vmem_shared>>) dst(%dma_wait3A_59 : memref<128x32xf32, #tpu.memory_space<vmem>>)
      %dma_wait3A_66 = arith.constant 0 : i32
      %dma_wait3A_67 = arith.constant 0 : i32
      %dma_wait3A_68 = tpu.memref_slice %arg10[%dma_wait3A_66, %dma_wait3A_67] : memref<512x64xf32, #tpu.memory_space<vmem>> -> memref<128x64xf32, #tpu.memory_space<vmem>>
      %dma_wait3A_69 = arith.constant 0 : i32
      %dma_wait3A_70 = tpu.memref_slice %arg8[%add3A_57, %dma_wait3A_69] : memref<80x128xi32, #tpu.memory_space<vmem>> -> memref<1x128xi32, #tpu.memory_space<vmem>>
      %dma_wait3A_71 = tpu.memref_squeeze %dma_wait3A_70 : memref<1x128xi32, #tpu.memory_space<vmem>> -> memref<128xi32, #tpu.memory_space<vmem>>
      %dma_wait3A_72 = arith.constant 0 : i32
      %dma_wait3A_73 = arith.constant 0 : i32
      %dma_wait3A_74 = tpu.memref_slice %arg12[%dma_wait3A_72, %dma_wait3A_73] : memref<10000x64xf32, #tpu.memory_space<vmem_shared>> -> memref<10000x64xf32, #tpu.memory_space<vmem_shared>>
      tpu.wait_indirect_dma semaphore(%arg15 : memref<!tpu.dma_semaphore, #tpu.memory_space<semaphore_mem>>) src(%dma_wait3A_74 : memref<10000x64xf32, #tpu.memory_space<vmem_shared>>) dst(%dma_wait3A_68 : memref<128x64xf32, #tpu.memory_space<vmem>>)
      %mul3A_75 = arith.constant 2 : i32
      %mul3A_76 = arith.muli %mul3A_75, %mul3A_49 : i32
      %add3A_77 = arith.constant 1 : i32
      %add3A_78 = arith.addi %mul3A_76, %add3A_77 : i32
      %dma_wait3A_79 = arith.constant 128 : i32
      %dma_wait3A_80 = arith.constant 0 : i32
      %dma_wait3A_81 = tpu.memref_slice %arg9[%dma_wait3A_79, %dma_wait3A_80] : memref<512x32xf32, #tpu.memory_space<vmem>> -> memref<128x32xf32, #tpu.memory_space<vmem>>
      %dma_wait3A_82 = arith.constant 0 : i32
      %dma_wait3A_83 = tpu.memref_slice %arg7[%add3A_78, %dma_wait3A_82] : memref<80x128xi32, #tpu.memory_space<vmem>> -> memref<1x128xi32, #tpu.memory_space<vmem>>
      %dma_wait3A_84 = tpu.memref_squeeze %dma_wait3A_83 : memref<1x128xi32, #tpu.memory_space<vmem>> -> memref<128xi32, #tpu.memory_space<vmem>>
      %dma_wait3A_85 = arith.constant 0 : i32
      %dma_wait3A_86 = arith.constant 0 : i32
      %dma_wait3A_87 = tpu.memref_slice %arg11[%dma_wait3A_85, %dma_wait3A_86] : memref<10000x32xf32, #tpu.memory_space<vmem_shared>> -> memref<10000x32xf32, #tpu.memory_space<vmem_shared>>
      tpu.wait_indirect_dma semaphore(%arg13 : memref<!tpu.dma_semaphore, #tpu.memory_space<semaphore_mem>>) src(%dma_wait3A_87 : memref<10000x32xf32, #tpu.memory_space<vmem_shared>>) dst(%dma_wait3A_81 : memref<128x32xf32, #tpu.memory_space<vmem>>)
      %dma_wait3A_88 = arith.constant 128 : i32
      %dma_wait3A_89 = arith.constant 0 : i32
      %dma_wait3A_90 = tpu.memref_slice %arg10[%dma_wait3A_88, %dma_wait3A_89] : memref<512x64xf32, #tpu.memory_space<vmem>> -> memref<128x64xf32, #tpu.memory_space<vmem>>
      %dma_wait3A_91 = arith.constant 0 : i32
      %dma_wait3A_92 = tpu.memref_slice %arg8[%add3A_78, %dma_wait3A_91] : memref<80x128xi32, #tpu.memory_space<vmem>> -> memref<1x128xi32, #tpu.memory_space<vmem>>
      %dma_wait3A_93 = tpu.memref_squeeze %dma_wait3A_92 : memref<1x128xi32, #tpu.memory_space<vmem>> -> memref<128xi32, #tpu.memory_space<vmem>>
      %dma_wait3A_94 = arith.constant 0 : i32
      %dma_wait3A_95 = arith.constant 0 : i32
      %dma_wait3A_96 = tpu.memref_slice %arg12[%dma_wait3A_94, %dma_wait3A_95] : memref<10000x64xf32, #tpu.memory_space<vmem_shared>> -> memref<10000x64xf32, #tpu.memory_space<vmem_shared>>
      tpu.wait_indirect_dma semaphore(%arg15 : memref<!tpu.dma_semaphore, #tpu.memory_space<semaphore_mem>>) src(%dma_wait3A_96 : memref<10000x64xf32, #tpu.memory_space<vmem_shared>>) dst(%dma_wait3A_90 : memref<128x64xf32, #tpu.memory_space<vmem>>)
      %mul3A_97 = arith.constant 10240 : i32
      %mul3A_98 = arith.muli %add3A, %mul3A_97 : i32
      %mul3A_99 = arith.constant 256 : i32
      %mul3A_100 = arith.muli %mul3A_49, %mul3A_99 : i32
      %add3A_101 = arith.addi %mul3A_98, %mul3A_100 : i32
      "tpu.region"() ({
        %run_scoped3A = tpu.sem_alloc : memref<!tpu.dma_semaphore, #tpu.memory_space<semaphore_mem>>
        %dma_start3A_116 = arith.constant 0 : i32
        %dma_start3A_117 = arith.constant 0 : i32
        %dma_start3A_118 = tpu.memref_slice %arg9[%dma_start3A_116, %dma_start3A_117] : memref<512x32xf32, #tpu.memory_space<vmem>> -> memref<256x32xf32, #tpu.memory_space<vmem>>
        %dma_start3A_119 = arith.constant 0 : i32
        %dma_start3A_120 = tpu.memref_slice %arg6[%add3A_101, %dma_start3A_119] : memref<327680x128xf32, #tpu.memory_space<hbm>> -> memref<256x32xf32, #tpu.memory_space<hbm>>
        %dma_start3A_121 = arith.constant 0 : i32
        %dma_start3A_122 = tpu.memref_slice %arg6[%add3A_101, %dma_start3A_121] : memref<327680x128xf32, #tpu.memory_space<hbm>> -> memref<256x32xf32, #tpu.memory_space<hbm>>
        %dma_start3A_123 = arith.constant 0 : i32
        %dma_start3A_124 = arith.constant 0 : i32
        %dma_start3A_125 = tpu.memref_slice %arg9[%dma_start3A_123, %dma_start3A_124] : memref<512x32xf32, #tpu.memory_space<vmem>> -> memref<256x32xf32, #tpu.memory_space<vmem>>
        tpu.enqueue_dma source(%dma_start3A_125 : memref<256x32xf32, #tpu.memory_space<vmem>>) target(%dma_start3A_122 : memref<256x32xf32, #tpu.memory_space<hbm>>) target_semaphore(%run_scoped3A : memref<!tpu.dma_semaphore, #tpu.memory_space<semaphore_mem>>)
        %dma_wait3A_126 = arith.constant 0 : i32
        %dma_wait3A_127 = arith.constant 0 : i32
        %dma_wait3A_128 = tpu.memref_slice %arg9[%dma_wait3A_126, %dma_wait3A_127] : memref<512x32xf32, #tpu.memory_space<vmem>> -> memref<256x32xf32, #tpu.memory_space<vmem>>
        %dma_wait3A_129 = arith.constant 0 : i32
        %dma_wait3A_130 = tpu.memref_slice %arg6[%add3A_101, %dma_wait3A_129] : memref<327680x128xf32, #tpu.memory_space<hbm>> -> memref<256x32xf32, #tpu.memory_space<hbm>>
        %dma_wait3A_131 = arith.constant 0 : i32
        %dma_wait3A_132 = tpu.memref_slice %arg6[%add3A_101, %dma_wait3A_131] : memref<327680x128xf32, #tpu.memory_space<hbm>> -> memref<256x32xf32, #tpu.memory_space<hbm>>
        %dma_wait3A_133 = arith.constant 0 : i32
        %dma_wait3A_134 = arith.constant 0 : i32
        %dma_wait3A_135 = tpu.memref_slice %arg9[%dma_wait3A_133, %dma_wait3A_134] : memref<512x32xf32, #tpu.memory_space<vmem>> -> memref<256x32xf32, #tpu.memory_space<vmem>>
        tpu.wait_dma2 semaphore(%run_scoped3A : memref<!tpu.dma_semaphore, #tpu.memory_space<semaphore_mem>>) src(%dma_wait3A_135 : memref<256x32xf32, #tpu.memory_space<vmem>>) dst(%dma_wait3A_132 : memref<256x32xf32, #tpu.memory_space<hbm>>)
        tpu.yield
      }) : () -> ()
      "tpu.region"() ({
        %run_scoped3A = tpu.sem_alloc : memref<!tpu.dma_semaphore, #tpu.memory_space<semaphore_mem>>
        %dma_start3A_116 = arith.constant 0 : i32
        %dma_start3A_117 = arith.constant 0 : i32
        %dma_start3A_118 = tpu.memref_slice %arg10[%dma_start3A_116, %dma_start3A_117] : memref<512x64xf32, #tpu.memory_space<vmem>> -> memref<256x64xf32, #tpu.memory_space<vmem>>
        %dma_start3A_119 = arith.constant 32 : i32
        %dma_start3A_120 = tpu.memref_slice %arg6[%add3A_101, %dma_start3A_119] : memref<327680x128xf32, #tpu.memory_space<hbm>> -> memref<256x64xf32, #tpu.memory_space<hbm>>
        %dma_start3A_121 = arith.constant 32 : i32
        %dma_start3A_122 = tpu.memref_slice %arg6[%add3A_101, %dma_start3A_121] : memref<327680x128xf32, #tpu.memory_space<hbm>> -> memref<256x64xf32, #tpu.memory_space<hbm>>
        %dma_start3A_123 = arith.constant 0 : i32
        %dma_start3A_124 = arith.constant 0 : i32
        %dma_start3A_125 = tpu.memref_slice %arg10[%dma_start3A_123, %dma_start3A_124] : memref<512x64xf32, #tpu.memory_space<vmem>> -> memref<256x64xf32, #tpu.memory_space<vmem>>
        tpu.enqueue_dma source(%dma_start3A_125 : memref<256x64xf32, #tpu.memory_space<vmem>>) target(%dma_start3A_122 : memref<256x64xf32, #tpu.memory_space<hbm>>) target_semaphore(%run_scoped3A : memref<!tpu.dma_semaphore, #tpu.memory_space<semaphore_mem>>)
        %dma_wait3A_126 = arith.constant 0 : i32
        %dma_wait3A_127 = arith.constant 0 : i32
        %dma_wait3A_128 = tpu.memref_slice %arg10[%dma_wait3A_126, %dma_wait3A_127] : memref<512x64xf32, #tpu.memory_space<vmem>> -> memref<256x64xf32, #tpu.memory_space<vmem>>
        %dma_wait3A_129 = arith.constant 32 : i32
        %dma_wait3A_130 = tpu.memref_slice %arg6[%add3A_101, %dma_wait3A_129] : memref<327680x128xf32, #tpu.memory_space<hbm>> -> memref<256x64xf32, #tpu.memory_space<hbm>>
        %dma_wait3A_131 = arith.constant 32 : i32
        %dma_wait3A_132 = tpu.memref_slice %arg6[%add3A_101, %dma_wait3A_131] : memref<327680x128xf32, #tpu.memory_space<hbm>> -> memref<256x64xf32, #tpu.memory_space<hbm>>
        %dma_wait3A_133 = arith.constant 0 : i32
        %dma_wait3A_134 = arith.constant 0 : i32
        %dma_wait3A_135 = tpu.memref_slice %arg10[%dma_wait3A_133, %dma_wait3A_134] : memref<512x64xf32, #tpu.memory_space<vmem>> -> memref<256x64xf32, #tpu.memory_space<vmem>>
        tpu.wait_dma2 semaphore(%run_scoped3A : memref<!tpu.dma_semaphore, #tpu.memory_space<semaphore_mem>>) src(%dma_wait3A_135 : memref<256x64xf32, #tpu.memory_space<vmem>>) dst(%dma_wait3A_132 : memref<256x64xf32, #tpu.memory_space<hbm>>)
        tpu.yield
      }) : () -> ()
      %add3A_102 = arith.constant 2 : i32
      %add3A_103 = arith.addi %mul3A_49, %add3A_102 : i32
      %lt3A_104 = arith.constant 40 : i32
      %lt3A_105 = arith.cmpi slt, %add3A_103, %lt3A_104 : i32
      %convert_element_type3A_106 = arith.extui %lt3A_105 : i1 to i32
      %cond3A_107 = arith.constant 0 : i32
      %cond3A_108 = arith.cmpi ne, %convert_element_type3A_106, %cond3A_107 : i32
      scf.if %cond3A_108 {
        %add3A_116 = arith.constant 2 : i32
        %add3A_117 = arith.addi %mul3A_49, %add3A_116 : i32
        %mul3A_118 = arith.constant 2 : i32
        %mul3A_119 = arith.muli %mul3A_118, %add3A_117 : i32
        %add3A_120 = arith.constant 0 : i32
        %add3A_121 = arith.addi %mul3A_119, %add3A_120 : i32
        %dma_start3A_122 = arith.constant 0 : i32
        %dma_start3A_123 = arith.constant 0 : i32
        %dma_start3A_124 = tpu.memref_slice %arg9[%dma_start3A_122, %dma_start3A_123] : memref<512x32xf32, #tpu.memory_space<vmem>> -> memref<128x32xf32, #tpu.memory_space<vmem>>
        %dma_start3A_125 = arith.constant 0 : i32
        %dma_start3A_126 = tpu.memref_slice %arg7[%add3A_121, %dma_start3A_125] : memref<80x128xi32, #tpu.memory_space<vmem>> -> memref<1x128xi32, #tpu.memory_space<vmem>>
        %dma_start3A_127 = tpu.memref_squeeze %dma_start3A_126 : memref<1x128xi32, #tpu.memory_space<vmem>> -> memref<128xi32, #tpu.memory_space<vmem>>
        %dma_start3A_128 = arith.constant 0 : i32
        %dma_start3A_129 = arith.constant 0 : i32
        %dma_start3A_130 = tpu.memref_slice %arg11[%dma_start3A_128, %dma_start3A_129] : memref<10000x32xf32, #tpu.memory_space<vmem_shared>> -> memref<10000x32xf32, #tpu.memory_space<vmem_shared>>
        tpu.enqueue_indirect_dma source(%dma_start3A_130 : memref<10000x32xf32, #tpu.memory_space<vmem_shared>>) target(%dma_start3A_124 : memref<128x32xf32, #tpu.memory_space<vmem>>) offsets(%dma_start3A_127 : memref<128xi32, #tpu.memory_space<vmem>>) semaphore(%arg13 : memref<!tpu.dma_semaphore, #tpu.memory_space<semaphore_mem>>)
        %dma_start3A_131 = arith.constant 0 : i32
        %dma_start3A_132 = arith.constant 0 : i32
        %dma_start3A_133 = tpu.memref_slice %arg10[%dma_start3A_131, %dma_start3A_132] : memref<512x64xf32, #tpu.memory_space<vmem>> -> memref<128x64xf32, #tpu.memory_space<vmem>>
        %dma_start3A_134 = arith.constant 0 : i32
        %dma_start3A_135 = tpu.memref_slice %arg8[%add3A_121, %dma_start3A_134] : memref<80x128xi32, #tpu.memory_space<vmem>> -> memref<1x128xi32, #tpu.memory_space<vmem>>
        %dma_start3A_136 = tpu.memref_squeeze %dma_start3A_135 : memref<1x128xi32, #tpu.memory_space<vmem>> -> memref<128xi32, #tpu.memory_space<vmem>>
        %dma_start3A_137 = arith.constant 0 : i32
        %dma_start3A_138 = arith.constant 0 : i32
        %dma_start3A_139 = tpu.memref_slice %arg12[%dma_start3A_137, %dma_start3A_138] : memref<10000x64xf32, #tpu.memory_space<vmem_shared>> -> memref<10000x64xf32, #tpu.memory_space<vmem_shared>>
        tpu.enqueue_indirect_dma source(%dma_start3A_139 : memref<10000x64xf32, #tpu.memory_space<vmem_shared>>) target(%dma_start3A_133 : memref<128x64xf32, #tpu.memory_space<vmem>>) offsets(%dma_start3A_136 : memref<128xi32, #tpu.memory_space<vmem>>) semaphore(%arg15 : memref<!tpu.dma_semaphore, #tpu.memory_space<semaphore_mem>>)
        %mul3A_140 = arith.constant 2 : i32
        %mul3A_141 = arith.muli %mul3A_140, %add3A_117 : i32
        %add3A_142 = arith.constant 1 : i32
        %add3A_143 = arith.addi %mul3A_141, %add3A_142 : i32
        %dma_start3A_144 = arith.constant 128 : i32
        %dma_start3A_145 = arith.constant 0 : i32
        %dma_start3A_146 = tpu.memref_slice %arg9[%dma_start3A_144, %dma_start3A_145] : memref<512x32xf32, #tpu.memory_space<vmem>> -> memref<128x32xf32, #tpu.memory_space<vmem>>
        %dma_start3A_147 = arith.constant 0 : i32
        %dma_start3A_148 = tpu.memref_slice %arg7[%add3A_143, %dma_start3A_147] : memref<80x128xi32, #tpu.memory_space<vmem>> -> memref<1x128xi32, #tpu.memory_space<vmem>>
        %dma_start3A_149 = tpu.memref_squeeze %dma_start3A_148 : memref<1x128xi32, #tpu.memory_space<vmem>> -> memref<128xi32, #tpu.memory_space<vmem>>
        %dma_start3A_150 = arith.constant 0 : i32
        %dma_start3A_151 = arith.constant 0 : i32
        %dma_start3A_152 = tpu.memref_slice %arg11[%dma_start3A_150, %dma_start3A_151] : memref<10000x32xf32, #tpu.memory_space<vmem_shared>> -> memref<10000x32xf32, #tpu.memory_space<vmem_shared>>
        tpu.enqueue_indirect_dma source(%dma_start3A_152 : memref<10000x32xf32, #tpu.memory_space<vmem_shared>>) target(%dma_start3A_146 : memref<128x32xf32, #tpu.memory_space<vmem>>) offsets(%dma_start3A_149 : memref<128xi32, #tpu.memory_space<vmem>>) semaphore(%arg13 : memref<!tpu.dma_semaphore, #tpu.memory_space<semaphore_mem>>)
        %dma_start3A_153 = arith.constant 128 : i32
        %dma_start3A_154 = arith.constant 0 : i32
        %dma_start3A_155 = tpu.memref_slice %arg10[%dma_start3A_153, %dma_start3A_154] : memref<512x64xf32, #tpu.memory_space<vmem>> -> memref<128x64xf32, #tpu.memory_space<vmem>>
        %dma_start3A_156 = arith.constant 0 : i32
        %dma_start3A_157 = tpu.memref_slice %arg8[%add3A_143, %dma_start3A_156] : memref<80x128xi32, #tpu.memory_space<vmem>> -> memref<1x128xi32, #tpu.memory_space<vmem>>
        %dma_start3A_158 = tpu.memref_squeeze %dma_start3A_157 : memref<1x128xi32, #tpu.memory_space<vmem>> -> memref<128xi32, #tpu.memory_space<vmem>>
        %dma_start3A_159 = arith.constant 0 : i32
        %dma_start3A_160 = arith.constant 0 : i32
        %dma_start3A_161 = tpu.memref_slice %arg12[%dma_start3A_159, %dma_start3A_160] : memref<10000x64xf32, #tpu.memory_space<vmem_shared>> -> memref<10000x64xf32, #tpu.memory_space<vmem_shared>>
        tpu.enqueue_indirect_dma source(%dma_start3A_161 : memref<10000x64xf32, #tpu.memory_space<vmem_shared>>) target(%dma_start3A_155 : memref<128x64xf32, #tpu.memory_space<vmem>>) offsets(%dma_start3A_158 : memref<128xi32, #tpu.memory_space<vmem>>) semaphore(%arg15 : memref<!tpu.dma_semaphore, #tpu.memory_space<semaphore_mem>>)
      } else {
      }
      %add3A_109 = arith.constant 1 : i32
      %add3A_110 = arith.addi %mul3A_49, %add3A_109 : i32
      %lt3A_111 = arith.constant 40 : i32
      %lt3A_112 = arith.cmpi slt, %add3A_110, %lt3A_111 : i32
      %convert_element_type3A_113 = arith.extui %lt3A_112 : i1 to i32
      %cond3A_114 = arith.constant 0 : i32
      %cond3A_115 = arith.cmpi ne, %convert_element_type3A_113, %cond3A_114 : i32
      scf.if %cond3A_115 {
        %add3A_116 = arith.constant 1 : i32
        %add3A_117 = arith.addi %mul3A_49, %add3A_116 : i32
        %mul3A_118 = arith.constant 2 : i32
        %mul3A_119 = arith.muli %mul3A_118, %add3A_117 : i32
        %add3A_120 = arith.constant 0 : i32
        %add3A_121 = arith.addi %mul3A_119, %add3A_120 : i32
        %dma_wait3A_122 = arith.constant 256 : i32
        %dma_wait3A_123 = arith.constant 0 : i32
        %dma_wait3A_124 = tpu.memref_slice %arg9[%dma_wait3A_122, %dma_wait3A_123] : memref<512x32xf32, #tpu.memory_space<vmem>> -> memref<128x32xf32, #tpu.memory_space<vmem>>
        %dma_wait3A_125 = arith.constant 0 : i32
        %dma_wait3A_126 = tpu.memref_slice %arg7[%add3A_121, %dma_wait3A_125] : memref<80x128xi32, #tpu.memory_space<vmem>> -> memref<1x128xi32, #tpu.memory_space<vmem>>
        %dma_wait3A_127 = tpu.memref_squeeze %dma_wait3A_126 : memref<1x128xi32, #tpu.memory_space<vmem>> -> memref<128xi32, #tpu.memory_space<vmem>>
        %dma_wait3A_128 = arith.constant 0 : i32
        %dma_wait3A_129 = arith.constant 0 : i32
        %dma_wait3A_130 = tpu.memref_slice %arg11[%dma_wait3A_128, %dma_wait3A_129] : memref<10000x32xf32, #tpu.memory_space<vmem_shared>> -> memref<10000x32xf32, #tpu.memory_space<vmem_shared>>
        tpu.wait_indirect_dma semaphore(%arg14 : memref<!tpu.dma_semaphore, #tpu.memory_space<semaphore_mem>>) src(%dma_wait3A_130 : memref<10000x32xf32, #tpu.memory_space<vmem_shared>>) dst(%dma_wait3A_124 : memref<128x32xf32, #tpu.memory_space<vmem>>)
        %dma_wait3A_131 = arith.constant 256 : i32
        %dma_wait3A_132 = arith.constant 0 : i32
        %dma_wait3A_133 = tpu.memref_slice %arg10[%dma_wait3A_131, %dma_wait3A_132] : memref<512x64xf32, #tpu.memory_space<vmem>> -> memref<128x64xf32, #tpu.memory_space<vmem>>
        %dma_wait3A_134 = arith.constant 0 : i32
        %dma_wait3A_135 = tpu.memref_slice %arg8[%add3A_121, %dma_wait3A_134] : memref<80x128xi32, #tpu.memory_space<vmem>> -> memref<1x128xi32, #tpu.memory_space<vmem>>
        %dma_wait3A_136 = tpu.memref_squeeze %dma_wait3A_135 : memref<1x128xi32, #tpu.memory_space<vmem>> -> memref<128xi32, #tpu.memory_space<vmem>>
        %dma_wait3A_137 = arith.constant 0 : i32
        %dma_wait3A_138 = arith.constant 0 : i32
        %dma_wait3A_139 = tpu.memref_slice %arg12[%dma_wait3A_137, %dma_wait3A_138] : memref<10000x64xf32, #tpu.memory_space<vmem_shared>> -> memref<10000x64xf32, #tpu.memory_space<vmem_shared>>
        tpu.wait_indirect_dma semaphore(%arg16 : memref<!tpu.dma_semaphore, #tpu.memory_space<semaphore_mem>>) src(%dma_wait3A_139 : memref<10000x64xf32, #tpu.memory_space<vmem_shared>>) dst(%dma_wait3A_133 : memref<128x64xf32, #tpu.memory_space<vmem>>)
        %mul3A_140 = arith.constant 2 : i32
        %mul3A_141 = arith.muli %mul3A_140, %add3A_117 : i32
        %add3A_142 = arith.constant 1 : i32
        %add3A_143 = arith.addi %mul3A_141, %add3A_142 : i32
        %dma_wait3A_144 = arith.constant 384 : i32
        %dma_wait3A_145 = arith.constant 0 : i32
        %dma_wait3A_146 = tpu.memref_slice %arg9[%dma_wait3A_144, %dma_wait3A_145] : memref<512x32xf32, #tpu.memory_space<vmem>> -> memref<128x32xf32, #tpu.memory_space<vmem>>
        %dma_wait3A_147 = arith.constant 0 : i32
        %dma_wait3A_148 = tpu.memref_slice %arg7[%add3A_143, %dma_wait3A_147] : memref<80x128xi32, #tpu.memory_space<vmem>> -> memref<1x128xi32, #tpu.memory_space<vmem>>
        %dma_wait3A_149 = tpu.memref_squeeze %dma_wait3A_148 : memref<1x128xi32, #tpu.memory_space<vmem>> -> memref<128xi32, #tpu.memory_space<vmem>>
        %dma_wait3A_150 = arith.constant 0 : i32
        %dma_wait3A_151 = arith.constant 0 : i32
        %dma_wait3A_152 = tpu.memref_slice %arg11[%dma_wait3A_150, %dma_wait3A_151] : memref<10000x32xf32, #tpu.memory_space<vmem_shared>> -> memref<10000x32xf32, #tpu.memory_space<vmem_shared>>
        tpu.wait_indirect_dma semaphore(%arg14 : memref<!tpu.dma_semaphore, #tpu.memory_space<semaphore_mem>>) src(%dma_wait3A_152 : memref<10000x32xf32, #tpu.memory_space<vmem_shared>>) dst(%dma_wait3A_146 : memref<128x32xf32, #tpu.memory_space<vmem>>)
        %dma_wait3A_153 = arith.constant 384 : i32
        %dma_wait3A_154 = arith.constant 0 : i32
        %dma_wait3A_155 = tpu.memref_slice %arg10[%dma_wait3A_153, %dma_wait3A_154] : memref<512x64xf32, #tpu.memory_space<vmem>> -> memref<128x64xf32, #tpu.memory_space<vmem>>
        %dma_wait3A_156 = arith.constant 0 : i32
        %dma_wait3A_157 = tpu.memref_slice %arg8[%add3A_143, %dma_wait3A_156] : memref<80x128xi32, #tpu.memory_space<vmem>> -> memref<1x128xi32, #tpu.memory_space<vmem>>
        %dma_wait3A_158 = tpu.memref_squeeze %dma_wait3A_157 : memref<1x128xi32, #tpu.memory_space<vmem>> -> memref<128xi32, #tpu.memory_space<vmem>>
        %dma_wait3A_159 = arith.constant 0 : i32
        %dma_wait3A_160 = arith.constant 0 : i32
        %dma_wait3A_161 = tpu.memref_slice %arg12[%dma_wait3A_159, %dma_wait3A_160] : memref<10000x64xf32, #tpu.memory_space<vmem_shared>> -> memref<10000x64xf32, #tpu.memory_space<vmem_shared>>
        tpu.wait_indirect_dma semaphore(%arg16 : memref<!tpu.dma_semaphore, #tpu.memory_space<semaphore_mem>>) src(%dma_wait3A_161 : memref<10000x64xf32, #tpu.memory_space<vmem_shared>>) dst(%dma_wait3A_155 : memref<128x64xf32, #tpu.memory_space<vmem>>)
        %mul3A_162 = arith.constant 10240 : i32
        %mul3A_163 = arith.muli %add3A, %mul3A_162 : i32
        %mul3A_164 = arith.constant 256 : i32
        %mul3A_165 = arith.muli %add3A_117, %mul3A_164 : i32
        %add3A_166 = arith.addi %mul3A_163, %mul3A_165 : i32
        "tpu.region"() ({
          %run_scoped3A = tpu.sem_alloc : memref<!tpu.dma_semaphore, #tpu.memory_space<semaphore_mem>>
          %dma_start3A_167 = arith.constant 256 : i32
          %dma_start3A_168 = arith.constant 0 : i32
          %dma_start3A_169 = tpu.memref_slice %arg9[%dma_start3A_167, %dma_start3A_168] : memref<512x32xf32, #tpu.memory_space<vmem>> -> memref<256x32xf32, #tpu.memory_space<vmem>>
          %dma_start3A_170 = arith.constant 0 : i32
          %dma_start3A_171 = tpu.memref_slice %arg6[%add3A_166, %dma_start3A_170] : memref<327680x128xf32, #tpu.memory_space<hbm>> -> memref<256x32xf32, #tpu.memory_space<hbm>>
          %dma_start3A_172 = arith.constant 0 : i32
          %dma_start3A_173 = tpu.memref_slice %arg6[%add3A_166, %dma_start3A_172] : memref<327680x128xf32, #tpu.memory_space<hbm>> -> memref<256x32xf32, #tpu.memory_space<hbm>>
          %dma_start3A_174 = arith.constant 256 : i32
          %dma_start3A_175 = arith.constant 0 : i32
          %dma_start3A_176 = tpu.memref_slice %arg9[%dma_start3A_174, %dma_start3A_175] : memref<512x32xf32, #tpu.memory_space<vmem>> -> memref<256x32xf32, #tpu.memory_space<vmem>>
          tpu.enqueue_dma source(%dma_start3A_176 : memref<256x32xf32, #tpu.memory_space<vmem>>) target(%dma_start3A_173 : memref<256x32xf32, #tpu.memory_space<hbm>>) target_semaphore(%run_scoped3A : memref<!tpu.dma_semaphore, #tpu.memory_space<semaphore_mem>>)
          %dma_wait3A_177 = arith.constant 256 : i32
          %dma_wait3A_178 = arith.constant 0 : i32
          %dma_wait3A_179 = tpu.memref_slice %arg9[%dma_wait3A_177, %dma_wait3A_178] : memref<512x32xf32, #tpu.memory_space<vmem>> -> memref<256x32xf32, #tpu.memory_space<vmem>>
          %dma_wait3A_180 = arith.constant 0 : i32
          %dma_wait3A_181 = tpu.memref_slice %arg6[%add3A_166, %dma_wait3A_180] : memref<327680x128xf32, #tpu.memory_space<hbm>> -> memref<256x32xf32, #tpu.memory_space<hbm>>
          %dma_wait3A_182 = arith.constant 0 : i32
          %dma_wait3A_183 = tpu.memref_slice %arg6[%add3A_166, %dma_wait3A_182] : memref<327680x128xf32, #tpu.memory_space<hbm>> -> memref<256x32xf32, #tpu.memory_space<hbm>>
          %dma_wait3A_184 = arith.constant 256 : i32
          %dma_wait3A_185 = arith.constant 0 : i32
          %dma_wait3A_186 = tpu.memref_slice %arg9[%dma_wait3A_184, %dma_wait3A_185] : memref<512x32xf32, #tpu.memory_space<vmem>> -> memref<256x32xf32, #tpu.memory_space<vmem>>
          tpu.wait_dma2 semaphore(%run_scoped3A : memref<!tpu.dma_semaphore, #tpu.memory_space<semaphore_mem>>) src(%dma_wait3A_186 : memref<256x32xf32, #tpu.memory_space<vmem>>) dst(%dma_wait3A_183 : memref<256x32xf32, #tpu.memory_space<hbm>>)
          tpu.yield
        }) : () -> ()
        "tpu.region"() ({
          %run_scoped3A = tpu.sem_alloc : memref<!tpu.dma_semaphore, #tpu.memory_space<semaphore_mem>>
          %dma_start3A_167 = arith.constant 256 : i32
          %dma_start3A_168 = arith.constant 0 : i32
          %dma_start3A_169 = tpu.memref_slice %arg10[%dma_start3A_167, %dma_start3A_168] : memref<512x64xf32, #tpu.memory_space<vmem>> -> memref<256x64xf32, #tpu.memory_space<vmem>>
          %dma_start3A_170 = arith.constant 32 : i32
          %dma_start3A_171 = tpu.memref_slice %arg6[%add3A_166, %dma_start3A_170] : memref<327680x128xf32, #tpu.memory_space<hbm>> -> memref<256x64xf32, #tpu.memory_space<hbm>>
          %dma_start3A_172 = arith.constant 32 : i32
          %dma_start3A_173 = tpu.memref_slice %arg6[%add3A_166, %dma_start3A_172] : memref<327680x128xf32, #tpu.memory_space<hbm>> -> memref<256x64xf32, #tpu.memory_space<hbm>>
          %dma_start3A_174 = arith.constant 256 : i32
          %dma_start3A_175 = arith.constant 0 : i32
          %dma_start3A_176 = tpu.memref_slice %arg10[%dma_start3A_174, %dma_start3A_175] : memref<512x64xf32, #tpu.memory_space<vmem>> -> memref<256x64xf32, #tpu.memory_space<vmem>>
          tpu.enqueue_dma source(%dma_start3A_176 : memref<256x64xf32, #tpu.memory_space<vmem>>) target(%dma_start3A_173 : memref<256x64xf32, #tpu.memory_space<hbm>>) target_semaphore(%run_scoped3A : memref<!tpu.dma_semaphore, #tpu.memory_space<semaphore_mem>>)
          %dma_wait3A_177 = arith.constant 256 : i32
          %dma_wait3A_178 = arith.constant 0 : i32
          %dma_wait3A_179 = tpu.memref_slice %arg10[%dma_wait3A_177, %dma_wait3A_178] : memref<512x64xf32, #tpu.memory_space<vmem>> -> memref<256x64xf32, #tpu.memory_space<vmem>>
          %dma_wait3A_180 = arith.constant 32 : i32
          %dma_wait3A_181 = tpu.memref_slice %arg6[%add3A_166, %dma_wait3A_180] : memref<327680x128xf32, #tpu.memory_space<hbm>> -> memref<256x64xf32, #tpu.memory_space<hbm>>
          %dma_wait3A_182 = arith.constant 32 : i32
          %dma_wait3A_183 = tpu.memref_slice %arg6[%add3A_166, %dma_wait3A_182] : memref<327680x128xf32, #tpu.memory_space<hbm>> -> memref<256x64xf32, #tpu.memory_space<hbm>>
          %dma_wait3A_184 = arith.constant 256 : i32
          %dma_wait3A_185 = arith.constant 0 : i32
          %dma_wait3A_186 = tpu.memref_slice %arg10[%dma_wait3A_184, %dma_wait3A_185] : memref<512x64xf32, #tpu.memory_space<vmem>> -> memref<256x64xf32, #tpu.memory_space<vmem>>
          tpu.wait_dma2 semaphore(%run_scoped3A : memref<!tpu.dma_semaphore, #tpu.memory_space<semaphore_mem>>) src(%dma_wait3A_186 : memref<256x64xf32, #tpu.memory_space<vmem>>) dst(%dma_wait3A_183 : memref<256x64xf32, #tpu.memory_space<hbm>>)
          tpu.yield
        }) : () -> ()
      } else {
      }
    }
    %scan3A_46 = arith.constant 20 : i32
    return
  }
}

#map = affine_map<(d0, d1) -> (0, 0)>
#map1 = affine_map<(d0, d1) -> (0, 0, 0)>
module attributes {stable_mosaic.version = 14 : i64} {
  func.func @k(%arg0: i32, %arg1: i32, %arg2: memref<327680x128xf32, #tpu.memory_space<hbm>>, %arg3: memref<32x80x128xi32, #tpu.memory_space<hbm>>, %arg4: memref<10000x128xf32, #tpu.memory_space<hbm>>, %arg5: memref<2x10000x128xf32, #tpu.memory_space<hbm>>, %arg6: memref<80x128xi32, #tpu.memory_space<vmem>>, %arg7: memref<128x128xf32, #tpu.memory_space<vmem>>, %arg8: memref<128x128xf32, #tpu.memory_space<vmem>>, %arg9: memref<10000x128xf32, #tpu.memory_space<vmem_shared>>, %arg10: memref<!tpu.dma_semaphore, #tpu.memory_space<semaphore_mem>>, %arg11: memref<!tpu.dma_semaphore, #tpu.memory_space<semaphore_mem>>) attributes {dimension_semantics = [#tpu.dimension_semantics<core_parallel>, #tpu.dimension_semantics<subcore_parallel>], iteration_bounds = array<i64: 2, 16>, scalar_prefetch = 0 : i64, scratch_operands = 6 : i64, tpu.core_type = #tpu.core_type<sc_vector_subcore>, window_params = [{transform_indices = #map}, {transform_indices = #map1}, {transform_indices = #map}, {transform_indices = #map1}]} {
    %mul3A = arith.constant 2 : i32
    %mul3A_0 = arith.muli %arg1, %mul3A : i32
    %add3A = arith.addi %mul3A_0, %arg0 : i32
    %mul3A_1 = arith.constant 625 : i32
    %mul3A_2 = arith.muli %arg1, %mul3A_1 : i32
    "tpu.region"() ({
      %run_scoped3A = tpu.sem_alloc : memref<!tpu.dma_semaphore, #tpu.memory_space<semaphore_mem>>
      %dma_start3A_16 = arith.constant 0 : i32
      %dma_start3A_17 = tpu.memref_slice %arg9[%mul3A_2, %dma_start3A_16] : memref<10000x128xf32, #tpu.memory_space<vmem_shared>> -> memref<625x128xf32, #tpu.memory_space<vmem_shared>>
      %dma_start3A_18 = arith.constant 0 : i32
      %dma_start3A_19 = tpu.memref_slice %arg4[%mul3A_2, %dma_start3A_18] : memref<10000x128xf32, #tpu.memory_space<hbm>> -> memref<625x128xf32, #tpu.memory_space<hbm>>
      tpu.enqueue_dma source(%dma_start3A_19 : memref<625x128xf32, #tpu.memory_space<hbm>>) target(%dma_start3A_17 : memref<625x128xf32, #tpu.memory_space<vmem_shared>>) target_semaphore(%run_scoped3A : memref<!tpu.dma_semaphore, #tpu.memory_space<semaphore_mem>>)
      %dma_wait3A = arith.constant 0 : i32
      %dma_wait3A_20 = tpu.memref_slice %arg9[%mul3A_2, %dma_wait3A] : memref<10000x128xf32, #tpu.memory_space<vmem_shared>> -> memref<625x128xf32, #tpu.memory_space<vmem_shared>>
      %dma_wait3A_21 = arith.constant 0 : i32
      %dma_wait3A_22 = tpu.memref_slice %arg4[%mul3A_2, %dma_wait3A_21] : memref<10000x128xf32, #tpu.memory_space<hbm>> -> memref<625x128xf32, #tpu.memory_space<hbm>>
      tpu.wait_dma2 semaphore(%run_scoped3A : memref<!tpu.dma_semaphore, #tpu.memory_space<semaphore_mem>>) src(%dma_wait3A_22 : memref<625x128xf32, #tpu.memory_space<hbm>>) dst(%dma_wait3A_20 : memref<625x128xf32, #tpu.memory_space<vmem_shared>>)
      tpu.yield
    }) : () -> ()
    "tpu.region"() ({
      %run_scoped3A = tpu.sem_alloc : memref<!tpu.dma_semaphore, #tpu.memory_space<semaphore_mem>>
      %dma_start3A_16 = arith.constant 0 : i32
      %dma_start3A_17 = arith.constant 0 : i32
      %dma_start3A_18 = tpu.memref_slice %arg3[%add3A, %dma_start3A_16, %dma_start3A_17] : memref<32x80x128xi32, #tpu.memory_space<hbm>> -> memref<1x80x128xi32, #tpu.memory_space<hbm>>
      %dma_start3A_19 = tpu.memref_squeeze %dma_start3A_18 : memref<1x80x128xi32, #tpu.memory_space<hbm>> -> memref<80x128xi32, #tpu.memory_space<hbm>>
      %dma_start3A_20 = arith.constant 0 : i32
      %dma_start3A_21 = arith.constant 0 : i32
      %dma_start3A_22 = tpu.memref_slice %arg3[%add3A, %dma_start3A_20, %dma_start3A_21] : memref<32x80x128xi32, #tpu.memory_space<hbm>> -> memref<1x80x128xi32, #tpu.memory_space<hbm>>
      %dma_start3A_23 = tpu.memref_squeeze %dma_start3A_22 : memref<1x80x128xi32, #tpu.memory_space<hbm>> -> memref<80x128xi32, #tpu.memory_space<hbm>>
      tpu.enqueue_dma source(%dma_start3A_23 : memref<80x128xi32, #tpu.memory_space<hbm>>) target(%arg6 : memref<80x128xi32, #tpu.memory_space<vmem>>) target_semaphore(%run_scoped3A : memref<!tpu.dma_semaphore, #tpu.memory_space<semaphore_mem>>)
      %dma_wait3A = arith.constant 0 : i32
      %dma_wait3A_24 = arith.constant 0 : i32
      %dma_wait3A_25 = tpu.memref_slice %arg3[%add3A, %dma_wait3A, %dma_wait3A_24] : memref<32x80x128xi32, #tpu.memory_space<hbm>> -> memref<1x80x128xi32, #tpu.memory_space<hbm>>
      %dma_wait3A_26 = tpu.memref_squeeze %dma_wait3A_25 : memref<1x80x128xi32, #tpu.memory_space<hbm>> -> memref<80x128xi32, #tpu.memory_space<hbm>>
      %dma_wait3A_27 = arith.constant 0 : i32
      %dma_wait3A_28 = arith.constant 0 : i32
      %dma_wait3A_29 = tpu.memref_slice %arg3[%add3A, %dma_wait3A_27, %dma_wait3A_28] : memref<32x80x128xi32, #tpu.memory_space<hbm>> -> memref<1x80x128xi32, #tpu.memory_space<hbm>>
      %dma_wait3A_30 = tpu.memref_squeeze %dma_wait3A_29 : memref<1x80x128xi32, #tpu.memory_space<hbm>> -> memref<80x128xi32, #tpu.memory_space<hbm>>
      tpu.wait_dma2 semaphore(%run_scoped3A : memref<!tpu.dma_semaphore, #tpu.memory_space<semaphore_mem>>) src(%dma_wait3A_30 : memref<80x128xi32, #tpu.memory_space<hbm>>) dst(%arg6 : memref<80x128xi32, #tpu.memory_space<vmem>>)
      tpu.yield
    }) : () -> ()
    %barrier3A = arith.constant 0 : index
    tpu.barrier barrier_id(%barrier3A)
    %mul3A_3 = arith.constant 10240 : i32
    %mul3A_4 = arith.muli %add3A, %mul3A_3 : i32
    %add3A_5 = arith.constant 0 : i32
    %add3A_6 = arith.addi %mul3A_4, %add3A_5 : i32
    %dma_start3A = arith.constant 0 : i32
    %dma_start3A_7 = tpu.memref_slice %arg2[%add3A_6, %dma_start3A] : memref<327680x128xf32, #tpu.memory_space<hbm>> -> memref<128x128xf32, #tpu.memory_space<hbm>>
    %dma_start3A_8 = arith.constant 0 : i32
    %dma_start3A_9 = tpu.memref_slice %arg2[%add3A_6, %dma_start3A_8] : memref<327680x128xf32, #tpu.memory_space<hbm>> -> memref<128x128xf32, #tpu.memory_space<hbm>>
    tpu.enqueue_dma source(%dma_start3A_9 : memref<128x128xf32, #tpu.memory_space<hbm>>) target(%arg7 : memref<128x128xf32, #tpu.memory_space<vmem>>) target_semaphore(%arg10 : memref<!tpu.dma_semaphore, #tpu.memory_space<semaphore_mem>>)
    %scan3A = arith.constant 0 : i32
    %scan3A_10 = arith.constant 0 : i32
    %scan3A_11 = arith.constant 40 : i32
    %scan3A_12 = arith.addi %scan3A_10, %scan3A_11 : i32
    %scan3A_13 = arith.constant 1 : i32
    scf.for %scan3A_16 = %scan3A_10 to %scan3A_12 step %scan3A_13  : i32 {
      %mul3A_17 = arith.constant 2 : i32
      %mul3A_18 = arith.muli %mul3A_17, %scan3A_16 : i32
      %add3A_19 = arith.constant 1 : i32
      %add3A_20 = arith.addi %mul3A_18, %add3A_19 : i32
      %lt3A = arith.constant 80 : i32
      %lt3A_21 = arith.cmpi slt, %add3A_20, %lt3A : i32
      %convert_element_type3A = arith.extui %lt3A_21 : i1 to i32
      %cond3A = arith.constant 0 : i32
      %cond3A_22 = arith.cmpi ne, %convert_element_type3A, %cond3A : i32
      scf.if %cond3A_22 {
        %add3A_45 = arith.constant 1 : i32
        %add3A_46 = arith.addi %mul3A_18, %add3A_45 : i32
        %mul3A_47 = arith.constant 10240 : i32
        %mul3A_48 = arith.muli %add3A, %mul3A_47 : i32
        %mul3A_49 = arith.constant 128 : i32
        %mul3A_50 = arith.muli %add3A_46, %mul3A_49 : i32
        %add3A_51 = arith.addi %mul3A_48, %mul3A_50 : i32
        %dma_start3A_52 = arith.constant 0 : i32
        %dma_start3A_53 = tpu.memref_slice %arg2[%add3A_51, %dma_start3A_52] : memref<327680x128xf32, #tpu.memory_space<hbm>> -> memref<128x128xf32, #tpu.memory_space<hbm>>
        %dma_start3A_54 = arith.constant 0 : i32
        %dma_start3A_55 = tpu.memref_slice %arg2[%add3A_51, %dma_start3A_54] : memref<327680x128xf32, #tpu.memory_space<hbm>> -> memref<128x128xf32, #tpu.memory_space<hbm>>
        tpu.enqueue_dma source(%dma_start3A_55 : memref<128x128xf32, #tpu.memory_space<hbm>>) target(%arg8 : memref<128x128xf32, #tpu.memory_space<vmem>>) target_semaphore(%arg11 : memref<!tpu.dma_semaphore, #tpu.memory_space<semaphore_mem>>)
      } else {
      }
      %mul3A_23 = arith.constant 10240 : i32
      %mul3A_24 = arith.muli %add3A, %mul3A_23 : i32
      %mul3A_25 = arith.constant 128 : i32
      %mul3A_26 = arith.muli %mul3A_18, %mul3A_25 : i32
      %add3A_27 = arith.addi %mul3A_24, %mul3A_26 : i32
      %dma_wait3A = arith.constant 0 : i32
      %dma_wait3A_28 = tpu.memref_slice %arg2[%add3A_27, %dma_wait3A] : memref<327680x128xf32, #tpu.memory_space<hbm>> -> memref<128x128xf32, #tpu.memory_space<hbm>>
      %dma_wait3A_29 = arith.constant 0 : i32
      %dma_wait3A_30 = tpu.memref_slice %arg2[%add3A_27, %dma_wait3A_29] : memref<327680x128xf32, #tpu.memory_space<hbm>> -> memref<128x128xf32, #tpu.memory_space<hbm>>
      tpu.wait_dma2 semaphore(%arg10 : memref<!tpu.dma_semaphore, #tpu.memory_space<semaphore_mem>>) src(%dma_wait3A_30 : memref<128x128xf32, #tpu.memory_space<hbm>>) dst(%arg7 : memref<128x128xf32, #tpu.memory_space<vmem>>)
      "tpu.region"() ({
        %run_scoped3A = tpu.sem_alloc : memref<!tpu.dma_semaphore, #tpu.memory_space<semaphore_mem>>
        %dma_start3A_45 = arith.constant 0 : i32
        %dma_start3A_46 = tpu.memref_slice %arg6[%mul3A_18, %dma_start3A_45] : memref<80x128xi32, #tpu.memory_space<vmem>> -> memref<1x128xi32, #tpu.memory_space<vmem>>
        %dma_start3A_47 = tpu.memref_squeeze %dma_start3A_46 : memref<1x128xi32, #tpu.memory_space<vmem>> -> memref<128xi32, #tpu.memory_space<vmem>>
        %dma_start3A_48 = arith.constant 0 : i32
        %dma_start3A_49 = arith.constant 0 : i32
        %dma_start3A_50 = tpu.memref_slice %arg9[%dma_start3A_48, %dma_start3A_49] : memref<10000x128xf32, #tpu.memory_space<vmem_shared>> -> memref<10000x128xf32, #tpu.memory_space<vmem_shared>>
        tpu.enqueue_indirect_dma source(%arg7 : memref<128x128xf32, #tpu.memory_space<vmem>>) target(%dma_start3A_50 : memref<10000x128xf32, #tpu.memory_space<vmem_shared>>) offsets(%dma_start3A_47 : memref<128xi32, #tpu.memory_space<vmem>>) semaphore(%run_scoped3A : memref<!tpu.dma_semaphore, #tpu.memory_space<semaphore_mem>>) {add = true}
        %dma_wait3A_51 = arith.constant 0 : i32
        %dma_wait3A_52 = tpu.memref_slice %arg6[%mul3A_18, %dma_wait3A_51] : memref<80x128xi32, #tpu.memory_space<vmem>> -> memref<1x128xi32, #tpu.memory_space<vmem>>
        %dma_wait3A_53 = tpu.memref_squeeze %dma_wait3A_52 : memref<1x128xi32, #tpu.memory_space<vmem>> -> memref<128xi32, #tpu.memory_space<vmem>>
        %dma_wait3A_54 = arith.constant 0 : i32
        %dma_wait3A_55 = arith.constant 0 : i32
        %dma_wait3A_56 = tpu.memref_slice %arg9[%dma_wait3A_54, %dma_wait3A_55] : memref<10000x128xf32, #tpu.memory_space<vmem_shared>> -> memref<10000x128xf32, #tpu.memory_space<vmem_shared>>
        tpu.wait_indirect_dma semaphore(%run_scoped3A : memref<!tpu.dma_semaphore, #tpu.memory_space<semaphore_mem>>) src(%arg7 : memref<128x128xf32, #tpu.memory_space<vmem>>) dst(%dma_wait3A_56 : memref<10000x128xf32, #tpu.memory_space<vmem_shared>>)
        tpu.yield
      }) : () -> ()
      %add3A_31 = arith.constant 2 : i32
      %add3A_32 = arith.addi %mul3A_18, %add3A_31 : i32
      %lt3A_33 = arith.constant 80 : i32
      %lt3A_34 = arith.cmpi slt, %add3A_32, %lt3A_33 : i32
      %convert_element_type3A_35 = arith.extui %lt3A_34 : i1 to i32
      %cond3A_36 = arith.constant 0 : i32
      %cond3A_37 = arith.cmpi ne, %convert_element_type3A_35, %cond3A_36 : i32
      scf.if %cond3A_37 {
        %add3A_45 = arith.constant 2 : i32
        %add3A_46 = arith.addi %mul3A_18, %add3A_45 : i32
        %mul3A_47 = arith.constant 10240 : i32
        %mul3A_48 = arith.muli %add3A, %mul3A_47 : i32
        %mul3A_49 = arith.constant 128 : i32
        %mul3A_50 = arith.muli %add3A_46, %mul3A_49 : i32
        %add3A_51 = arith.addi %mul3A_48, %mul3A_50 : i32
        %dma_start3A_52 = arith.constant 0 : i32
        %dma_start3A_53 = tpu.memref_slice %arg2[%add3A_51, %dma_start3A_52] : memref<327680x128xf32, #tpu.memory_space<hbm>> -> memref<128x128xf32, #tpu.memory_space<hbm>>
        %dma_start3A_54 = arith.constant 0 : i32
        %dma_start3A_55 = tpu.memref_slice %arg2[%add3A_51, %dma_start3A_54] : memref<327680x128xf32, #tpu.memory_space<hbm>> -> memref<128x128xf32, #tpu.memory_space<hbm>>
        tpu.enqueue_dma source(%dma_start3A_55 : memref<128x128xf32, #tpu.memory_space<hbm>>) target(%arg7 : memref<128x128xf32, #tpu.memory_space<vmem>>) target_semaphore(%arg10 : memref<!tpu.dma_semaphore, #tpu.memory_space<semaphore_mem>>)
      } else {
      }
      %add3A_38 = arith.constant 1 : i32
      %add3A_39 = arith.addi %mul3A_18, %add3A_38 : i32
      %lt3A_40 = arith.constant 80 : i32
      %lt3A_41 = arith.cmpi slt, %add3A_39, %lt3A_40 : i32
      %convert_element_type3A_42 = arith.extui %lt3A_41 : i1 to i32
      %cond3A_43 = arith.constant 0 : i32
      %cond3A_44 = arith.cmpi ne, %convert_element_type3A_42, %cond3A_43 : i32
      scf.if %cond3A_44 {
        %add3A_45 = arith.constant 1 : i32
        %add3A_46 = arith.addi %mul3A_18, %add3A_45 : i32
        %mul3A_47 = arith.constant 10240 : i32
        %mul3A_48 = arith.muli %add3A, %mul3A_47 : i32
        %mul3A_49 = arith.constant 128 : i32
        %mul3A_50 = arith.muli %add3A_46, %mul3A_49 : i32
        %add3A_51 = arith.addi %mul3A_48, %mul3A_50 : i32
        %dma_wait3A_52 = arith.constant 0 : i32
        %dma_wait3A_53 = tpu.memref_slice %arg2[%add3A_51, %dma_wait3A_52] : memref<327680x128xf32, #tpu.memory_space<hbm>> -> memref<128x128xf32, #tpu.memory_space<hbm>>
        %dma_wait3A_54 = arith.constant 0 : i32
        %dma_wait3A_55 = tpu.memref_slice %arg2[%add3A_51, %dma_wait3A_54] : memref<327680x128xf32, #tpu.memory_space<hbm>> -> memref<128x128xf32, #tpu.memory_space<hbm>>
        tpu.wait_dma2 semaphore(%arg11 : memref<!tpu.dma_semaphore, #tpu.memory_space<semaphore_mem>>) src(%dma_wait3A_55 : memref<128x128xf32, #tpu.memory_space<hbm>>) dst(%arg8 : memref<128x128xf32, #tpu.memory_space<vmem>>)
        "tpu.region"() ({
          %run_scoped3A = tpu.sem_alloc : memref<!tpu.dma_semaphore, #tpu.memory_space<semaphore_mem>>
          %dma_start3A_56 = arith.constant 0 : i32
          %dma_start3A_57 = tpu.memref_slice %arg6[%add3A_46, %dma_start3A_56] : memref<80x128xi32, #tpu.memory_space<vmem>> -> memref<1x128xi32, #tpu.memory_space<vmem>>
          %dma_start3A_58 = tpu.memref_squeeze %dma_start3A_57 : memref<1x128xi32, #tpu.memory_space<vmem>> -> memref<128xi32, #tpu.memory_space<vmem>>
          %dma_start3A_59 = arith.constant 0 : i32
          %dma_start3A_60 = arith.constant 0 : i32
          %dma_start3A_61 = tpu.memref_slice %arg9[%dma_start3A_59, %dma_start3A_60] : memref<10000x128xf32, #tpu.memory_space<vmem_shared>> -> memref<10000x128xf32, #tpu.memory_space<vmem_shared>>
          tpu.enqueue_indirect_dma source(%arg8 : memref<128x128xf32, #tpu.memory_space<vmem>>) target(%dma_start3A_61 : memref<10000x128xf32, #tpu.memory_space<vmem_shared>>) offsets(%dma_start3A_58 : memref<128xi32, #tpu.memory_space<vmem>>) semaphore(%run_scoped3A : memref<!tpu.dma_semaphore, #tpu.memory_space<semaphore_mem>>) {add = true}
          %dma_wait3A_62 = arith.constant 0 : i32
          %dma_wait3A_63 = tpu.memref_slice %arg6[%add3A_46, %dma_wait3A_62] : memref<80x128xi32, #tpu.memory_space<vmem>> -> memref<1x128xi32, #tpu.memory_space<vmem>>
          %dma_wait3A_64 = tpu.memref_squeeze %dma_wait3A_63 : memref<1x128xi32, #tpu.memory_space<vmem>> -> memref<128xi32, #tpu.memory_space<vmem>>
          %dma_wait3A_65 = arith.constant 0 : i32
          %dma_wait3A_66 = arith.constant 0 : i32
          %dma_wait3A_67 = tpu.memref_slice %arg9[%dma_wait3A_65, %dma_wait3A_66] : memref<10000x128xf32, #tpu.memory_space<vmem_shared>> -> memref<10000x128xf32, #tpu.memory_space<vmem_shared>>
          tpu.wait_indirect_dma semaphore(%run_scoped3A : memref<!tpu.dma_semaphore, #tpu.memory_space<semaphore_mem>>) src(%arg8 : memref<128x128xf32, #tpu.memory_space<vmem>>) dst(%dma_wait3A_67 : memref<10000x128xf32, #tpu.memory_space<vmem_shared>>)
          tpu.yield
        }) : () -> ()
      } else {
      }
    }
    %scan3A_14 = arith.constant 40 : i32
    %barrier3A_15 = arith.constant 0 : index
    tpu.barrier barrier_id(%barrier3A_15)
    "tpu.region"() ({
      %run_scoped3A = tpu.sem_alloc : memref<!tpu.dma_semaphore, #tpu.memory_space<semaphore_mem>>
      %dma_start3A_16 = arith.constant 0 : i32
      %dma_start3A_17 = tpu.memref_slice %arg5[%arg0, %mul3A_2, %dma_start3A_16] : memref<2x10000x128xf32, #tpu.memory_space<hbm>> -> memref<1x625x128xf32, #tpu.memory_space<hbm>>
      %dma_start3A_18 = tpu.memref_squeeze %dma_start3A_17 : memref<1x625x128xf32, #tpu.memory_space<hbm>> -> memref<625x128xf32, #tpu.memory_space<hbm>>
      %dma_start3A_19 = arith.constant 0 : i32
      %dma_start3A_20 = tpu.memref_slice %arg9[%mul3A_2, %dma_start3A_19] : memref<10000x128xf32, #tpu.memory_space<vmem_shared>> -> memref<625x128xf32, #tpu.memory_space<vmem_shared>>
      tpu.enqueue_dma source(%dma_start3A_20 : memref<625x128xf32, #tpu.memory_space<vmem_shared>>) target(%dma_start3A_18 : memref<625x128xf32, #tpu.memory_space<hbm>>) target_semaphore(%run_scoped3A : memref<!tpu.dma_semaphore, #tpu.memory_space<semaphore_mem>>)
      %dma_wait3A = arith.constant 0 : i32
      %dma_wait3A_21 = tpu.memref_slice %arg5[%arg0, %mul3A_2, %dma_wait3A] : memref<2x10000x128xf32, #tpu.memory_space<hbm>> -> memref<1x625x128xf32, #tpu.memory_space<hbm>>
      %dma_wait3A_22 = tpu.memref_squeeze %dma_wait3A_21 : memref<1x625x128xf32, #tpu.memory_space<hbm>> -> memref<625x128xf32, #tpu.memory_space<hbm>>
      %dma_wait3A_23 = arith.constant 0 : i32
      %dma_wait3A_24 = tpu.memref_slice %arg9[%mul3A_2, %dma_wait3A_23] : memref<10000x128xf32, #tpu.memory_space<vmem_shared>> -> memref<625x128xf32, #tpu.memory_space<vmem_shared>>
      tpu.wait_dma2 semaphore(%run_scoped3A : memref<!tpu.dma_semaphore, #tpu.memory_space<semaphore_mem>>) src(%dma_wait3A_24 : memref<625x128xf32, #tpu.memory_space<vmem_shared>>) dst(%dma_wait3A_22 : memref<625x128xf32, #tpu.memory_space<hbm>>)
      tpu.yield
    }) : () -> ()
    return
  }
}

module attributes {stable_mosaic.version = 14 : i64} {
  func.func @body(%arg0: i32, %arg1: memref<1000x128xf32, #tpu.memory_space<vmem>>, %arg2: memref<128x128xf32, #tpu.memory_space<vmem>>, %arg3: memref<1x128xf32, #tpu.memory_space<vmem>>, %arg4: memref<1000x32xf32, #tpu.memory_space<vmem>>, %arg5: memref<1000x64xf32, #tpu.memory_space<vmem>>, %arg6: memref<1000x32xf32, #tpu.memory_space<vmem>>, %arg7: memref<1x4xf32, #tpu.memory_space<vmem>>) attributes {dimension_semantics = [#tpu.dimension_semantics<arbitrary>], iteration_bounds = array<i64: 10>, scalar_prefetch = 0 : i64, scratch_operands = 0 : i64, tpu.core_type = #tpu.core_type<tc>, window_params = [{transform_indices = @transform_0, window_bounds = array<i64: 1000, 128>}, {pipeline_mode = #tpu.pipeline_mode<synchronous>, transform_indices = @transform_1, window_bounds = array<i64: 128, 128>}, {pipeline_mode = #tpu.pipeline_mode<synchronous>, transform_indices = @transform_2, window_bounds = array<i64: 1, 128>}, {transform_indices = @transform_3, window_bounds = array<i64: 1000, 32>}, {transform_indices = @transform_4, window_bounds = array<i64: 1000, 64>}, {transform_indices = @transform_5, window_bounds = array<i64: 1000, 32>}, {pipeline_mode = #tpu.pipeline_mode<synchronous>, transform_indices = @transform_6, window_bounds = array<i64: 1, 4>}]} {
    %get3A = arith.constant 0 : index
    %get3A_0 = arith.constant 0 : index
    %get3A_1 = vector.load %arg1[%get3A, %get3A_0] : memref<1000x128xf32, #tpu.memory_space<vmem>>, vector<1000x128xf32>
    %get3A_2 = arith.constant 0 : index
    %get3A_3 = arith.constant 0 : index
    %get3A_4 = vector.load %arg2[%get3A_2, %get3A_3] : memref<128x128xf32, #tpu.memory_space<vmem>>, vector<128x128xf32>
    %dot_general3A = arith.constant dense<0.000000e+00> : vector<1000x128xf32>
    %dot_general3A_5 = tpu.matmul %get3A_1, %get3A_4, %dot_general3A {dimension_numbers = #tpu.dot_dimension_numbers<[1], [0], [0], [1], [0, 0, 1, 1], [], []>, transpose_lhs_hint = false} : vector<1000x128xf32>, vector<128x128xf32>, vector<1000x128xf32> -> vector<1000x128xf32>
    %get3A_6 = arith.constant 0 : index
    %get3A_7 = arith.constant 0 : index
    %get3A_8 = vector.load %arg3[%get3A_6, %get3A_7] : memref<1x128xf32, #tpu.memory_space<vmem>>, vector<1x128xf32>
    %add3A = vector.broadcast %get3A_8 : vector<1x128xf32> to vector<1000x128xf32>
    %add3A_9 = arith.addf %dot_general3A_5, %add3A : vector<1000x128xf32>
    %slice3A = vector.extract_strided_slice %add3A_9 {offsets = [0, 0], sizes = [1000, 32], strides = [1, 1]} : vector<1000x128xf32> to vector<1000x32xf32>
    %swap3A = arith.constant 0 : index
    %swap3A_10 = arith.constant 0 : index
    %swap3A_11 = vector.load %arg4[%swap3A, %swap3A_10] : memref<1000x32xf32, #tpu.memory_space<vmem>>, vector<1000x32xf32>
    tpu.vector_store %arg4[%swap3A, %swap3A_10], %slice3A {strides = array<i32>} : memref<1000x32xf32, #tpu.memory_space<vmem>>, vector<1000x32xf32>,
    %slice3A_12 = vector.extract_strided_slice %add3A_9 {offsets = [0, 32], sizes = [1000, 64], strides = [1, 1]} : vector<1000x128xf32> to vector<1000x64xf32>
    %swap3A_13 = arith.constant 0 : index
    %swap3A_14 = arith.constant 0 : index
    %swap3A_15 = vector.load %arg5[%swap3A_13, %swap3A_14] : memref<1000x64xf32, #tpu.memory_space<vmem>>, vector<1000x64xf32>
    tpu.vector_store %arg5[%swap3A_13, %swap3A_14], %slice3A_12 {strides = array<i32>} : memref<1000x64xf32, #tpu.memory_space<vmem>>, vector<1000x64xf32>,
    %slice3A_16 = vector.extract_strided_slice %add3A_9 {offsets = [0, 96], sizes = [1000, 32], strides = [1, 1]} : vector<1000x128xf32> to vector<1000x32xf32>
    %swap3A_17 = arith.constant 0 : index
    %swap3A_18 = arith.constant 0 : index
    %swap3A_19 = vector.load %arg6[%swap3A_17, %swap3A_18] : memref<1000x32xf32, #tpu.memory_space<vmem>>, vector<1000x32xf32>
    tpu.vector_store %arg6[%swap3A_17, %swap3A_18], %slice3A_16 {strides = array<i32>} : memref<1000x32xf32, #tpu.memory_space<vmem>>, vector<1000x32xf32>,
    %slice3A_20 = vector.extract_strided_slice %add3A_9 {offsets = [0, 0], sizes = [1000, 64], strides = [1, 1]} : vector<1000x128xf32> to vector<1000x64xf32>
    %slice3A_21 = vector.extract_strided_slice %add3A_9 {offsets = [0, 0], sizes = [1000, 64], strides = [1, 1]} : vector<1000x128xf32> to vector<1000x64xf32>
    %mul3A = arith.mulf %slice3A_20, %slice3A_21 : vector<1000x64xf32>
    %iota3A = tpu.iota {dimensions = array<i32: 0>} : vector<64x4xi32>
    %iota3A_22 = tpu.iota {dimensions = array<i32: 1>} : vector<64x4xi32>
    %jit3A = arith.constant 16 : i32
    %div3A = vector.broadcast %jit3A : i32 to vector<64x4xi32>
    %div3A_23 = arith.divsi %iota3A, %div3A : vector<64x4xi32>
    %sign3A = arith.constant 0 : i32
    %sign3A_24 = vector.broadcast %sign3A : i32 to vector<64x4xi32>
    %sign3A_25 = arith.cmpi sgt, %iota3A, %sign3A_24 : vector<64x4xi32>
    %sign3A_26 = arith.extui %sign3A_25 : vector<64x4xi1> to vector<64x4xi32>
    %sign3A_27 = arith.constant 0 : i32
    %sign3A_28 = vector.broadcast %sign3A_27 : i32 to vector<64x4xi32>
    %sign3A_29 = arith.cmpi slt, %iota3A, %sign3A_28 : vector<64x4xi32>
    %sign3A_30 = arith.extui %sign3A_29 : vector<64x4xi1> to vector<64x4xi32>
    %sign3A_31 = arith.subi %sign3A_26, %sign3A_30 : vector<64x4xi32>
    %sign3A_32 = arith.constant 0 : i32
    %sign3A_33 = arith.cmpi sgt, %jit3A, %sign3A_32 : i32
    %sign3A_34 = arith.extui %sign3A_33 : i1 to i32
    %sign3A_35 = arith.constant 0 : i32
    %sign3A_36 = arith.cmpi slt, %jit3A, %sign3A_35 : i32
    %sign3A_37 = arith.extui %sign3A_36 : i1 to i32
    %sign3A_38 = arith.subi %sign3A_34, %sign3A_37 : i32
    %ne3A = vector.broadcast %sign3A_38 : i32 to vector<64x4xi32>
    %ne3A_39 = arith.cmpi ne, %sign3A_31, %ne3A : vector<64x4xi32>
    %rem3A = vector.broadcast %jit3A : i32 to vector<64x4xi32>
    %rem3A_40 = arith.remsi %iota3A, %rem3A : vector<64x4xi32>
    %ne3A_41 = arith.constant 0 : i32
    %ne3A_42 = vector.broadcast %ne3A_41 : i32 to vector<64x4xi32>
    %ne3A_43 = arith.cmpi ne, %rem3A_40, %ne3A_42 : vector<64x4xi32>
    %and3A = arith.andi %ne3A_39, %ne3A_43 : vector<64x4xi1>
    %sub3A = arith.constant 1 : i32
    %sub3A_44 = vector.broadcast %sub3A : i32 to vector<64x4xi32>
    %sub3A_45 = arith.subi %div3A_23, %sub3A_44 : vector<64x4xi32>
    %select_n3A = arith.select %and3A, %sub3A_45, %div3A_23 : vector<64x4xi1>, vector<64x4xi32>
    %eq3A = arith.cmpi eq, %select_n3A, %iota3A_22 : vector<64x4xi32>
    %jit3A_46 = arith.constant 1.000000e+00 : f32
    %jit3A_47 = arith.constant 0.000000e+00 : f32
    %broadcast_in_dim3A = vector.broadcast %jit3A_46 : f32 to vector<64x4xf32>
    %broadcast_in_dim3A_48 = vector.broadcast %jit3A_47 : f32 to vector<64x4xf32>
    %select_n3A_49 = arith.select %eq3A, %broadcast_in_dim3A, %broadcast_in_dim3A_48 : vector<64x4xi1>, vector<64x4xf32>
    %dot_general3A_50 = arith.constant dense<0.000000e+00> : vector<1000x4xf32>
    %dot_general3A_51 = tpu.matmul %mul3A, %select_n3A_49, %dot_general3A_50 {dimension_numbers = #tpu.dot_dimension_numbers<[1], [0], [0], [1], [0, 0, 1, 1], [], []>, transpose_lhs_hint = false} : vector<1000x64xf32>, vector<64x4xf32>, vector<1000x4xf32> -> vector<1000x4xf32>
    %reduce_max3A = arith.constant dense<0xFF800000> : vector<4xf32>
    %reduce_max3A_52 = vector.multi_reduction <maximumf>, %dot_general3A_51, %reduce_max3A [0] : vector<1000x4xf32> to vector<4xf32>
    %broadcast_in_dim3A_53 = vector.shape_cast %reduce_max3A_52 : vector<4xf32> to vector<1x4xf32>
    %eq3A_54 = arith.constant 0 : i32
    %eq3A_55 = arith.cmpi eq, %arg0, %eq3A_54 : i32
    %convert_element_type3A = arith.extui %eq3A_55 : i1 to i32
    %cond3A = arith.constant 0 : i32
    %cond3A_56 = arith.cmpi ne, %convert_element_type3A, %cond3A : i32
    scf.if %cond3A_56 {
      %broadcast_in_dim3A_63 = arith.constant 0.000000e+00 : f32
      %broadcast_in_dim3A_64 = vector.broadcast %broadcast_in_dim3A_63 : f32 to vector<1x4xf32>
      %swap3A_65 = arith.constant 0 : index
      %swap3A_66 = arith.constant 0 : index
      %swap3A_67 = vector.load %arg7[%swap3A_65, %swap3A_66] : memref<1x4xf32, #tpu.memory_space<vmem>>, vector<1x4xf32>
      tpu.vector_store %arg7[%swap3A_65, %swap3A_66], %broadcast_in_dim3A_64 {strides = array<i32>} : memref<1x4xf32, #tpu.memory_space<vmem>>, vector<1x4xf32>,
    } else {
    }
    %get3A_57 = arith.constant 0 : index
    %get3A_58 = arith.constant 0 : index
    %get3A_59 = vector.load %arg7[%get3A_57, %get3A_58] : memref<1x4xf32, #tpu.memory_space<vmem>>, vector<1x4xf32>
    %max3A = arith.maximumf %get3A_59, %broadcast_in_dim3A_53 : vector<1x4xf32>
    %swap3A_60 = arith.constant 0 : index
    %swap3A_61 = arith.constant 0 : index
    %swap3A_62 = vector.load %arg7[%swap3A_60, %swap3A_61] : memref<1x4xf32, #tpu.memory_space<vmem>>, vector<1x4xf32>
    tpu.vector_store %arg7[%swap3A_60, %swap3A_61], %max3A {strides = array<i32>} : memref<1x4xf32, #tpu.memory_space<vmem>>, vector<1x4xf32>,
    return
  }
  func.func @transform_0(%arg0: i32) -> (i32, i32) {
    %c0_i32 = arith.constant 0 : i32
    %c0_i32_0 = arith.constant 0 : i32
    return %arg0, %c0_i32 : i32, i32
  }
  func.func @transform_1(%arg0: i32) -> (i32, i32) {
    %c0_i32 = arith.constant 0 : i32
    %c0_i32_0 = arith.constant 0 : i32
    %c0_i32_1 = arith.constant 0 : i32
    return %c0_i32, %c0_i32_0 : i32, i32
  }
  func.func @transform_2(%arg0: i32) -> (i32, i32) {
    %c0_i32 = arith.constant 0 : i32
    %c0_i32_0 = arith.constant 0 : i32
    %c0_i32_1 = arith.constant 0 : i32
    return %c0_i32, %c0_i32_0 : i32, i32
  }
  func.func @transform_3(%arg0: i32) -> (i32, i32) {
    %c0_i32 = arith.constant 0 : i32
    %c0_i32_0 = arith.constant 0 : i32
    return %arg0, %c0_i32 : i32, i32
  }
  func.func @transform_4(%arg0: i32) -> (i32, i32) {
    %c0_i32 = arith.constant 0 : i32
    %c0_i32_0 = arith.constant 0 : i32
    return %arg0, %c0_i32 : i32, i32
  }
  func.func @transform_5(%arg0: i32) -> (i32, i32) {
    %c0_i32 = arith.constant 0 : i32
    %c0_i32_0 = arith.constant 0 : i32
    return %arg0, %c0_i32 : i32, i32
  }
  func.func @transform_6(%arg0: i32) -> (i32, i32) {
    %c0_i32 = arith.constant 0 : i32
    %c0_i32_0 = arith.constant 0 : i32
    %c0_i32_1 = arith.constant 0 : i32
    return %c0_i32, %c0_i32_0 : i32, i32
  }
}

module attributes {stable_mosaic.version = 14 : i64} {
  func.func @body(%arg0: i32, %arg1: memref<4096x128xf32, #tpu.memory_space<vmem>>, %arg2: memref<1x4xf32, #tpu.memory_space<vmem>>, %arg3: memref<4096x128xf32, #tpu.memory_space<vmem>>) attributes {dimension_semantics = [#tpu.dimension_semantics<arbitrary>], iteration_bounds = array<i64: 80>, scalar_prefetch = 0 : i64, scratch_operands = 0 : i64, tpu.core_type = #tpu.core_type<tc>, window_params = [{transform_indices = @transform_0, window_bounds = array<i64: 4096, 128>}, {pipeline_mode = #tpu.pipeline_mode<synchronous>, transform_indices = @transform_1, window_bounds = array<i64: 1, 4>}, {transform_indices = @transform_2, window_bounds = array<i64: 4096, 128>}]} {
    %get3A = arith.constant 0 : index
    %get3A_0 = arith.constant 0 : index
    %get3A_1 = vector.load %arg1[%get3A, %get3A_0] : memref<4096x128xf32, #tpu.memory_space<vmem>>, vector<4096x128xf32>
    %get3A_2 = arith.constant 0 : index
    %get3A_3 = arith.constant 0 : index
    %get3A_4 = vector.load %arg2[%get3A_2, %get3A_3] : memref<1x4xf32, #tpu.memory_space<vmem>>, vector<1x4xf32>
    %slice3A = vector.extract_strided_slice %get3A_4 {offsets = [0, 0], sizes = [1, 2], strides = [1, 1]} : vector<1x4xf32> to vector<1x2xf32>
    %slice3A_5 = vector.extract_strided_slice %get3A_4 {offsets = [0, 2], sizes = [1, 2], strides = [1, 1]} : vector<1x4xf32> to vector<1x2xf32>
    %mul3A = arith.mulf %slice3A, %slice3A_5 : vector<1x2xf32>
    %sqrt3A = math.sqrt %mul3A : vector<1x2xf32>
    %mul3A_6 = arith.constant 2.500000e-01 : f32
    %mul3A_7 = vector.broadcast %mul3A_6 : f32 to vector<1x2xf32>
    %mul3A_8 = arith.mulf %sqrt3A, %mul3A_7 : vector<1x2xf32>
    %iota3A = tpu.iota {dimensions = array<i32: 0>} : vector<2x32xi32>
    %iota3A_9 = tpu.iota {dimensions = array<i32: 1>} : vector<2x32xi32>
    %jit3A = arith.constant 16 : i32
    %div3A = vector.broadcast %jit3A : i32 to vector<2x32xi32>
    %div3A_10 = arith.divsi %iota3A_9, %div3A : vector<2x32xi32>
    %sign3A = arith.constant 0 : i32
    %sign3A_11 = vector.broadcast %sign3A : i32 to vector<2x32xi32>
    %sign3A_12 = arith.cmpi sgt, %iota3A_9, %sign3A_11 : vector<2x32xi32>
    %sign3A_13 = arith.extui %sign3A_12 : vector<2x32xi1> to vector<2x32xi32>
    %sign3A_14 = arith.constant 0 : i32
    %sign3A_15 = vector.broadcast %sign3A_14 : i32 to vector<2x32xi32>
    %sign3A_16 = arith.cmpi slt, %iota3A_9, %sign3A_15 : vector<2x32xi32>
    %sign3A_17 = arith.extui %sign3A_16 : vector<2x32xi1> to vector<2x32xi32>
    %sign3A_18 = arith.subi %sign3A_13, %sign3A_17 : vector<2x32xi32>
    %sign3A_19 = arith.constant 0 : i32
    %sign3A_20 = arith.cmpi sgt, %jit3A, %sign3A_19 : i32
    %sign3A_21 = arith.extui %sign3A_20 : i1 to i32
    %sign3A_22 = arith.constant 0 : i32
    %sign3A_23 = arith.cmpi slt, %jit3A, %sign3A_22 : i32
    %sign3A_24 = arith.extui %sign3A_23 : i1 to i32
    %sign3A_25 = arith.subi %sign3A_21, %sign3A_24 : i32
    %ne3A = vector.broadcast %sign3A_25 : i32 to vector<2x32xi32>
    %ne3A_26 = arith.cmpi ne, %sign3A_18, %ne3A : vector<2x32xi32>
    %rem3A = vector.broadcast %jit3A : i32 to vector<2x32xi32>
    %rem3A_27 = arith.remsi %iota3A_9, %rem3A : vector<2x32xi32>
    %ne3A_28 = arith.constant 0 : i32
    %ne3A_29 = vector.broadcast %ne3A_28 : i32 to vector<2x32xi32>
    %ne3A_30 = arith.cmpi ne, %rem3A_27, %ne3A_29 : vector<2x32xi32>
    %and3A = arith.andi %ne3A_26, %ne3A_30 : vector<2x32xi1>
    %sub3A = arith.constant 1 : i32
    %sub3A_31 = vector.broadcast %sub3A : i32 to vector<2x32xi32>
    %sub3A_32 = arith.subi %div3A_10, %sub3A_31 : vector<2x32xi32>
    %select_n3A = arith.select %and3A, %sub3A_32, %div3A_10 : vector<2x32xi1>, vector<2x32xi32>
    %eq3A = arith.cmpi eq, %iota3A, %select_n3A : vector<2x32xi32>
    %jit3A_33 = arith.constant 1.000000e+00 : f32
    %jit3A_34 = arith.constant 0.000000e+00 : f32
    %broadcast_in_dim3A = vector.broadcast %jit3A_33 : f32 to vector<2x32xf32>
    %broadcast_in_dim3A_35 = vector.broadcast %jit3A_34 : f32 to vector<2x32xf32>
    %select_n3A_36 = arith.select %eq3A, %broadcast_in_dim3A, %broadcast_in_dim3A_35 : vector<2x32xi1>, vector<2x32xf32>
    %dot_general3A = arith.constant dense<0.000000e+00> : vector<1x32xf32>
    %dot_general3A_37 = tpu.matmul %mul3A_8, %select_n3A_36, %dot_general3A {dimension_numbers = #tpu.dot_dimension_numbers<[1], [0], [0], [1], [0, 0, 1, 1], [], []>, transpose_lhs_hint = false} : vector<1x2xf32>, vector<2x32xf32>, vector<1x32xf32> -> vector<1x32xf32>
    %iota3A_38 = tpu.iota {dimensions = array<i32: 0>} : vector<32x32xi32>
    %iota3A_39 = tpu.iota {dimensions = array<i32: 1>} : vector<32x32xi32>
    %jit3A_40 = arith.constant 16 : i32
    %div3A_41 = vector.broadcast %jit3A_40 : i32 to vector<32x32xi32>
    %div3A_42 = arith.divsi %iota3A_38, %div3A_41 : vector<32x32xi32>
    %sign3A_43 = arith.constant 0 : i32
    %sign3A_44 = vector.broadcast %sign3A_43 : i32 to vector<32x32xi32>
    %sign3A_45 = arith.cmpi sgt, %iota3A_38, %sign3A_44 : vector<32x32xi32>
    %sign3A_46 = arith.extui %sign3A_45 : vector<32x32xi1> to vector<32x32xi32>
    %sign3A_47 = arith.constant 0 : i32
    %sign3A_48 = vector.broadcast %sign3A_47 : i32 to vector<32x32xi32>
    %sign3A_49 = arith.cmpi slt, %iota3A_38, %sign3A_48 : vector<32x32xi32>
    %sign3A_50 = arith.extui %sign3A_49 : vector<32x32xi1> to vector<32x32xi32>
    %sign3A_51 = arith.subi %sign3A_46, %sign3A_50 : vector<32x32xi32>
    %sign3A_52 = arith.constant 0 : i32
    %sign3A_53 = arith.cmpi sgt, %jit3A_40, %sign3A_52 : i32
    %sign3A_54 = arith.extui %sign3A_53 : i1 to i32
    %sign3A_55 = arith.constant 0 : i32
    %sign3A_56 = arith.cmpi slt, %jit3A_40, %sign3A_55 : i32
    %sign3A_57 = arith.extui %sign3A_56 : i1 to i32
    %sign3A_58 = arith.subi %sign3A_54, %sign3A_57 : i32
    %ne3A_59 = vector.broadcast %sign3A_58 : i32 to vector<32x32xi32>
    %ne3A_60 = arith.cmpi ne, %sign3A_51, %ne3A_59 : vector<32x32xi32>
    %rem3A_61 = vector.broadcast %jit3A_40 : i32 to vector<32x32xi32>
    %rem3A_62 = arith.remsi %iota3A_38, %rem3A_61 : vector<32x32xi32>
    %ne3A_63 = arith.constant 0 : i32
    %ne3A_64 = vector.broadcast %ne3A_63 : i32 to vector<32x32xi32>
    %ne3A_65 = arith.cmpi ne, %rem3A_62, %ne3A_64 : vector<32x32xi32>
    %and3A_66 = arith.andi %ne3A_60, %ne3A_65 : vector<32x32xi1>
    %sub3A_67 = arith.constant 1 : i32
    %sub3A_68 = vector.broadcast %sub3A_67 : i32 to vector<32x32xi32>
    %sub3A_69 = arith.subi %div3A_42, %sub3A_68 : vector<32x32xi32>
    %select_n3A_70 = arith.select %and3A_66, %sub3A_69, %div3A_42 : vector<32x32xi1>, vector<32x32xi32>
    %jit3A_71 = arith.constant 16 : i32
    %div3A_72 = vector.broadcast %jit3A_71 : i32 to vector<32x32xi32>
    %div3A_73 = arith.divsi %iota3A_39, %div3A_72 : vector<32x32xi32>
    %sign3A_74 = arith.constant 0 : i32
    %sign3A_75 = vector.broadcast %sign3A_74 : i32 to vector<32x32xi32>
    %sign3A_76 = arith.cmpi sgt, %iota3A_39, %sign3A_75 : vector<32x32xi32>
    %sign3A_77 = arith.extui %sign3A_76 : vector<32x32xi1> to vector<32x32xi32>
    %sign3A_78 = arith.constant 0 : i32
    %sign3A_79 = vector.broadcast %sign3A_78 : i32 to vector<32x32xi32>
    %sign3A_80 = arith.cmpi slt, %iota3A_39, %sign3A_79 : vector<32x32xi32>
    %sign3A_81 = arith.extui %sign3A_80 : vector<32x32xi1> to vector<32x32xi32>
    %sign3A_82 = arith.subi %sign3A_77, %sign3A_81 : vector<32x32xi32>
    %sign3A_83 = arith.constant 0 : i32
    %sign3A_84 = arith.cmpi sgt, %jit3A_71, %sign3A_83 : i32
    %sign3A_85 = arith.extui %sign3A_84 : i1 to i32
    %sign3A_86 = arith.constant 0 : i32
    %sign3A_87 = arith.cmpi slt, %jit3A_71, %sign3A_86 : i32
    %sign3A_88 = arith.extui %sign3A_87 : i1 to i32
    %sign3A_89 = arith.subi %sign3A_85, %sign3A_88 : i32
    %ne3A_90 = vector.broadcast %sign3A_89 : i32 to vector<32x32xi32>
    %ne3A_91 = arith.cmpi ne, %sign3A_82, %ne3A_90 : vector<32x32xi32>
    %rem3A_92 = vector.broadcast %jit3A_71 : i32 to vector<32x32xi32>
    %rem3A_93 = arith.remsi %iota3A_39, %rem3A_92 : vector<32x32xi32>
    %ne3A_94 = arith.constant 0 : i32
    %ne3A_95 = vector.broadcast %ne3A_94 : i32 to vector<32x32xi32>
    %ne3A_96 = arith.cmpi ne, %rem3A_93, %ne3A_95 : vector<32x32xi32>
    %and3A_97 = arith.andi %ne3A_91, %ne3A_96 : vector<32x32xi1>
    %sub3A_98 = arith.constant 1 : i32
    %sub3A_99 = vector.broadcast %sub3A_98 : i32 to vector<32x32xi32>
    %sub3A_100 = arith.subi %div3A_73, %sub3A_99 : vector<32x32xi32>
    %select_n3A_101 = arith.select %and3A_97, %sub3A_100, %div3A_73 : vector<32x32xi1>, vector<32x32xi32>
    %eq3A_102 = arith.cmpi eq, %select_n3A_70, %select_n3A_101 : vector<32x32xi32>
    %jit3A_103 = arith.constant 1.000000e+00 : f32
    %jit3A_104 = arith.constant 0.000000e+00 : f32
    %broadcast_in_dim3A_105 = vector.broadcast %jit3A_103 : f32 to vector<32x32xf32>
    %broadcast_in_dim3A_106 = vector.broadcast %jit3A_104 : f32 to vector<32x32xf32>
    %select_n3A_107 = arith.select %eq3A_102, %broadcast_in_dim3A_105, %broadcast_in_dim3A_106 : vector<32x32xi1>, vector<32x32xf32>
    %iota3A_108 = tpu.iota {dimensions = array<i32: 0>} : vector<32x128xi32>
    %iota3A_109 = tpu.iota {dimensions = array<i32: 1>} : vector<32x128xi32>
    %eq3A_110 = arith.cmpi eq, %iota3A_108, %iota3A_109 : vector<32x128xi32>
    %jit3A_111 = arith.constant 1.000000e+00 : f32
    %jit3A_112 = arith.constant 0.000000e+00 : f32
    %broadcast_in_dim3A_113 = vector.broadcast %jit3A_111 : f32 to vector<32x128xf32>
    %broadcast_in_dim3A_114 = vector.broadcast %jit3A_112 : f32 to vector<32x128xf32>
    %select_n3A_115 = arith.select %eq3A_110, %broadcast_in_dim3A_113, %broadcast_in_dim3A_114 : vector<32x128xi1>, vector<32x128xf32>
    %eq3A_116 = arith.cmpi eq, %iota3A_108, %iota3A_109 : vector<32x128xi32>
    %eq3A_117 = arith.constant 32 : i32
    %eq3A_118 = vector.broadcast %eq3A_117 : i32 to vector<32x128xi32>
    %eq3A_119 = arith.cmpi eq, %iota3A_109, %eq3A_118 : vector<32x128xi32>
    %eq3A_120 = arith.constant 0 : i32
    %eq3A_121 = vector.broadcast %eq3A_120 : i32 to vector<32x128xi32>
    %eq3A_122 = arith.cmpi eq, %iota3A_108, %eq3A_121 : vector<32x128xi32>
    %and3A_123 = arith.andi %eq3A_119, %eq3A_122 : vector<32x128xi1>
    %or3A = arith.ori %eq3A_116, %and3A_123 : vector<32x128xi1>
    %eq3A_124 = arith.constant 33 : i32
    %eq3A_125 = vector.broadcast %eq3A_124 : i32 to vector<32x128xi32>
    %eq3A_126 = arith.cmpi eq, %iota3A_109, %eq3A_125 : vector<32x128xi32>
    %eq3A_127 = arith.constant 16 : i32
    %eq3A_128 = vector.broadcast %eq3A_127 : i32 to vector<32x128xi32>
    %eq3A_129 = arith.cmpi eq, %iota3A_108, %eq3A_128 : vector<32x128xi32>
    %and3A_130 = arith.andi %eq3A_126, %eq3A_129 : vector<32x128xi1>
    %or3A_131 = arith.ori %or3A, %and3A_130 : vector<32x128xi1>
    %jit3A_132 = arith.constant 1.000000e+00 : f32
    %jit3A_133 = arith.constant 0.000000e+00 : f32
    %broadcast_in_dim3A_134 = vector.broadcast %jit3A_132 : f32 to vector<32x128xf32>
    %broadcast_in_dim3A_135 = vector.broadcast %jit3A_133 : f32 to vector<32x128xf32>
    %select_n3A_136 = arith.select %or3A_131, %broadcast_in_dim3A_134, %broadcast_in_dim3A_135 : vector<32x128xi1>, vector<32x128xf32>
    %iota3A_137 = tpu.iota {dimensions = array<i32: 1>} : vector<1x128xi32>
    %eq3A_138 = arith.constant 32 : i32
    %eq3A_139 = vector.broadcast %eq3A_138 : i32 to vector<1x128xi32>
    %eq3A_140 = arith.cmpi eq, %iota3A_137, %eq3A_139 : vector<1x128xi32>
    %eq3A_141 = arith.constant 33 : i32
    %eq3A_142 = vector.broadcast %eq3A_141 : i32 to vector<1x128xi32>
    %eq3A_143 = arith.cmpi eq, %iota3A_137, %eq3A_142 : vector<1x128xi32>
    %or3A_144 = arith.ori %eq3A_140, %eq3A_143 : vector<1x128xi1>
    %jit3A_145 = arith.constant 1.000000e+00 : f32
    %jit3A_146 = arith.constant 0.000000e+00 : f32
    %broadcast_in_dim3A_147 = vector.broadcast %jit3A_145 : f32 to vector<1x128xf32>
    %broadcast_in_dim3A_148 = vector.broadcast %jit3A_146 : f32 to vector<1x128xf32>
    %select_n3A_149 = arith.select %or3A_144, %broadcast_in_dim3A_147, %broadcast_in_dim3A_148 : vector<1x128xi1>, vector<1x128xf32>
    %slice3A_150 = vector.extract_strided_slice %get3A_1 {offsets = [0, 0], sizes = [4096, 32], strides = [1, 1]} : vector<4096x128xf32> to vector<4096x32xf32>
    %slice3A_151 = vector.extract_strided_slice %get3A_1 {offsets = [0, 32], sizes = [4096, 32], strides = [1, 1]} : vector<4096x128xf32> to vector<4096x32xf32>
    %mul3A_152 = arith.mulf %slice3A_150, %slice3A_151 : vector<4096x32xf32>
    %dot_general3A_153 = arith.constant dense<0.000000e+00> : vector<4096x32xf32>
    %dot_general3A_154 = tpu.matmul %mul3A_152, %select_n3A_107, %dot_general3A_153 {dimension_numbers = #tpu.dot_dimension_numbers<[1], [0], [0], [1], [0, 0, 1, 1], [], []>, transpose_lhs_hint = false} : vector<4096x32xf32>, vector<32x32xf32>, vector<4096x32xf32> -> vector<4096x32xf32>
    %mul3A_155 = arith.constant 2.500000e-01 : f32
    %mul3A_156 = vector.broadcast %mul3A_155 : f32 to vector<4096x32xf32>
    %mul3A_157 = arith.mulf %dot_general3A_154, %mul3A_156 : vector<4096x32xf32>
    %sub3A_158 = vector.broadcast %dot_general3A_37 : vector<1x32xf32> to vector<4096x32xf32>
    %sub3A_159 = arith.subf %mul3A_157, %sub3A_158 : vector<4096x32xf32>
    %exp3A = math.exp %sub3A_159 : vector<4096x32xf32>
    %mul3A_160 = arith.constant 4096 : i32
    %mul3A_161 = arith.muli %arg0, %mul3A_160 : i32
    %iota3A_162 = tpu.iota {dimensions = array<i32: 0>} : vector<4096x1xi32>
    %add3A = vector.broadcast %mul3A_161 : i32 to vector<4096x1xi32>
    %add3A_163 = arith.addi %add3A, %iota3A_162 : vector<4096x1xi32>
    %lt3A = arith.constant 320000 : i32
    %lt3A_164 = vector.broadcast %lt3A : i32 to vector<4096x1xi32>
    %lt3A_165 = arith.cmpi slt, %add3A_163, %lt3A_164 : vector<4096x1xi32>
    %jit3A_166 = arith.constant 0.000000e+00 : f32
    %broadcast_in_dim3A_167 = vector.shape_cast %lt3A_165 : vector<4096x1xi1> to vector<4096x1xi1>
    %broadcast_in_dim3A_168 = vector.broadcast %broadcast_in_dim3A_167 : vector<4096x1xi1> to vector<4096x32xi1>
    %broadcast_in_dim3A_169 = vector.broadcast %jit3A_166 : f32 to vector<4096x32xf32>
    %select_n3A_170 = arith.select %broadcast_in_dim3A_168, %exp3A, %broadcast_in_dim3A_169 : vector<4096x32xi1>, vector<4096x32xf32>
    %slice3A_171 = vector.extract_strided_slice %get3A_1 {offsets = [0, 64], sizes = [4096, 32], strides = [1, 1]} : vector<4096x128xf32> to vector<4096x32xf32>
    %dot_general3A_172 = arith.constant dense<0.000000e+00> : vector<4096x128xf32>
    %dot_general3A_173 = tpu.matmul %slice3A_171, %select_n3A_115, %dot_general3A_172 {dimension_numbers = #tpu.dot_dimension_numbers<[1], [0], [0], [1], [0, 0, 1, 1], [], []>, transpose_lhs_hint = false} : vector<4096x32xf32>, vector<32x128xf32>, vector<4096x128xf32> -> vector<4096x128xf32>
    %add3A_174 = vector.broadcast %select_n3A_149 : vector<1x128xf32> to vector<4096x128xf32>
    %add3A_175 = arith.addf %dot_general3A_173, %add3A_174 : vector<4096x128xf32>
    %dot_general3A_176 = arith.constant dense<0.000000e+00> : vector<4096x128xf32>
    %dot_general3A_177 = tpu.matmul %select_n3A_170, %select_n3A_136, %dot_general3A_176 {dimension_numbers = #tpu.dot_dimension_numbers<[1], [0], [0], [1], [0, 0, 1, 1], [], []>, transpose_lhs_hint = false} : vector<4096x32xf32>, vector<32x128xf32>, vector<4096x128xf32> -> vector<4096x128xf32>
    %mul3A_178 = arith.mulf %add3A_175, %dot_general3A_177 : vector<4096x128xf32>
    %swap3A = arith.constant 0 : index
    %swap3A_179 = arith.constant 0 : index
    %swap3A_180 = vector.load %arg3[%swap3A, %swap3A_179] : memref<4096x128xf32, #tpu.memory_space<vmem>>, vector<4096x128xf32>
    tpu.vector_store %arg3[%swap3A, %swap3A_179], %mul3A_178 {strides = array<i32>} : memref<4096x128xf32, #tpu.memory_space<vmem>>, vector<4096x128xf32>,
    return
  }
  func.func @transform_0(%arg0: i32) -> (i32, i32) {
    %c0_i32 = arith.constant 0 : i32
    %c0_i32_0 = arith.constant 0 : i32
    return %arg0, %c0_i32 : i32, i32
  }
  func.func @transform_1(%arg0: i32) -> (i32, i32) {
    %c0_i32 = arith.constant 0 : i32
    %c0_i32_0 = arith.constant 0 : i32
    %c0_i32_1 = arith.constant 0 : i32
    return %c0_i32, %c0_i32_0 : i32, i32
  }
  func.func @transform_2(%arg0: i32) -> (i32, i32) {
    %c0_i32 = arith.constant 0 : i32
    %c0_i32_0 = arith.constant 0 : i32
    return %arg0, %c0_i32 : i32, i32
  }
}

module attributes {stable_mosaic.version = 14 : i64} {
  func.func @body(%arg0: i32, %arg1: memref<2x1000x128xf32, #tpu.memory_space<vmem>>, %arg2: memref<1000x32xf32, #tpu.memory_space<vmem>>, %arg3: memref<32x128xf32, #tpu.memory_space<vmem>>, %arg4: memref<1x128xf32, #tpu.memory_space<vmem>>, %arg5: memref<1000x32xf32, #tpu.memory_space<vmem>>, %arg6: memref<1000x64xf32, #tpu.memory_space<vmem>>, %arg7: memref<1000x32xf32, #tpu.memory_space<vmem>>, %arg8: memref<1x4xf32, #tpu.memory_space<vmem>>) attributes {dimension_semantics = [#tpu.dimension_semantics<arbitrary>], iteration_bounds = array<i64: 10>, scalar_prefetch = 0 : i64, scratch_operands = 0 : i64, tpu.core_type = #tpu.core_type<tc>, window_params = [{transform_indices = @transform_0, window_bounds = array<i64: 2, 1000, 128>}, {transform_indices = @transform_1, window_bounds = array<i64: 1000, 32>}, {pipeline_mode = #tpu.pipeline_mode<synchronous>, transform_indices = @transform_2, window_bounds = array<i64: 32, 128>}, {pipeline_mode = #tpu.pipeline_mode<synchronous>, transform_indices = @transform_3, window_bounds = array<i64: 1, 128>}, {transform_indices = @transform_4, window_bounds = array<i64: 1000, 32>}, {transform_indices = @transform_5, window_bounds = array<i64: 1000, 64>}, {transform_indices = @transform_6, window_bounds = array<i64: 1000, 32>}, {pipeline_mode = #tpu.pipeline_mode<synchronous>, transform_indices = @transform_7, window_bounds = array<i64: 1, 4>}]} {
    %get3A = arith.constant 0 : index
    %get3A_0 = arith.constant 0 : index
    %get3A_1 = arith.constant 0 : index
    %get3A_2 = vector.load %arg1[%get3A, %get3A_0, %get3A_1] : memref<2x1000x128xf32, #tpu.memory_space<vmem>>, vector<1x1000x128xf32>
    %get3A_3 = vector.shape_cast %get3A_2 : vector<1x1000x128xf32> to vector<1000x128xf32>
    %get3A_4 = arith.constant 1 : index
    %get3A_5 = arith.constant 0 : index
    %get3A_6 = arith.constant 0 : index
    %get3A_7 = vector.load %arg1[%get3A_4, %get3A_5, %get3A_6] : memref<2x1000x128xf32, #tpu.memory_space<vmem>>, vector<1x1000x128xf32>
    %get3A_8 = vector.shape_cast %get3A_7 : vector<1x1000x128xf32> to vector<1000x128xf32>
    %add3A = arith.addf %get3A_3, %get3A_8 : vector<1000x128xf32>
    %slice3A = vector.extract_strided_slice %add3A {offsets = [0, 32], sizes = [1000, 2], strides = [1, 1]} : vector<1000x128xf32> to vector<1000x2xf32>
    %iota3A = tpu.iota {dimensions = array<i32: 0>} : vector<2x32xi32>
    %iota3A_9 = tpu.iota {dimensions = array<i32: 1>} : vector<2x32xi32>
    %jit3A = arith.constant 16 : i32
    %div3A = vector.broadcast %jit3A : i32 to vector<2x32xi32>
    %div3A_10 = arith.divsi %iota3A_9, %div3A : vector<2x32xi32>
    %sign3A = arith.constant 0 : i32
    %sign3A_11 = vector.broadcast %sign3A : i32 to vector<2x32xi32>
    %sign3A_12 = arith.cmpi sgt, %iota3A_9, %sign3A_11 : vector<2x32xi32>
    %sign3A_13 = arith.extui %sign3A_12 : vector<2x32xi1> to vector<2x32xi32>
    %sign3A_14 = arith.constant 0 : i32
    %sign3A_15 = vector.broadcast %sign3A_14 : i32 to vector<2x32xi32>
    %sign3A_16 = arith.cmpi slt, %iota3A_9, %sign3A_15 : vector<2x32xi32>
    %sign3A_17 = arith.extui %sign3A_16 : vector<2x32xi1> to vector<2x32xi32>
    %sign3A_18 = arith.subi %sign3A_13, %sign3A_17 : vector<2x32xi32>
    %sign3A_19 = arith.constant 0 : i32
    %sign3A_20 = arith.cmpi sgt, %jit3A, %sign3A_19 : i32
    %sign3A_21 = arith.extui %sign3A_20 : i1 to i32
    %sign3A_22 = arith.constant 0 : i32
    %sign3A_23 = arith.cmpi slt, %jit3A, %sign3A_22 : i32
    %sign3A_24 = arith.extui %sign3A_23 : i1 to i32
    %sign3A_25 = arith.subi %sign3A_21, %sign3A_24 : i32
    %ne3A = vector.broadcast %sign3A_25 : i32 to vector<2x32xi32>
    %ne3A_26 = arith.cmpi ne, %sign3A_18, %ne3A : vector<2x32xi32>
    %rem3A = vector.broadcast %jit3A : i32 to vector<2x32xi32>
    %rem3A_27 = arith.remsi %iota3A_9, %rem3A : vector<2x32xi32>
    %ne3A_28 = arith.constant 0 : i32
    %ne3A_29 = vector.broadcast %ne3A_28 : i32 to vector<2x32xi32>
    %ne3A_30 = arith.cmpi ne, %rem3A_27, %ne3A_29 : vector<2x32xi32>
    %and3A = arith.andi %ne3A_26, %ne3A_30 : vector<2x32xi1>
    %sub3A = arith.constant 1 : i32
    %sub3A_31 = vector.broadcast %sub3A : i32 to vector<2x32xi32>
    %sub3A_32 = arith.subi %div3A_10, %sub3A_31 : vector<2x32xi32>
    %select_n3A = arith.select %and3A, %sub3A_32, %div3A_10 : vector<2x32xi1>, vector<2x32xi32>
    %eq3A = arith.cmpi eq, %iota3A, %select_n3A : vector<2x32xi32>
    %jit3A_33 = arith.constant 1.000000e+00 : f32
    %jit3A_34 = arith.constant 0.000000e+00 : f32
    %broadcast_in_dim3A = vector.broadcast %jit3A_33 : f32 to vector<2x32xf32>
    %broadcast_in_dim3A_35 = vector.broadcast %jit3A_34 : f32 to vector<2x32xf32>
    %select_n3A_36 = arith.select %eq3A, %broadcast_in_dim3A, %broadcast_in_dim3A_35 : vector<2x32xi1>, vector<2x32xf32>
    %dot_general3A = arith.constant dense<0.000000e+00> : vector<1000x32xf32>
    %dot_general3A_37 = tpu.matmul %slice3A, %select_n3A_36, %dot_general3A {dimension_numbers = #tpu.dot_dimension_numbers<[1], [0], [0], [1], [0, 0, 1, 1], [], []>, transpose_lhs_hint = false} : vector<1000x2xf32>, vector<2x32xf32>, vector<1000x32xf32> -> vector<1000x32xf32>
    %slice3A_38 = vector.extract_strided_slice %add3A {offsets = [0, 0], sizes = [1000, 32], strides = [1, 1]} : vector<1000x128xf32> to vector<1000x32xf32>
    %add3A_39 = arith.constant 1.000000e-16 : f32
    %add3A_40 = vector.broadcast %add3A_39 : f32 to vector<1000x32xf32>
    %add3A_41 = arith.addf %dot_general3A_37, %add3A_40 : vector<1000x32xf32>
    %div3A_42 = arith.divf %slice3A_38, %add3A_41 : vector<1000x32xf32>
    %get3A_43 = arith.constant 0 : index
    %get3A_44 = arith.constant 0 : index
    %get3A_45 = vector.load %arg2[%get3A_43, %get3A_44] : memref<1000x32xf32, #tpu.memory_space<vmem>>, vector<1000x32xf32>
    %add3A_46 = arith.addf %div3A_42, %get3A_45 : vector<1000x32xf32>
    %gt3A = arith.constant 0.000000e+00 : f32
    %gt3A_47 = vector.broadcast %gt3A : f32 to vector<1000x32xf32>
    %gt3A_48 = arith.cmpf ogt, %add3A_46, %gt3A_47 : vector<1000x32xf32>
    %exp3A = math.exp %add3A_46 : vector<1000x32xf32>
    %sub3A_49 = arith.constant 1.000000e+00 : f32
    %sub3A_50 = vector.broadcast %sub3A_49 : f32 to vector<1000x32xf32>
    %sub3A_51 = arith.subf %exp3A, %sub3A_50 : vector<1000x32xf32>
    %select_n3A_52 = arith.select %gt3A_48, %add3A_46, %sub3A_51 : vector<1000x32xi1>, vector<1000x32xf32>
    %get3A_53 = arith.constant 0 : index
    %get3A_54 = arith.constant 0 : index
    %get3A_55 = vector.load %arg3[%get3A_53, %get3A_54] : memref<32x128xf32, #tpu.memory_space<vmem>>, vector<32x128xf32>
    %dot_general3A_56 = arith.constant dense<0.000000e+00> : vector<1000x128xf32>
    %dot_general3A_57 = tpu.matmul %select_n3A_52, %get3A_55, %dot_general3A_56 {dimension_numbers = #tpu.dot_dimension_numbers<[1], [0], [0], [1], [0, 0, 1, 1], [], []>, transpose_lhs_hint = false} : vector<1000x32xf32>, vector<32x128xf32>, vector<1000x128xf32> -> vector<1000x128xf32>
    %get3A_58 = arith.constant 0 : index
    %get3A_59 = arith.constant 0 : index
    %get3A_60 = vector.load %arg4[%get3A_58, %get3A_59] : memref<1x128xf32, #tpu.memory_space<vmem>>, vector<1x128xf32>
    %add3A_61 = vector.broadcast %get3A_60 : vector<1x128xf32> to vector<1000x128xf32>
    %add3A_62 = arith.addf %dot_general3A_57, %add3A_61 : vector<1000x128xf32>
    %slice3A_63 = vector.extract_strided_slice %add3A_62 {offsets = [0, 0], sizes = [1000, 32], strides = [1, 1]} : vector<1000x128xf32> to vector<1000x32xf32>
    %swap3A = arith.constant 0 : index
    %swap3A_64 = arith.constant 0 : index
    %swap3A_65 = vector.load %arg5[%swap3A, %swap3A_64] : memref<1000x32xf32, #tpu.memory_space<vmem>>, vector<1000x32xf32>
    tpu.vector_store %arg5[%swap3A, %swap3A_64], %slice3A_63 {strides = array<i32>} : memref<1000x32xf32, #tpu.memory_space<vmem>>, vector<1000x32xf32>,
    %slice3A_66 = vector.extract_strided_slice %add3A_62 {offsets = [0, 32], sizes = [1000, 64], strides = [1, 1]} : vector<1000x128xf32> to vector<1000x64xf32>
    %swap3A_67 = arith.constant 0 : index
    %swap3A_68 = arith.constant 0 : index
    %swap3A_69 = vector.load %arg6[%swap3A_67, %swap3A_68] : memref<1000x64xf32, #tpu.memory_space<vmem>>, vector<1000x64xf32>
    tpu.vector_store %arg6[%swap3A_67, %swap3A_68], %slice3A_66 {strides = array<i32>} : memref<1000x64xf32, #tpu.memory_space<vmem>>, vector<1000x64xf32>,
    %slice3A_70 = vector.extract_strided_slice %add3A_62 {offsets = [0, 96], sizes = [1000, 32], strides = [1, 1]} : vector<1000x128xf32> to vector<1000x32xf32>
    %swap3A_71 = arith.constant 0 : index
    %swap3A_72 = arith.constant 0 : index
    %swap3A_73 = vector.load %arg7[%swap3A_71, %swap3A_72] : memref<1000x32xf32, #tpu.memory_space<vmem>>, vector<1000x32xf32>
    tpu.vector_store %arg7[%swap3A_71, %swap3A_72], %slice3A_70 {strides = array<i32>} : memref<1000x32xf32, #tpu.memory_space<vmem>>, vector<1000x32xf32>,
    %slice3A_74 = vector.extract_strided_slice %add3A_62 {offsets = [0, 0], sizes = [1000, 64], strides = [1, 1]} : vector<1000x128xf32> to vector<1000x64xf32>
    %slice3A_75 = vector.extract_strided_slice %add3A_62 {offsets = [0, 0], sizes = [1000, 64], strides = [1, 1]} : vector<1000x128xf32> to vector<1000x64xf32>
    %mul3A = arith.mulf %slice3A_74, %slice3A_75 : vector<1000x64xf32>
    %iota3A_76 = tpu.iota {dimensions = array<i32: 0>} : vector<64x4xi32>
    %iota3A_77 = tpu.iota {dimensions = array<i32: 1>} : vector<64x4xi32>
    %jit3A_78 = arith.constant 16 : i32
    %div3A_79 = vector.broadcast %jit3A_78 : i32 to vector<64x4xi32>
    %div3A_80 = arith.divsi %iota3A_76, %div3A_79 : vector<64x4xi32>
    %sign3A_81 = arith.constant 0 : i32
    %sign3A_82 = vector.broadcast %sign3A_81 : i32 to vector<64x4xi32>
    %sign3A_83 = arith.cmpi sgt, %iota3A_76, %sign3A_82 : vector<64x4xi32>
    %sign3A_84 = arith.extui %sign3A_83 : vector<64x4xi1> to vector<64x4xi32>
    %sign3A_85 = arith.constant 0 : i32
    %sign3A_86 = vector.broadcast %sign3A_85 : i32 to vector<64x4xi32>
    %sign3A_87 = arith.cmpi slt, %iota3A_76, %sign3A_86 : vector<64x4xi32>
    %sign3A_88 = arith.extui %sign3A_87 : vector<64x4xi1> to vector<64x4xi32>
    %sign3A_89 = arith.subi %sign3A_84, %sign3A_88 : vector<64x4xi32>
    %sign3A_90 = arith.constant 0 : i32
    %sign3A_91 = arith.cmpi sgt, %jit3A_78, %sign3A_90 : i32
    %sign3A_92 = arith.extui %sign3A_91 : i1 to i32
    %sign3A_93 = arith.constant 0 : i32
    %sign3A_94 = arith.cmpi slt, %jit3A_78, %sign3A_93 : i32
    %sign3A_95 = arith.extui %sign3A_94 : i1 to i32
    %sign3A_96 = arith.subi %sign3A_92, %sign3A_95 : i32
    %ne3A_97 = vector.broadcast %sign3A_96 : i32 to vector<64x4xi32>
    %ne3A_98 = arith.cmpi ne, %sign3A_89, %ne3A_97 : vector<64x4xi32>
    %rem3A_99 = vector.broadcast %jit3A_78 : i32 to vector<64x4xi32>
    %rem3A_100 = arith.remsi %iota3A_76, %rem3A_99 : vector<64x4xi32>
    %ne3A_101 = arith.constant 0 : i32
    %ne3A_102 = vector.broadcast %ne3A_101 : i32 to vector<64x4xi32>
    %ne3A_103 = arith.cmpi ne, %rem3A_100, %ne3A_102 : vector<64x4xi32>
    %and3A_104 = arith.andi %ne3A_98, %ne3A_103 : vector<64x4xi1>
    %sub3A_105 = arith.constant 1 : i32
    %sub3A_106 = vector.broadcast %sub3A_105 : i32 to vector<64x4xi32>
    %sub3A_107 = arith.subi %div3A_80, %sub3A_106 : vector<64x4xi32>
    %select_n3A_108 = arith.select %and3A_104, %sub3A_107, %div3A_80 : vector<64x4xi1>, vector<64x4xi32>
    %eq3A_109 = arith.cmpi eq, %select_n3A_108, %iota3A_77 : vector<64x4xi32>
    %jit3A_110 = arith.constant 1.000000e+00 : f32
    %jit3A_111 = arith.constant 0.000000e+00 : f32
    %broadcast_in_dim3A_112 = vector.broadcast %jit3A_110 : f32 to vector<64x4xf32>
    %broadcast_in_dim3A_113 = vector.broadcast %jit3A_111 : f32 to vector<64x4xf32>
    %select_n3A_114 = arith.select %eq3A_109, %broadcast_in_dim3A_112, %broadcast_in_dim3A_113 : vector<64x4xi1>, vector<64x4xf32>
    %dot_general3A_115 = arith.constant dense<0.000000e+00> : vector<1000x4xf32>
    %dot_general3A_116 = tpu.matmul %mul3A, %select_n3A_114, %dot_general3A_115 {dimension_numbers = #tpu.dot_dimension_numbers<[1], [0], [0], [1], [0, 0, 1, 1], [], []>, transpose_lhs_hint = false} : vector<1000x64xf32>, vector<64x4xf32>, vector<1000x4xf32> -> vector<1000x4xf32>
    %reduce_max3A = arith.constant dense<0xFF800000> : vector<4xf32>
    %reduce_max3A_117 = vector.multi_reduction <maximumf>, %dot_general3A_116, %reduce_max3A [0] : vector<1000x4xf32> to vector<4xf32>
    %broadcast_in_dim3A_118 = vector.shape_cast %reduce_max3A_117 : vector<4xf32> to vector<1x4xf32>
    %eq3A_119 = arith.constant 0 : i32
    %eq3A_120 = arith.cmpi eq, %arg0, %eq3A_119 : i32
    %convert_element_type3A = arith.extui %eq3A_120 : i1 to i32
    %cond3A = arith.constant 0 : i32
    %cond3A_121 = arith.cmpi ne, %convert_element_type3A, %cond3A : i32
    scf.if %cond3A_121 {
      %broadcast_in_dim3A_128 = arith.constant 0.000000e+00 : f32
      %broadcast_in_dim3A_129 = vector.broadcast %broadcast_in_dim3A_128 : f32 to vector<1x4xf32>
      %swap3A_130 = arith.constant 0 : index
      %swap3A_131 = arith.constant 0 : index
      %swap3A_132 = vector.load %arg8[%swap3A_130, %swap3A_131] : memref<1x4xf32, #tpu.memory_space<vmem>>, vector<1x4xf32>
      tpu.vector_store %arg8[%swap3A_130, %swap3A_131], %broadcast_in_dim3A_129 {strides = array<i32>} : memref<1x4xf32, #tpu.memory_space<vmem>>, vector<1x4xf32>,
    } else {
    }
    %get3A_122 = arith.constant 0 : index
    %get3A_123 = arith.constant 0 : index
    %get3A_124 = vector.load %arg8[%get3A_122, %get3A_123] : memref<1x4xf32, #tpu.memory_space<vmem>>, vector<1x4xf32>
    %max3A = arith.maximumf %get3A_124, %broadcast_in_dim3A_118 : vector<1x4xf32>
    %swap3A_125 = arith.constant 0 : index
    %swap3A_126 = arith.constant 0 : index
    %swap3A_127 = vector.load %arg8[%swap3A_125, %swap3A_126] : memref<1x4xf32, #tpu.memory_space<vmem>>, vector<1x4xf32>
    tpu.vector_store %arg8[%swap3A_125, %swap3A_126], %max3A {strides = array<i32>} : memref<1x4xf32, #tpu.memory_space<vmem>>, vector<1x4xf32>,
    return
  }
  func.func @transform_0(%arg0: i32) -> (i32, i32, i32) {
    %c0_i32 = arith.constant 0 : i32
    %c0_i32_0 = arith.constant 0 : i32
    %c0_i32_1 = arith.constant 0 : i32
    return %c0_i32, %arg0, %c0_i32_0 : i32, i32, i32
  }
  func.func @transform_1(%arg0: i32) -> (i32, i32) {
    %c0_i32 = arith.constant 0 : i32
    %c0_i32_0 = arith.constant 0 : i32
    return %arg0, %c0_i32 : i32, i32
  }
  func.func @transform_2(%arg0: i32) -> (i32, i32) {
    %c0_i32 = arith.constant 0 : i32
    %c0_i32_0 = arith.constant 0 : i32
    %c0_i32_1 = arith.constant 0 : i32
    return %c0_i32, %c0_i32_0 : i32, i32
  }
  func.func @transform_3(%arg0: i32) -> (i32, i32) {
    %c0_i32 = arith.constant 0 : i32
    %c0_i32_0 = arith.constant 0 : i32
    %c0_i32_1 = arith.constant 0 : i32
    return %c0_i32, %c0_i32_0 : i32, i32
  }
  func.func @transform_4(%arg0: i32) -> (i32, i32) {
    %c0_i32 = arith.constant 0 : i32
    %c0_i32_0 = arith.constant 0 : i32
    return %arg0, %c0_i32 : i32, i32
  }
  func.func @transform_5(%arg0: i32) -> (i32, i32) {
    %c0_i32 = arith.constant 0 : i32
    %c0_i32_0 = arith.constant 0 : i32
    return %arg0, %c0_i32 : i32, i32
  }
  func.func @transform_6(%arg0: i32) -> (i32, i32) {
    %c0_i32 = arith.constant 0 : i32
    %c0_i32_0 = arith.constant 0 : i32
    return %arg0, %c0_i32 : i32, i32
  }
  func.func @transform_7(%arg0: i32) -> (i32, i32) {
    %c0_i32 = arith.constant 0 : i32
    %c0_i32_0 = arith.constant 0 : i32
    %c0_i32_1 = arith.constant 0 : i32
    return %c0_i32, %c0_i32_0 : i32, i32
  }
}

module attributes {stable_mosaic.version = 14 : i64} {
  func.func @body(%arg0: i32, %arg1: memref<2x1000x128xf32, #tpu.memory_space<vmem>>, %arg2: memref<1000x32xf32, #tpu.memory_space<vmem>>, %arg3: memref<32x40xf32, #tpu.memory_space<vmem>>, %arg4: memref<1x40xf32, #tpu.memory_space<vmem>>, %arg5: memref<1000x40xf32, #tpu.memory_space<vmem>>) attributes {dimension_semantics = [#tpu.dimension_semantics<arbitrary>], iteration_bounds = array<i64: 10>, scalar_prefetch = 0 : i64, scratch_operands = 0 : i64, tpu.core_type = #tpu.core_type<tc>, window_params = [{transform_indices = @transform_0, window_bounds = array<i64: 2, 1000, 128>}, {transform_indices = @transform_1, window_bounds = array<i64: 1000, 32>}, {pipeline_mode = #tpu.pipeline_mode<synchronous>, transform_indices = @transform_2, window_bounds = array<i64: 32, 40>}, {pipeline_mode = #tpu.pipeline_mode<synchronous>, transform_indices = @transform_3, window_bounds = array<i64: 1, 40>}, {transform_indices = @transform_4, window_bounds = array<i64: 1000, 40>}]} {
    %get3A = arith.constant 0 : index
    %get3A_0 = arith.constant 0 : index
    %get3A_1 = arith.constant 0 : index
    %get3A_2 = vector.load %arg1[%get3A, %get3A_0, %get3A_1] : memref<2x1000x128xf32, #tpu.memory_space<vmem>>, vector<1x1000x128xf32>
    %get3A_3 = vector.shape_cast %get3A_2 : vector<1x1000x128xf32> to vector<1000x128xf32>
    %get3A_4 = arith.constant 1 : index
    %get3A_5 = arith.constant 0 : index
    %get3A_6 = arith.constant 0 : index
    %get3A_7 = vector.load %arg1[%get3A_4, %get3A_5, %get3A_6] : memref<2x1000x128xf32, #tpu.memory_space<vmem>>, vector<1x1000x128xf32>
    %get3A_8 = vector.shape_cast %get3A_7 : vector<1x1000x128xf32> to vector<1000x128xf32>
    %add3A = arith.addf %get3A_3, %get3A_8 : vector<1000x128xf32>
    %slice3A = vector.extract_strided_slice %add3A {offsets = [0, 32], sizes = [1000, 2], strides = [1, 1]} : vector<1000x128xf32> to vector<1000x2xf32>
    %iota3A = tpu.iota {dimensions = array<i32: 0>} : vector<2x32xi32>
    %iota3A_9 = tpu.iota {dimensions = array<i32: 1>} : vector<2x32xi32>
    %jit3A = arith.constant 16 : i32
    %div3A = vector.broadcast %jit3A : i32 to vector<2x32xi32>
    %div3A_10 = arith.divsi %iota3A_9, %div3A : vector<2x32xi32>
    %sign3A = arith.constant 0 : i32
    %sign3A_11 = vector.broadcast %sign3A : i32 to vector<2x32xi32>
    %sign3A_12 = arith.cmpi sgt, %iota3A_9, %sign3A_11 : vector<2x32xi32>
    %sign3A_13 = arith.extui %sign3A_12 : vector<2x32xi1> to vector<2x32xi32>
    %sign3A_14 = arith.constant 0 : i32
    %sign3A_15 = vector.broadcast %sign3A_14 : i32 to vector<2x32xi32>
    %sign3A_16 = arith.cmpi slt, %iota3A_9, %sign3A_15 : vector<2x32xi32>
    %sign3A_17 = arith.extui %sign3A_16 : vector<2x32xi1> to vector<2x32xi32>
    %sign3A_18 = arith.subi %sign3A_13, %sign3A_17 : vector<2x32xi32>
    %sign3A_19 = arith.constant 0 : i32
    %sign3A_20 = arith.cmpi sgt, %jit3A, %sign3A_19 : i32
    %sign3A_21 = arith.extui %sign3A_20 : i1 to i32
    %sign3A_22 = arith.constant 0 : i32
    %sign3A_23 = arith.cmpi slt, %jit3A, %sign3A_22 : i32
    %sign3A_24 = arith.extui %sign3A_23 : i1 to i32
    %sign3A_25 = arith.subi %sign3A_21, %sign3A_24 : i32
    %ne3A = vector.broadcast %sign3A_25 : i32 to vector<2x32xi32>
    %ne3A_26 = arith.cmpi ne, %sign3A_18, %ne3A : vector<2x32xi32>
    %rem3A = vector.broadcast %jit3A : i32 to vector<2x32xi32>
    %rem3A_27 = arith.remsi %iota3A_9, %rem3A : vector<2x32xi32>
    %ne3A_28 = arith.constant 0 : i32
    %ne3A_29 = vector.broadcast %ne3A_28 : i32 to vector<2x32xi32>
    %ne3A_30 = arith.cmpi ne, %rem3A_27, %ne3A_29 : vector<2x32xi32>
    %and3A = arith.andi %ne3A_26, %ne3A_30 : vector<2x32xi1>
    %sub3A = arith.constant 1 : i32
    %sub3A_31 = vector.broadcast %sub3A : i32 to vector<2x32xi32>
    %sub3A_32 = arith.subi %div3A_10, %sub3A_31 : vector<2x32xi32>
    %select_n3A = arith.select %and3A, %sub3A_32, %div3A_10 : vector<2x32xi1>, vector<2x32xi32>
    %eq3A = arith.cmpi eq, %iota3A, %select_n3A : vector<2x32xi32>
    %jit3A_33 = arith.constant 1.000000e+00 : f32
    %jit3A_34 = arith.constant 0.000000e+00 : f32
    %broadcast_in_dim3A = vector.broadcast %jit3A_33 : f32 to vector<2x32xf32>
    %broadcast_in_dim3A_35 = vector.broadcast %jit3A_34 : f32 to vector<2x32xf32>
    %select_n3A_36 = arith.select %eq3A, %broadcast_in_dim3A, %broadcast_in_dim3A_35 : vector<2x32xi1>, vector<2x32xf32>
    %dot_general3A = arith.constant dense<0.000000e+00> : vector<1000x32xf32>
    %dot_general3A_37 = tpu.matmul %slice3A, %select_n3A_36, %dot_general3A {dimension_numbers = #tpu.dot_dimension_numbers<[1], [0], [0], [1], [0, 0, 1, 1], [], []>, transpose_lhs_hint = false} : vector<1000x2xf32>, vector<2x32xf32>, vector<1000x32xf32> -> vector<1000x32xf32>
    %slice3A_38 = vector.extract_strided_slice %add3A {offsets = [0, 0], sizes = [1000, 32], strides = [1, 1]} : vector<1000x128xf32> to vector<1000x32xf32>
    %add3A_39 = arith.constant 1.000000e-16 : f32
    %add3A_40 = vector.broadcast %add3A_39 : f32 to vector<1000x32xf32>
    %add3A_41 = arith.addf %dot_general3A_37, %add3A_40 : vector<1000x32xf32>
    %div3A_42 = arith.divf %slice3A_38, %add3A_41 : vector<1000x32xf32>
    %get3A_43 = arith.constant 0 : index
    %get3A_44 = arith.constant 0 : index
    %get3A_45 = vector.load %arg2[%get3A_43, %get3A_44] : memref<1000x32xf32, #tpu.memory_space<vmem>>, vector<1000x32xf32>
    %add3A_46 = arith.addf %div3A_42, %get3A_45 : vector<1000x32xf32>
    %get3A_47 = arith.constant 0 : index
    %get3A_48 = arith.constant 0 : index
    %get3A_49 = vector.load %arg3[%get3A_47, %get3A_48] : memref<32x40xf32, #tpu.memory_space<vmem>>, vector<32x40xf32>
    %dot_general3A_50 = arith.constant dense<0.000000e+00> : vector<1000x40xf32>
    %dot_general3A_51 = tpu.matmul %add3A_46, %get3A_49, %dot_general3A_50 {dimension_numbers = #tpu.dot_dimension_numbers<[1], [0], [0], [1], [0, 0, 1, 1], [], []>, transpose_lhs_hint = false} : vector<1000x32xf32>, vector<32x40xf32>, vector<1000x40xf32> -> vector<1000x40xf32>
    %get3A_52 = arith.constant 0 : index
    %get3A_53 = arith.constant 0 : index
    %get3A_54 = vector.load %arg4[%get3A_52, %get3A_53] : memref<1x40xf32, #tpu.memory_space<vmem>>, vector<1x40xf32>
    %add3A_55 = vector.broadcast %get3A_54 : vector<1x40xf32> to vector<1000x40xf32>
    %add3A_56 = arith.addf %dot_general3A_51, %add3A_55 : vector<1000x40xf32>
    %swap3A = arith.constant 0 : index
    %swap3A_57 = arith.constant 0 : index
    %swap3A_58 = vector.load %arg5[%swap3A, %swap3A_57] : memref<1000x40xf32, #tpu.memory_space<vmem>>, vector<1000x40xf32>
    tpu.vector_store %arg5[%swap3A, %swap3A_57], %add3A_56 {strides = array<i32>} : memref<1000x40xf32, #tpu.memory_space<vmem>>, vector<1000x40xf32>,
    return
  }
  func.func @transform_0(%arg0: i32) -> (i32, i32, i32) {
    %c0_i32 = arith.constant 0 : i32
    %c0_i32_0 = arith.constant 0 : i32
    %c0_i32_1 = arith.constant 0 : i32
    return %c0_i32, %arg0, %c0_i32_0 : i32, i32, i32
  }
  func.func @transform_1(%arg0: i32) -> (i32, i32) {
    %c0_i32 = arith.constant 0 : i32
    %c0_i32_0 = arith.constant 0 : i32
    return %arg0, %c0_i32 : i32, i32
  }
  func.func @transform_2(%arg0: i32) -> (i32, i32) {
    %c0_i32 = arith.constant 0 : i32
    %c0_i32_0 = arith.constant 0 : i32
    %c0_i32_1 = arith.constant 0 : i32
    return %c0_i32, %c0_i32_0 : i32, i32
  }
  func.func @transform_3(%arg0: i32) -> (i32, i32) {
    %c0_i32 = arith.constant 0 : i32
    %c0_i32_0 = arith.constant 0 : i32
    %c0_i32_1 = arith.constant 0 : i32
    return %c0_i32, %c0_i32_0 : i32, i32
  }
  func.func @transform_4(%arg0: i32) -> (i32, i32) {
    %c0_i32 = arith.constant 0 : i32
    %c0_i32_0 = arith.constant 0 : i32
    return %arg0, %c0_i32 : i32, i32
  }
}

</mosaic_0001>

<sc_bundles>
// kernel: kernel.11.cloned.1.call-start
scs
__scs_entry_jumppad:
0x0: {  	(pc) =	sbr.rel $0x88, $3  }
0x1: {  	(tag) =	ssettag $0x0;
	lr =	simm.s32 $0x1  }
0x2: {  	[smem:$0x3F8D] =	sst lr;
	_ =	strace $0xD0000000  }
0x3: {  	_ = 	snop  }
0x4: {  	_ = 	snop  }
0x5: {  	_ = 	snop  }
0x6: {  	_ = 	snop  }
0x7: {  	_ = 	snop  }
__scs_overlays_trampoline_lowered:
0x8: {  	[smem:$0x3F9C] =	sst s0  }
0x9: {  	[smem:$0x3F9D] =	sst s1  }
0xa: {  	[smem:$0x3F9E] =	sst s2  }
0xb: {  	[smem:$0x3F9F] =	sst s3  }
0xc: {  	[smem:$0x3FA0] =	sst s4  }
0xd: {  	[smem:$0x3FA1] =	sst s5  }
0xe: {  	[smem:$0x3FA2] =	sst s6  }
0xf: {  	[smem:$0x3FA3] =	sst s7  }
0x10: {  	[smem:$0x3FA4] =	sst s8  }
0x11: {  	[smem:$0x3FA5] =	sst s9;
	s0 =	simm.s32 @!p0 $0x0  }
0x12: {  	s1 =	sld [smem:$0x3F8B];
	s0 =	simm.s32 @p0 $0x1  }
0x13: {  	[smem:$0x3FA6] =	sst s0;
	s0 =	simm.s32 @!p1 $0x0  }
0x14: {  	s2 =	sld [smem:$0x3F8A];
	s0 =	simm.s32 @p1 $0x1  }
0x15: {  	[smem:$0x3FA7] =	sst s0;
	s0 =	simm.s32 @!p2 $0x0  }
0x16: {  	s3 =	sld [smem:$0x3FDB];
	s0 =	simm.s32 @p2 $0x1  }
0x17: {  	s4 =	simm.s32 $0x1BF5;
	[smem:$0x3FA9] =	sst s0  }
0x18: {  	s0 =	sld [smem:$0x3F8C];
	_ =	swait.ge [sflag:s4], $0x0  }
0x19: {  	s7 =	sld [smem:$0x3F8D]  }
0x1a: {  	s8 =	sadd.s32 $0xFFFFE003, lr  }
0x1b: {  	s9 =	sadd.s32 $0xFFFFFEF7, lr;
	s5 =	simm.s32 $0xFFFFFFFF;
	p2 =	slt.u32 s8, $0xFFFFF086  }
0x1c: {  	p1 =	slt.u32 s9, $0xF7A;
	s5 =	simm.s32 @!p2 $0x0  }
0x1d: {  	s5 =	simm.s32 @p1 $0x1;
	p0 =	seq.s32 s7, s2  }
0x1e: {  	s7 =	smul.u32 @!p0 $0xF7A, s2;
	p2 =	seq.s32 @!p0 s5, $0x0  }
0x1f: {  	s9 =	smul.u32 $0xF7A, s1;
	s8 =	simm.s32 @!p0 $0x1BF5;
	p2 =	por !p2, p0  }
0x20: {  	[sflag:s8] =	ssyncset.s32 @!p0 $0xFFFFF086;
	s6 =	sadd.s32 @!p0 s3, s7;
	s7 =	simm.s32 @!p0 $0x108  }
0x21: {  	s3 =	sadd.s32 s3, s9;
	s6 =	sadd.s32 @!p0 $0x88, s6;
	s7 =	simm.s32 @p2 $0x1082  }
0x22: {  	[simem:s7], [sflag:s8] =	dma.local @!p0 [hbm:s6], $0xF7A  }
0x23: {  	s9 =	sor.u32 $0xD0000000, s2;
	s6 =	simm.s32 $0x108;
	_ =	swait.ge @!p0 [sflag:s8], $0x0  }
0x24: {  	s3 =	sadd.s32 $0x88, s3;
	s6 =	simm.s32 @!p1 $0x1082;
	[sflag:s4] =	ssyncset.s32 $0xFFFFF086  }
0x25: {  	[simem:s6], [sflag:s4] =	dma.local [hbm:s3], $0xF7A  }
0x26: {  	[smem:$0x3F8D] =	sst s1;
	(tag) =	ssettag s2;
	_ =	strace s9  }
0x27: {  	s1 =	sld [smem:$0x3F9D]  }
0x28: {  	s2 =	sld [smem:$0x3F9E]  }
0x29: {  	s4 =	sld [smem:$0x3FA0]  }
0x2a: {  	p0 =	seq.s32 s5, $0x0;
	s5 =	sld [smem:$0x3FA1]  }
0x2b: {  	s6 =	sld [smem:$0x3FA2]  }
0x2c: {  	s7 =	sld [smem:$0x3FA3]  }
0x2d: {  	s3 =	simm.s32 $0x108;
	s8 =	sld [smem:$0x3FA4]  }
0x2e: {  	s3 =	simm.s32 @!p0 $0x1082;
	s9 =	sld [smem:$0x3FA5]  }
0x2f: {  	lr =	sadd.s32 s0, s3;
	s0 =	sld [smem:$0x3F9C]  }
0x30: {  	s3 =	sld [smem:$0x3F9F]  }
0x31: {  	[smem:$0x3FA8] =	sst s10  }
0x32: {  	s10 =	sld [smem:$0x3FA6];
	_ =	sdelay $0x3  }
0x33: {  	p0 =	seq.s32 s10, $0x1;
	s10 =	sld [smem:$0x3FA8];
	_ =	sdelay $0x3  }
0x34: {  	[smem:$0x3FA8] =	sst s10  }
0x35: {  	s10 =	sld [smem:$0x3FA7];
	_ =	sdelay $0x3  }
0x36: {  	p1 =	seq.s32 s10, $0x1;
	s10 =	sld [smem:$0x3FA8];
	_ =	sdelay $0x3  }
0x37: {  	[smem:$0x3FA8] =	sst s10  }
0x38: {  	s10 =	sld [smem:$0x3FA9]  }
0x39: {  	_ = 	snop;
	(pc) =	sbr.ind lr, $3  }
0x3a: {  	_ = 	snop  }
0x3b: {  	_ = 	snop  }
0x3c: {  	p2 =	seq.s32 s10, $0x1;
	s10 =	sld [smem:$0x3FA8]  }
0x3d: {  	_ =	shalt  }
0x3e: {  	_ =	shalt  }
0x3f: {  	_ =	shalt  }
0x40: {  	_ =	shalt  }
0x41: {  	_ =	shalt  }
0x42: {  	_ =	shalt  }
0x43: {  	_ =	shalt  }
0x44: {  	_ =	shalt  }
0x45: {  	_ =	shalt  }
0x46: {  	_ =	shalt  }
0x47: {  	_ =	shalt  }
0x48: {  	_ =	shalt  }
0x49: {  	_ =	shalt  }
0x4a: {  	_ =	shalt  }
0x4b: {  	_ =	shalt  }
0x4c: {  	_ =	shalt  }
0x4d: {  	_ =	shalt  }
0x4e: {  	_ =	shalt  }
0x4f: {  	_ =	shalt  }
0x50: {  	_ =	shalt  }
0x51: {  	_ =	shalt  }
0x52: {  	_ =	shalt  }
0x53: {  	_ =	shalt  }
0x54: {  	_ =	shalt  }
0x55: {  	_ =	shalt  }
0x56: {  	_ =	shalt  }
0x57: {  	_ =	shalt  }
0x58: {  	_ =	shalt  }
0x59: {  	_ =	shalt  }
0x5a: {  	_ =	shalt  }
0x5b: {  	_ =	shalt  }
0x5c: {  	_ =	shalt  }
0x5d: {  	_ =	shalt  }
0x5e: {  	_ =	shalt  }
0x5f: {  	_ =	shalt  }
0x60: {  	_ =	shalt  }
0x61: {  	_ =	shalt  }
0x62: {  	_ =	shalt  }
0x63: {  	_ =	shalt  }
0x64: {  	_ =	shalt  }
0x65: {  	_ =	shalt  }
0x66: {  	_ =	shalt  }
0x67: {  	_ =	shalt  }
0x68: {  	_ =	shalt  }
0x69: {  	_ =	shalt  }
0x6a: {  	_ =	shalt  }
0x6b: {  	_ =	shalt  }
0x6c: {  	_ =	shalt  }
0x6d: {  	_ =	shalt  }
0x6e: {  	_ =	shalt  }
0x6f: {  	_ =	shalt  }
0x70: {  	_ =	shalt  }
0x71: {  	_ =	shalt  }
0x72: {  	_ =	shalt  }
0x73: {  	_ =	shalt  }
0x74: {  	_ =	shalt  }
0x75: {  	_ =	shalt  }
0x76: {  	_ =	shalt  }
0x77: {  	_ =	shalt  }
0x78: {  	_ =	shalt  }
0x79: {  	_ =	shalt  }
0x7a: {  	_ =	shalt  }
0x7b: {  	_ =	shalt  }
0x7c: {  	_ =	shalt  }
0x7d: {  	_ =	shalt  }
0x7e: {  	_ =	shalt  }
0x7f: {  	_ =	shalt  }
0x80: {  	_ =	shalt  }
0x81: {  	_ =	shalt  }
0x82: {  	_ =	shalt  }
0x83: {  	_ =	shalt  }
0x84: {  	_ =	shalt  }
0x85: {  	_ =	shalt  }
0x86: {  	_ =	shalt  }
0x87: {  	_ =	shalt  }
.Lfunc_end0:
.L_simem_size_0:
called_computation_lowered:
.L_overlay_start_0:
0x88: {  	s2 =	sld [smem:$0x3FD9]  }
0x89: {  	s3 =	sld [smem:$0x3FFE];
	_ =	sdelay $0x1  }
0x8a: {  	s1 =	srdreg.scid  }
0x8b: {  	s0 =	sand.u32 $0x1, s1  }
0x8c: {  	s17 =	sshll.u32 s0, $0xA;
	s2 =	sadd.s32 s3, s2  }
0x8d: {  	s2 =	sadd.s32 s2, s17  }
0x8e: {  	[smem:$0x3FB4] =	sst s2  }
0x8f: {  	_ = 	snop  }
0x90: {  	s2 =	sld [smem:$0x3FD0];
	(tm) =	ssettm $0x1  }
0x91: {  	s18 =	sld [smem:$0x3FFB];
	_ =	sdelay $0x3  }
0x92: {  	_ =	strace s18  }
0x93: {  	s3 =	sld [smem:$0x3FFC];
	_ =	sdelay $0x3  }
0x94: {  	_ =	strace s3  }
0x95: {  	s3 =	sld [smem:$0x3FFD];
	_ =	sdelay $0x3  }
0x96: {  	_ =	strace s3  }
0x97: {  	_ =	strace $0x8FFFFFFF  }
0x98: {  	s19 =	sld [smem:$0x3FDB];
	_ =	sdelay $0x1  }
0x99: {  	s4 =	simm.s32 $_scs_section_size  }
0x9a: {  	s5 =	simm.s32 $_size__tile_overlayer_lowered;
	s6 =	simm.s32 $_tile_overlayer_lowered  }
0x9b: {  	s22 =	simm.s32 $0x1BFF;
	s21 =	sshll.u32 s6, $0x1;
	s3 =	sadd.s32 s4, s19  }
0x9c: {  	s7 =	simm.s32 $0x0;
	s20 =	sshll.u32 s5, $0x1;
	s5 =	sadd.s32 s21, s3  }
0x9d: {  	[timem:s7], [sflag:s22] =	dma.local [hbm:s5], s20  }
0x9e: {  	_ =	swait.ge [sflag:s22], s20  }
0x9f: {  	s4 =	ssub.s32 $0x0, s20;
	[sflag:s22] =	ssyncset.done $0x0  }
0xa0: {  	[sflag:s22] =	ssyncadd.s32 s4;
	_ =	sdelay $0x1  }
0xa1: {  	s23 =	simm.s32 $0x1B8B  }
0xa2: {  	_ =	swait.ge [sflag:s23], $0x1  }
0xa3: {  	[sflag:s23] =	ssyncset.done $0x0  }
0xa4: {  	s25 =	simm.s32 $0x1B8E;
	s24 =	sld [smem:$0x3FFE];
	[sflag:s23] =	ssyncadd.s32 $0xFFFFFFFF  }
0xa5: {  	s26 =	simm.s32 $execute0_lowered;
	[smem:$0x3FD2] =	sst s25  }
0xa6: {  	s5 =	sshll.u32 s26, $0x1;
	_ =	strace $0x80000046;
	[dreg:$0x1] =	wrdreg $0xFFFFFFFF  }
0xa7: {  	s28 =	simm.s32 $_size_execute0_lowered;
	s3 =	sadd.s32 s3, s5;
	[dreg:$0x0] =	wrdreg $0x0  }
0xa8: {  	s5 =	sshll.u32 s28, $0x1;
	[dreg:$0x2] =	wrdreg s3  }
0xa9: {  	[dreg:$0x3] =	wrdreg s5  }
0xaa: {  	[dreg:$0x4] =	wrdreg $0xC0  }
0xab: {  	_ =	task [dreg:s7], $0x5FFFF  }
0xac: {  	[dreg:$0x1] =	wrdreg $0xFFFFFFFF  }
0xad: {  	[dreg:$0x0] =	wrdreg $0x60  }
0xae: {  	[dreg:$0x2] =	wrdreg s24  }
0xaf: {  	[dreg:$0x3] =	wrdreg s2  }
0xb0: {  	[dreg:$0x4] =	wrdreg $0x110000  }
0xb1: {  	[dreg:$0x5] =	wrdreg $0x15E200  }
0xb2: {  	[dreg:$0x6] =	wrdreg $0x9  }
0xb3: {  	_ =	task.clear_ibuf [dreg:s7], $0x7FFFF;
	_ =	strace $0x90000046  }
0xb4: {  	s29 =	simm.s32 $0x9;
	_ =	strace $0x80000048  }
0xb5: {  	_ =	swait.ge [sflag:s29], $0x1  }
0xb6: {  	[sflag:s29] =	ssyncadd.s32 $0xFFFFFFFF  }
0xb7: {  	_ =	strace $0x90000048  }
0xb8: {  	_ =	sfence  }
0xb9: {  	s30 =	sld [smem:$0x0];
	_ =	sdelay $0x2  }
0xba: {  	s31 =	sshll.u32 s1, $0xD;
	s1 =	sshrl.u32 s1, $0x2  }
0xbb: {  	s3 =	sand.u32 $0x4000, s31;
	s1 =	sadd.s32 s1, s30  }
0xbc: {  	s0 =	sor.u32 s3, s0;
	s1 =	sshll.u32 s1, $0x11  }
0xbd: {  	s0 =	sor.u32 s1, s0  }
0xbe: {  	s0 =	sadd.s32 $0x8F2B, s0  }
0xbf: {  	[sflag:s0] =	ssyncadd.remote.s32 $0x1  }
0xc0: {  	_ =	sfence.sel $0xFFFF  }
0xc1: {  	[dreg:$0x0] =	wrdreg $0xFFFFFFFF;
	(pc) =	sbr.abs _section_cstart, $3  }
0xc2: {  	[dreg:$0x1] =	wrdreg $0xFFFFFFFF  }
0xc3: {  	_ =	task.clear_ibuf [dreg:s7], $0x2FFFF;
	_ =	strace $0x9FFFFFFF  }
0xc4: {  	(tm) =	ssettm $0x7FFFFFFF  }
0xc5: {  	_ =	shalt  }
tec
execute0_lowered:
.L_overlay_start_1:
0x0: {  	(tag) =	ssettag $0x1  }
0x1: {  	s0 =	rddreg [dreg:$0x0]  }
0x2: {  	s1 =	rddreg [dreg:$0x1]  }
0x3: {  	s2 =	rddreg [dreg:$0x2]  }
0x4: {  	s3 =	rddreg [dreg:$0x3];
	s16 =	stileid.u32;
	s4 =	simm.s32 $0x0  }
0x5: {  	s6 =	srdreg.scid;
	s25 =	simm.s32 $0x8000;
	s26 =	simm.s32 $0xF000  }
0x6: {  	s28 =	simm.s32 $0x20;
	s29 =	simm.s32 $0x6;
	s5 =	smul.u32 $0x4E20, s16  }
0x7: {  	s30 =	simm.s32 $0x40;
	s31 =	simm.s32 $0x2;
	s7 =	smul.u32 $0x9C40, s16  }
0x8: {  	s6 =	sand.u32 $0x1, s6;
	s8 =	sshll.u32 s16, $0x1;
	[smem:$0x7FF] =	sst s4  }
0x9: {  	s13 =	smul.u32 $0x280000, s16;
	s17 =	sshll.u32 s16, $0x6;
	s8 =	sor.u32 s6, s8  }
0xa: {  	_ =	strace $0x80000047;
	s12 =	ssub.s32 $0x2, s6;
	s15 =	smul.u32 $0x140000, s6  }
0xb: {  	s6 =	sor.u32 $0x1C05, s17;
	s17 =	simm.s32 $0x80;
	[dreg:$0x5] =	wrdreg s25  }
0xc: {  	[dreg:$0x6] =	wrdreg s26;
	s25 =	simm.s32 $0x1;
	s26 =	simm.s32 $0x3  }
0xd: {  	s9 =	sshrl.u32 s5, $0x3;
	s10 =	sshrl.u32 s7, $0x3;
	s8 =	smul.u32 $0x500, s8  }
0xe: {  	s14 =	sshrl.u32 s12, $0x1;
	s5 =	sadd.s32 s5, s2;
	s7 =	sadd.s32 s7, s3  }
0xf: {  	s9 =	sadd.s32 s9, s0;
	s10 =	sadd.s32 s10, s0;
	s12 =	ssub.s32 s12, s14  }
0x10: {  	s18 =	sadd.s32 s15, s13;
	s24 =	sshrl.u32 s5, $0x3;
	s14 =	simm.s32 $0x5  }
0x11: {  	s15 =	sshrl.u32 s7, $0x3;
	s11 =	sadd.s32 s8, s0;
	s0 =	sadd.s32 $0x53000, s0  }
0x12: {  	s9 =	sadd.s32 $0x3F200, s9;
	s10 =	sadd.s32 $0x2B800, s10;
	[dreg:$0xc] =	wrdreg s24  }
0x13: {  	s19 =	sor.u32 $0x8000, s18;
	s1 =	sadd.s32 s1, s8;
	[dreg:$0x7] =	wrdreg s9  }
0x14: {  	s20 =	sshrl.u32 s18, $0x3;
	s23 =	smax.u32 s12, $0x1;
	[dreg:$0x8] =	wrdreg s10  }
0x15: {  	s18 =	simm.s32 $0x5000;
	s24 =	simm.s32 $0xD000;
	[dreg:$0x9] =	wrdreg s1  }
0x16: {  	s21 =	sshrl.u32 s19, $0x3;
	s22 =	sadd.s32 $0x49000, s11;
	s1 =	sadd.s32 s20, s0  }
0x17: {  	[dreg:$0xb] =	wrdreg s23;
	s19 =	simm.s32 $0x9000;
	s23 =	simm.s32 $0x7000  }
0x18: {  	[dreg:$0xa] =	wrdreg s22;
	s0 =	sadd.s32 s21, s0;
	s11 =	sadd.s32 $0x4, s1  }
0x19: {  	s1 =	simm.s32 $0x0;
	s12 =	sadd.s32 $0x4, s0;
	s0 =	simm.s32 $0x4  }
.LBB2_1:
0x1a: {  	s5 =	rddreg [dreg:$0x7]  }
0x1b: {  	s7 =	rddreg [dreg:$0xc]  }
0x1c: {  	[spmem:s7], [sflag:s6] =	dma.local [hbm:s5], $0x9C4  }
0x1d: {  	_ =	swait.ge [sflag:s14], $0x9C4  }
0x1e: {  	[sflag:s14] =	ssyncset.done $0x0  }
0x1f: {  	s13 =	rddreg [dreg:$0x8];
	[sflag:s14] =	ssyncadd.s32 $0xFFFFF63C  }
0x20: {  	[spmem:s15], [sflag:s6] =	dma.local [hbm:s13], $0x1388  }
0x21: {  	_ =	swait.ge [sflag:s14], $0x1388  }
0x22: {  	[sflag:s14] =	ssyncset.done $0x0  }
0x23: {  	s16 =	rddreg [dreg:$0x9];
	[sflag:s14] =	ssyncadd.s32 $0xFFFFEC78  }
0x24: {  	[tilespmem:s4], [sflag:$0x5] =	stream.linear.gather [hbm4b:s16+s4], $0x2800, $0x38;
	[tilespmem:$0x1FA60] =	vst v63  }
0x25: {  	_ =	swait.ge [sflag:s14], $0x2800  }
0x26: {  	[sflag:s14] =	ssyncset.done $0x0  }
0x27: {  	s21 =	simm.s32 $0x2800;
	s20 =	rddreg [dreg:$0xa];
	[sflag:s14] =	ssyncadd.s32 $0xFFFFD800  }
0x28: {  	[tilespmem:s21], [sflag:$0x5] =	stream.linear.gather [hbm4b:s20+s4], $0x2800, $0x38;
	[tilespmem:$0x1FA60] =	vst v63  }
0x29: {  	_ =	swait.ge [sflag:s14], $0x2800  }
0x2a: {  	[sflag:s14] =	ssyncset.done $0x0  }
0x2b: {  	[sflag:s14] =	ssyncadd.s32 $0xFFFFD800  }
0x2c: {  	[bflag:$0x0] =	sbarrier.arrive $0xFFFF  }
0x2d: {  	[tilespmem:s18], [sflag:$0x1] =	stream.indirect.gather [spmem:s2], $0x20, s4, s17, $0xb8;
	[tilespmem:$0x1FA60] =	vst v63  }
0x2e: {  	_ = 	snop  }
0x2f: {  	[tilespmem:s19], [sflag:$0x3] =	stream.indirect.gather [spmem:s3], $0x40, s21, s17, $0xb8;
	[tilespmem:$0x1FA60] =	vst v63  }
0x30: {  	s22 =	simm.s32 $0x6000  }
0x31: {  	[tilespmem:s22], [sflag:$0x1] =	stream.indirect.gather [spmem:s2], $0x20, s17, s17, $0xb8;
	[tilespmem:$0x1FA60] =	vst v63  }
0x32: {  	s8 =	simm.s32 $0xB000;
	s7 =	simm.s32 $0x2880  }
0x33: {  	[tilespmem:s8], [sflag:$0x3] =	stream.indirect.gather [spmem:s3], $0x40, s7, s17, $0xb8;
	[tilespmem:$0x1FA60] =	vst v63  }
0x34: {  	s9 =	simm.s32 $0x100  }
0x35: {  	[tilespmem:s23], [sflag:$0x2] =	stream.indirect.gather [spmem:s2], $0x20, s9, s17, $0xb8;
	[tilespmem:$0x1FA60] =	vst v63  }
0x36: {  	s10 =	simm.s32 $0x2900  }
0x37: {  	[tilespmem:s24], [sflag:$0x4] =	stream.indirect.gather [spmem:s3], $0x40, s10, s17, $0xb8;
	[tilespmem:$0x1FA60] =	vst v63  }
0x38: {  	s16 =	simm.s32 $0x180;
	s13 =	rddreg [dreg:$0x5]  }
0x39: {  	[tilespmem:s13], [sflag:$0x2] =	stream.indirect.gather [spmem:s2], $0x20, s16, s17, $0xb8;
	[tilespmem:$0x1FA60] =	vst v63  }
0x3a: {  	s20 =	simm.s32 $0x2980;
	s8 =	rddreg [dreg:$0x6]  }
0x3b: {  	[tilespmem:s8], [sflag:$0x4] =	stream.indirect.gather [spmem:s3], $0x40, s20, s17, $0xb8;
	[tilespmem:$0x1FA60] =	vst v63  }
0x3c: {  	_ =	swait.ge [sflag:s25], $0x1000  }
0x3d: {  	[sflag:s25] =	ssyncset.done $0x0  }
0x3e: {  	[sflag:s25] =	ssyncadd.s32 $0xFFFFF000  }
0x3f: {  	_ =	swait.ge [sflag:s26], $0x2000  }
0x40: {  	[sflag:s26] =	ssyncset.done $0x0  }
0x41: {  	[sflag:s26] =	ssyncadd.s32 $0xFFFFE000  }
0x42: {  	_ =	swait.ge [sflag:s25], $0x1000  }
0x43: {  	[sflag:s25] =	ssyncset.done $0x0  }
0x44: {  	[sflag:s25] =	ssyncadd.s32 $0xFFFFF000  }
0x45: {  	_ =	swait.ge [sflag:s26], $0x2000  }
0x46: {  	[sflag:s26] =	ssyncset.done $0x0  }
0x47: {  	s21 =	sadd.s32 $0xFFFFFFFC, s11;
	[sflag:s26] =	ssyncadd.s32 $0xFFFFE000  }
0x48: {  	[hbm4b:s21+s28] =	stream.strided.scatter [tilespmem:s18], [sflag:$0x6], $0x2000, s17, s28, $0x38;
	[tilespmem:$0x1FA60] =	vst v63  }
0x49: {  	_ =	swait.ge [sflag:s29], $0x2000  }
0x4a: {  	[sflag:s29] =	ssyncset.done $0x0  }
0x4b: {  	[sflag:s29] =	ssyncadd.s32 $0xFFFFE000  }
0x4c: {  	[hbm4b:s11+s30] =	stream.strided.scatter [tilespmem:s19], [sflag:$0x6], $0x4000, s17, s30, $0x38;
	[tilespmem:$0x1FA60] =	vst v63  }
0x4d: {  	p0 =	por $0x0, $0x0;
	_ =	swait.ge [sflag:s29], $0x4000  }
0x4e: {  	s5 =	simm.s32 @!p0 $0x5000;
	[sflag:s29] =	ssyncset.done $0x0  }
0x4f: {  	s7 =	simm.s32 @!p0 $0x200;
	s8 =	simm.s32 @!p0 $0x80;
	[sflag:s29] =	ssyncadd.s32 $0xFFFFC000  }
0x50: {  	[tilespmem:s5], [sflag:$0x1] =	stream.indirect.gather @!p0 [spmem:s2], $0x20, s7, s8, $0xb8;
	[tilespmem:$0x1FA60] =	vst v63  }
0x51: {  	s5 =	simm.s32 @!p0 $0x2A00;
	s7 =	simm.s32 @!p0 $0x9000  }
0x52: {  	[tilespmem:s7], [sflag:$0x3] =	stream.indirect.gather @!p0 [spmem:s3], $0x40, s5, s8, $0xb8;
	[tilespmem:$0x1FA60] =	vst v63  }
0x53: {  	s5 =	simm.s32 @!p0 $0x280;
	s7 =	simm.s32 @!p0 $0x6000  }
0x54: {  	[tilespmem:s7], [sflag:$0x1] =	stream.indirect.gather @!p0 [spmem:s2], $0x20, s5, s8, $0xb8;
	[tilespmem:$0x1FA60] =	vst v63  }
0x55: {  	s5 =	simm.s32 @!p0 $0x2A80;
	s7 =	simm.s32 @!p0 $0xB000  }
0x56: {  	[tilespmem:s7], [sflag:$0x3] =	stream.indirect.gather @!p0 [spmem:s3], $0x40, s5, s8, $0xb8;
	[tilespmem:$0x1FA60] =	vst v63  }
0x57: {  	_ =	swait.ge [sflag:s31], $0x1000  }
0x58: {  	[sflag:s31] =	ssyncset.done $0x0  }
0x59: {  	[sflag:s31] =	ssyncadd.s32 $0xFFFFF000  }
0x5a: {  	_ =	swait.ge [sflag:s0], $0x2000  }
0x5b: {  	[sflag:s0] =	ssyncset.done $0x0  }
0x5c: {  	[sflag:s0] =	ssyncadd.s32 $0xFFFFE000  }
0x5d: {  	_ =	swait.ge [sflag:s31], $0x1000  }
0x5e: {  	[sflag:s31] =	ssyncset.done $0x0  }
0x5f: {  	[sflag:s31] =	ssyncadd.s32 $0xFFFFF000  }
0x60: {  	_ =	swait.ge [sflag:s0], $0x2000  }
0x61: {  	[sflag:s0] =	ssyncset.done $0x0  }
0x62: {  	s22 =	sadd.s32 $0xFFFFFFFC, s12;
	[sflag:s0] =	ssyncadd.s32 $0xFFFFE000  }
0x63: {  	[hbm4b:s22+s28] =	stream.strided.scatter [tilespmem:s23], [sflag:$0x6], $0x2000, s17, s28, $0x38;
	[tilespmem:$0x1FA60] =	vst v63  }
0x64: {  	_ =	swait.ge [sflag:s29], $0x2000  }
0x65: {  	[sflag:s29] =	ssyncset.done $0x0  }
0x66: {  	s20 =	sadd.s32 $0x2000, s12;
	[sflag:s29] =	ssyncadd.s32 $0xFFFFE000  }
0x67: {  	[hbm4b:s12+s30] =	stream.strided.scatter [tilespmem:s24], [sflag:$0x5], $0x4000, s17, s30, $0x38;
	[tilespmem:$0x1FA60] =	vst v63  }
0x68: {  	s21 =	sadd.s32 $0x2000, s11;
	s5 =	simm.s32 $0x1000;
	_ =	swait.ge [sflag:s14], $0x4000  }
0x69: {  	s8 =	simm.s32 $0x200;
	s22 =	simm.s32 $0x800;
	[sflag:s14] =	ssyncset.done $0x0  }
.LBB2_2:
0x6a: {  	s9 =	sadd.s32 $0x100, s8;
	[sflag:s14] =	ssyncadd.s32 $0xFFFFC000  }
0x6b: {  	[tilespmem:s23], [sflag:$0x2] =	stream.indirect.gather [spmem:s2], $0x20, s9, s17, $0xb8;
	[tilespmem:$0x1FA60] =	vst v63  }
0x6c: {  	s16 =	sadd.s32 $0x2900, s8  }
0x6d: {  	[tilespmem:s24], [sflag:$0x4] =	stream.indirect.gather [spmem:s3], $0x40, s16, s17, $0xb8;
	[tilespmem:$0x1FA60] =	vst v63  }
0x6e: {  	s10 =	rddreg [dreg:$0x5];
	s13 =	sadd.s32 $0x180, s8  }
0x6f: {  	[tilespmem:s10], [sflag:$0x2] =	stream.indirect.gather [spmem:s2], $0x20, s13, s17, $0xb8;
	[tilespmem:$0x1FA60] =	vst v63  }
0x70: {  	s16 =	rddreg [dreg:$0x6];
	s10 =	sadd.s32 $0x2980, s8  }
0x71: {  	[tilespmem:s16], [sflag:$0x4] =	stream.indirect.gather [spmem:s3], $0x40, s10, s17, $0xb8;
	[tilespmem:$0x1FA60] =	vst v63  }
0x72: {  	_ =	swait.ge [sflag:s25], $0x1000  }
0x73: {  	[sflag:s25] =	ssyncset.done $0x0  }
0x74: {  	[sflag:s25] =	ssyncadd.s32 $0xFFFFF000  }
0x75: {  	_ =	swait.ge [sflag:s26], $0x2000  }
0x76: {  	[sflag:s26] =	ssyncset.done $0x0  }
0x77: {  	[sflag:s26] =	ssyncadd.s32 $0xFFFFE000  }
0x78: {  	_ =	swait.ge [sflag:s25], $0x1000  }
0x79: {  	[sflag:s25] =	ssyncset.done $0x0  }
0x7a: {  	[sflag:s25] =	ssyncadd.s32 $0xFFFFF000  }
0x7b: {  	_ =	swait.ge [sflag:s26], $0x2000  }
0x7c: {  	[sflag:s26] =	ssyncset.done $0x0  }
0x7d: {  	s13 =	sadd.s32 $0xFFFFFFFC, s21;
	[sflag:s26] =	ssyncadd.s32 $0xFFFFE000  }
0x7e: {  	[hbm4b:s13+s28] =	stream.strided.scatter [tilespmem:s18], [sflag:$0x6], $0x2000, s17, s28, $0x38;
	[tilespmem:$0x1FA60] =	vst v63  }
0x7f: {  	_ =	swait.ge [sflag:s29], $0x2000  }
0x80: {  	[sflag:s29] =	ssyncset.done $0x0  }
0x81: {  	[sflag:s29] =	ssyncadd.s32 $0xFFFFE000  }
0x82: {  	[hbm4b:s21+s30] =	stream.strided.scatter [tilespmem:s19], [sflag:$0x6], $0x4000, s17, s30, $0x38;
	[tilespmem:$0x1FA60] =	vst v63  }
0x83: {  	p1 =	seq.s32 s22, $0x9800;
	_ =	swait.ge [sflag:s29], $0x4000  }
0x84: {  	s9 =	simm.s32 @!p1 $0x5000;
	s8 =	sshra.s32 @!p1 s22, $0x2;
	[sflag:s29] =	ssyncset.done $0x0  }
0x85: {  	s10 =	sadd.s32 @!p1 $0x200, s8;
	s16 =	simm.s32 @!p1 $0x80;
	[sflag:s29] =	ssyncadd.s32 $0xFFFFC000  }
0x86: {  	[tilespmem:s9], [sflag:$0x1] =	stream.indirect.gather @!p1 [spmem:s2], $0x20, s10, s16, $0xb8;
	[tilespmem:$0x1FA60] =	vst v63  }
0x87: {  	s9 =	sadd.s32 @!p1 $0x2A00, s8;
	s10 =	simm.s32 @!p1 $0x9000  }
0x88: {  	[tilespmem:s10], [sflag:$0x3] =	stream.indirect.gather @!p1 [spmem:s3], $0x40, s9, s16, $0xb8;
	[tilespmem:$0x1FA60] =	vst v63  }
0x89: {  	s7 =	smov.u32 s5;
	s13 =	sadd.s32 @!p1 $0x280, s8;
	s9 =	simm.s32 @!p1 $0x6000  }
0x8a: {  	[tilespmem:s9], [sflag:$0x1] =	stream.indirect.gather @!p1 [spmem:s2], $0x20, s13, s16, $0xb8;
	[tilespmem:$0x1FA60] =	vst v63  }
0x8b: {  	s22 =	smov.u32 s7;
	s7 =	simm.s32 @!p1 $0xB000;
	s8 =	sadd.s32 @!p1 $0x2A80, s8  }
0x8c: {  	[tilespmem:s7], [sflag:$0x3] =	stream.indirect.gather @!p1 [spmem:s3], $0x40, s8, s16, $0xb8;
	[tilespmem:$0x1FA60] =	vst v63  }
0x8d: {  	_ =	swait.ge [sflag:s31], $0x1000  }
0x8e: {  	[sflag:s31] =	ssyncset.done $0x0  }
0x8f: {  	[sflag:s31] =	ssyncadd.s32 $0xFFFFF000  }
0x90: {  	_ =	swait.ge [sflag:s0], $0x2000  }
0x91: {  	[sflag:s0] =	ssyncset.done $0x0  }
0x92: {  	[sflag:s0] =	ssyncadd.s32 $0xFFFFE000  }
0x93: {  	_ =	swait.ge [sflag:s31], $0x1000  }
0x94: {  	[sflag:s31] =	ssyncset.done $0x0  }
0x95: {  	[sflag:s31] =	ssyncadd.s32 $0xFFFFF000  }
0x96: {  	_ =	swait.ge [sflag:s0], $0x2000  }
0x97: {  	[sflag:s0] =	ssyncset.done $0x0  }
0x98: {  	s5 =	sadd.s32 $0x800, s5;
	s16 =	sadd.s32 $0xFFFFFFFC, s20;
	[sflag:s0] =	ssyncadd.s32 $0xFFFFE000  }
0x99: {  	[hbm4b:s16+s28] =	stream.strided.scatter [tilespmem:s23], [sflag:$0x6], $0x2000, s17, s28, $0x38;
	[tilespmem:$0x1FA60] =	vst v63  }
0x9a: {  	p0 =	sne.s32 s5, $0xA000;
	_ =	swait.ge [sflag:s29], $0x2000  }
.Ltmp0:
0x9b: {  	[sflag:s29] =	ssyncset.done $0x0;
	(pc) =	sbr.rel @p0 .LBB2_2-.Ltmp0, $4  }
0x9c: {  	[sflag:s29] =	ssyncadd.s32 $0xFFFFE000  }
0x9d: {  	[hbm4b:s20+s30] =	stream.strided.scatter [tilespmem:s24], [sflag:$0x5], $0x4000, s17, s30, $0x38;
	[tilespmem:$0x1FA60] =	vst v63  }
0x9e: {  	s21 =	sadd.s32 $0x2000, s21;
	_ =	swait.ge [sflag:s14], $0x4000  }
0x9f: {  	s8 =	sshra.s32 s22, $0x2;
	s20 =	sadd.s32 $0x2000, s20;
	[sflag:s14] =	ssyncset.done $0x0  }
0xa0: {  	s5 =	sadd.s32 $0x100, s8;
	[sflag:s14] =	ssyncadd.s32 $0xFFFFC000  }
0xa1: {  	[tilespmem:s23], [sflag:$0x2] =	stream.indirect.gather [spmem:s2], $0x20, s5, s17, $0xb8;
	[tilespmem:$0x1FA60] =	vst v63  }
0xa2: {  	s9 =	sadd.s32 $0x2900, s8  }
0xa3: {  	[tilespmem:s24], [sflag:$0x4] =	stream.indirect.gather [spmem:s3], $0x40, s9, s17, $0xb8;
	[tilespmem:$0x1FA60] =	vst v63  }
0xa4: {  	s7 =	rddreg [dreg:$0x5];
	s10 =	sadd.s32 $0x180, s8  }
0xa5: {  	[tilespmem:s7], [sflag:$0x2] =	stream.indirect.gather [spmem:s2], $0x20, s10, s17, $0xb8;
	[tilespmem:$0x1FA60] =	vst v63  }
0xa6: {  	s13 =	sadd.s32 $0x2980, s8;
	s9 =	rddreg [dreg:$0x6]  }
0xa7: {  	[tilespmem:s9], [sflag:$0x4] =	stream.indirect.gather [spmem:s3], $0x40, s13, s17, $0xb8;
	[tilespmem:$0x1FA60] =	vst v63  }
0xa8: {  	_ =	swait.ge [sflag:s25], $0x1000  }
0xa9: {  	[sflag:s25] =	ssyncset.done $0x0  }
0xaa: {  	[sflag:s25] =	ssyncadd.s32 $0xFFFFF000  }
0xab: {  	_ =	swait.ge [sflag:s26], $0x2000  }
0xac: {  	[sflag:s26] =	ssyncset.done $0x0  }
0xad: {  	[sflag:s26] =	ssyncadd.s32 $0xFFFFE000  }
0xae: {  	_ =	swait.ge [sflag:s25], $0x1000  }
0xaf: {  	[sflag:s25] =	ssyncset.done $0x0  }
0xb0: {  	[sflag:s25] =	ssyncadd.s32 $0xFFFFF000  }
0xb1: {  	_ =	swait.ge [sflag:s26], $0x2000  }
0xb2: {  	[sflag:s26] =	ssyncset.done $0x0  }
0xb3: {  	s16 =	sadd.s32 $0xFFFFFFFC, s21;
	[sflag:s26] =	ssyncadd.s32 $0xFFFFE000  }
0xb4: {  	[hbm4b:s16+s28] =	stream.strided.scatter [tilespmem:s18], [sflag:$0x6], $0x2000, s17, s28, $0x38;
	[tilespmem:$0x1FA60] =	vst v63  }
0xb5: {  	_ =	swait.ge [sflag:s29], $0x2000  }
0xb6: {  	[sflag:s29] =	ssyncset.done $0x0  }
0xb7: {  	p0 =	seq.s32 s22, $0x9800;
	[sflag:s29] =	ssyncadd.s32 $0xFFFFE000  }
0xb8: {  	[hbm4b:s21+s30] =	stream.strided.scatter [tilespmem:s19], [sflag:$0x6], $0x4000, s17, s30, $0x38;
	[tilespmem:$0x1FA60] =	vst v63  }
0xb9: {  	s5 =	sshra.s32 @!p0 s22, $0x2;
	_ =	swait.ge [sflag:s29], $0x4000  }
0xba: {  	s8 =	sadd.s32 @!p0 $0x200, s5;
	[sflag:s29] =	ssyncset.done $0x0  }
0xbb: {  	s7 =	simm.s32 @!p0 $0x5000;
	s9 =	simm.s32 @!p0 $0x80;
	[sflag:s29] =	ssyncadd.s32 $0xFFFFC000  }
0xbc: {  	[tilespmem:s7], [sflag:$0x1] =	stream.indirect.gather @!p0 [spmem:s2], $0x20, s8, s9, $0xb8;
	[tilespmem:$0x1FA60] =	vst v63  }
0xbd: {  	s7 =	sadd.s32 @!p0 $0x2A00, s5;
	s8 =	simm.s32 @!p0 $0x9000  }
0xbe: {  	[tilespmem:s8], [sflag:$0x3] =	stream.indirect.gather @!p0 [spmem:s3], $0x40, s7, s9, $0xb8;
	[tilespmem:$0x1FA60] =	vst v63  }
0xbf: {  	s7 =	sadd.s32 @!p0 $0x280, s5;
	s8 =	simm.s32 @!p0 $0x6000  }
0xc0: {  	[tilespmem:s8], [sflag:$0x1] =	stream.indirect.gather @!p0 [spmem:s2], $0x20, s7, s9, $0xb8;
	[tilespmem:$0x1FA60] =	vst v63  }
0xc1: {  	s5 =	sadd.s32 @!p0 $0x2A80, s5;
	s7 =	simm.s32 @!p0 $0xB000  }
0xc2: {  	[tilespmem:s7], [sflag:$0x3] =	stream.indirect.gather @!p0 [spmem:s3], $0x40, s5, s9, $0xb8;
	[tilespmem:$0x1FA60] =	vst v63  }
0xc3: {  	_ =	swait.ge [sflag:s31], $0x1000  }
0xc4: {  	[sflag:s31] =	ssyncset.done $0x0  }
0xc5: {  	[sflag:s31] =	ssyncadd.s32 $0xFFFFF000  }
0xc6: {  	_ =	swait.ge [sflag:s0], $0x2000  }
0xc7: {  	[sflag:s0] =	ssyncset.done $0x0  }
0xc8: {  	[sflag:s0] =	ssyncadd.s32 $0xFFFFE000  }
0xc9: {  	_ =	swait.ge [sflag:s31], $0x1000  }
0xca: {  	[sflag:s31] =	ssyncset.done $0x0  }
0xcb: {  	[sflag:s31] =	ssyncadd.s32 $0xFFFFF000  }
0xcc: {  	_ =	swait.ge [sflag:s0], $0x2000  }
0xcd: {  	[sflag:s0] =	ssyncset.done $0x0  }
0xce: {  	s21 =	sadd.s32 $0xFFFFFFFC, s20;
	[sflag:s0] =	ssyncadd.s32 $0xFFFFE000  }
0xcf: {  	[hbm4b:s21+s28] =	stream.strided.scatter [tilespmem:s23], [sflag:$0x6], $0x2000, s17, s28, $0x38;
	[tilespmem:$0x1FA60] =	vst v63  }
0xd0: {  	_ =	swait.ge [sflag:s29], $0x2000  }
0xd1: {  	[sflag:s29] =	ssyncset.done $0x0  }
0xd2: {  	[sflag:s29] =	ssyncadd.s32 $0xFFFFE000  }
0xd3: {  	[hbm4b:s20+s30] =	stream.strided.scatter [tilespmem:s24], [sflag:$0x5], $0x4000, s17, s30, $0x38;
	[tilespmem:$0x1FA60] =	vst v63  }
0xd4: {  	_ =	swait.ge [sflag:s14], $0x4000  }
0xd5: {  	s1 =	sadd.s32 $0x1, s1;
	s22 =	rddreg [dreg:$0xb]  }
0xd6: {  	p0 =	sne.s32 s1, s22  }
.Ltmp1:
0xd7: {  	_ = 	snop;
	(pc) =	sbr.rel @p0 .LBB2_1-.Ltmp1, $3  }
0xd8: {  	_ =	sdelay $0x1  }
0xd9: {  	[sflag:s14] =	ssyncset.done $0x0  }
0xda: {  	[sflag:s14] =	ssyncadd.s32 $0xFFFFC000  }
0xdb: {  	_ =	sfence.sel $0x180000  }
0xdc: {  	[bflag:$0x0] =	sbarrier.arrive $0xFFFF  }
0xdd: {  	_ =	strace $0x90000047  }
0xde: {  	s0 =	stileid.u32;
	[bflag:$0x2] =	sbarrier.arrive $0xFFFF  }
0xdf: {  	p0 =	sne.s32 s0, $0x0;
	s0 =	rddreg [dreg:$0x4]  }
0xe0: {  	s0 =	sadd.s32 @!p0 $0x100000, s0  }
0xe1: {  	[sflag:s0] =	ssyncadd.tile.s32 @!p0 $0x1;
	_ =	shalt  }
.Lfunc_end2:
_tile_overlayer_lowered:
.L_overlay_start_2:
0xe2: {  	(tag) =	ssettag $0x2  }
0xe3: {  	s0 =	rddreg [dreg:$0x0];
	s2 =	stileid.u32  }
0xe4: {  	s1 =	rddreg [dreg:$0x1];
	p0 =	sne.s32 s2, $0x0  }
0xe5: {  	s3 =	rddreg [dreg:$0x2];
	[bflag:$0x3] =	sbarrier.arrive $0xFFFF;
	s2 =	simm.s32 @!p0 $0x1C05  }
0xe6: {  	[timem:s3], [sflag:s2] =	dma.local @!p0 [hbm:s0], s1  }
0xe7: {  	s0 =	simm.s32 @!p0 $0x5  }
0xe8: {  	_ =	swait.ge @!p0 [sflag:s0], s1  }
0xe9: {  	s1 =	ssub.s32 @!p0 $0x0, s1;
	[sflag:s0] =	ssyncset.done @!p0 $0x0  }
0xea: {  	[sflag:s0] =	ssyncadd.s32 @!p0 s1  }
0xeb: {  	[bflag:$0x3] =	sbarrier.arrive $0xFFFF  }
0xec: {  	_ =	shalt  }

// kernel: kernel.14.cloned.1.call-start
scs
__scs_entry_jumppad:
0x0: {  	(pc) =	sbr.rel $0x88, $3  }
0x1: {  	(tag) =	ssettag $0x0;
	lr =	simm.s32 $0x1  }
0x2: {  	[smem:$0x3F8D] =	sst lr;
	_ =	strace $0xD0000000  }
0x3: {  	_ = 	snop  }
0x4: {  	_ = 	snop  }
0x5: {  	_ = 	snop  }
0x6: {  	_ = 	snop  }
0x7: {  	_ = 	snop  }
__scs_overlays_trampoline_lowered:
0x8: {  	[smem:$0x3F9C] =	sst s0  }
0x9: {  	[smem:$0x3F9D] =	sst s1  }
0xa: {  	[smem:$0x3F9E] =	sst s2  }
0xb: {  	[smem:$0x3F9F] =	sst s3  }
0xc: {  	[smem:$0x3FA0] =	sst s4  }
0xd: {  	[smem:$0x3FA1] =	sst s5  }
0xe: {  	[smem:$0x3FA2] =	sst s6  }
0xf: {  	[smem:$0x3FA3] =	sst s7  }
0x10: {  	[smem:$0x3FA4] =	sst s8  }
0x11: {  	[smem:$0x3FA5] =	sst s9;
	s0 =	simm.s32 @!p0 $0x0  }
0x12: {  	s1 =	sld [smem:$0x3F8B];
	s0 =	simm.s32 @p0 $0x1  }
0x13: {  	[smem:$0x3FA6] =	sst s0;
	s0 =	simm.s32 @!p1 $0x0  }
0x14: {  	s2 =	sld [smem:$0x3F8A];
	s0 =	simm.s32 @p1 $0x1  }
0x15: {  	[smem:$0x3FA7] =	sst s0;
	s0 =	simm.s32 @!p2 $0x0  }
0x16: {  	s3 =	sld [smem:$0x3FDB];
	s0 =	simm.s32 @p2 $0x1  }
0x17: {  	s4 =	simm.s32 $0x1BF5;
	[smem:$0x3FA9] =	sst s0  }
0x18: {  	s0 =	sld [smem:$0x3F8C];
	_ =	swait.ge [sflag:s4], $0x0  }
0x19: {  	s7 =	sld [smem:$0x3F8D]  }
0x1a: {  	s8 =	sadd.s32 $0xFFFFE003, lr  }
0x1b: {  	s9 =	sadd.s32 $0xFFFFFEF7, lr;
	s5 =	simm.s32 $0xFFFFFFFF;
	p2 =	slt.u32 s8, $0xFFFFF086  }
0x1c: {  	p1 =	slt.u32 s9, $0xF7A;
	s5 =	simm.s32 @!p2 $0x0  }
0x1d: {  	s5 =	simm.s32 @p1 $0x1;
	p0 =	seq.s32 s7, s2  }
0x1e: {  	s7 =	smul.u32 @!p0 $0xF7A, s2;
	p2 =	seq.s32 @!p0 s5, $0x0  }
0x1f: {  	s9 =	smul.u32 $0xF7A, s1;
	s8 =	simm.s32 @!p0 $0x1BF5;
	p2 =	por !p2, p0  }
0x20: {  	[sflag:s8] =	ssyncset.s32 @!p0 $0xFFFFF086;
	s6 =	sadd.s32 @!p0 s3, s7;
	s7 =	simm.s32 @!p0 $0x108  }
0x21: {  	s3 =	sadd.s32 s3, s9;
	s6 =	sadd.s32 @!p0 $0x88, s6;
	s7 =	simm.s32 @p2 $0x1082  }
0x22: {  	[simem:s7], [sflag:s8] =	dma.local @!p0 [hbm:s6], $0xF7A  }
0x23: {  	s9 =	sor.u32 $0xD0000000, s2;
	s6 =	simm.s32 $0x108;
	_ =	swait.ge @!p0 [sflag:s8], $0x0  }
0x24: {  	s3 =	sadd.s32 $0x88, s3;
	s6 =	simm.s32 @!p1 $0x1082;
	[sflag:s4] =	ssyncset.s32 $0xFFFFF086  }
0x25: {  	[simem:s6], [sflag:s4] =	dma.local [hbm:s3], $0xF7A  }
0x26: {  	[smem:$0x3F8D] =	sst s1;
	(tag) =	ssettag s2;
	_ =	strace s9  }
0x27: {  	s1 =	sld [smem:$0x3F9D]  }
0x28: {  	s2 =	sld [smem:$0x3F9E]  }
0x29: {  	s4 =	sld [smem:$0x3FA0]  }
0x2a: {  	p0 =	seq.s32 s5, $0x0;
	s5 =	sld [smem:$0x3FA1]  }
0x2b: {  	s6 =	sld [smem:$0x3FA2]  }
0x2c: {  	s7 =	sld [smem:$0x3FA3]  }
0x2d: {  	s3 =	simm.s32 $0x108;
	s8 =	sld [smem:$0x3FA4]  }
0x2e: {  	s3 =	simm.s32 @!p0 $0x1082;
	s9 =	sld [smem:$0x3FA5]  }
0x2f: {  	lr =	sadd.s32 s0, s3;
	s0 =	sld [smem:$0x3F9C]  }
0x30: {  	s3 =	sld [smem:$0x3F9F]  }
0x31: {  	[smem:$0x3FA8] =	sst s10  }
0x32: {  	s10 =	sld [smem:$0x3FA6];
	_ =	sdelay $0x3  }
0x33: {  	p0 =	seq.s32 s10, $0x1;
	s10 =	sld [smem:$0x3FA8];
	_ =	sdelay $0x3  }
0x34: {  	[smem:$0x3FA8] =	sst s10  }
0x35: {  	s10 =	sld [smem:$0x3FA7];
	_ =	sdelay $0x3  }
0x36: {  	p1 =	seq.s32 s10, $0x1;
	s10 =	sld [smem:$0x3FA8];
	_ =	sdelay $0x3  }
0x37: {  	[smem:$0x3FA8] =	sst s10  }
0x38: {  	s10 =	sld [smem:$0x3FA9]  }
0x39: {  	_ = 	snop;
	(pc) =	sbr.ind lr, $3  }
0x3a: {  	_ = 	snop  }
0x3b: {  	_ = 	snop  }
0x3c: {  	p2 =	seq.s32 s10, $0x1;
	s10 =	sld [smem:$0x3FA8]  }
0x3d: {  	_ =	shalt  }
0x3e: {  	_ =	shalt  }
0x3f: {  	_ =	shalt  }
0x40: {  	_ =	shalt  }
0x41: {  	_ =	shalt  }
0x42: {  	_ =	shalt  }
0x43: {  	_ =	shalt  }
0x44: {  	_ =	shalt  }
0x45: {  	_ =	shalt  }
0x46: {  	_ =	shalt  }
0x47: {  	_ =	shalt  }
0x48: {  	_ =	shalt  }
0x49: {  	_ =	shalt  }
0x4a: {  	_ =	shalt  }
0x4b: {  	_ =	shalt  }
0x4c: {  	_ =	shalt  }
0x4d: {  	_ =	shalt  }
0x4e: {  	_ =	shalt  }
0x4f: {  	_ =	shalt  }
0x50: {  	_ =	shalt  }
0x51: {  	_ =	shalt  }
0x52: {  	_ =	shalt  }
0x53: {  	_ =	shalt  }
0x54: {  	_ =	shalt  }
0x55: {  	_ =	shalt  }
0x56: {  	_ =	shalt  }
0x57: {  	_ =	shalt  }
0x58: {  	_ =	shalt  }
0x59: {  	_ =	shalt  }
0x5a: {  	_ =	shalt  }
0x5b: {  	_ =	shalt  }
0x5c: {  	_ =	shalt  }
0x5d: {  	_ =	shalt  }
0x5e: {  	_ =	shalt  }
0x5f: {  	_ =	shalt  }
0x60: {  	_ =	shalt  }
0x61: {  	_ =	shalt  }
0x62: {  	_ =	shalt  }
0x63: {  	_ =	shalt  }
0x64: {  	_ =	shalt  }
0x65: {  	_ =	shalt  }
0x66: {  	_ =	shalt  }
0x67: {  	_ =	shalt  }
0x68: {  	_ =	shalt  }
0x69: {  	_ =	shalt  }
0x6a: {  	_ =	shalt  }
0x6b: {  	_ =	shalt  }
0x6c: {  	_ =	shalt  }
0x6d: {  	_ =	shalt  }
0x6e: {  	_ =	shalt  }
0x6f: {  	_ =	shalt  }
0x70: {  	_ =	shalt  }
0x71: {  	_ =	shalt  }
0x72: {  	_ =	shalt  }
0x73: {  	_ =	shalt  }
0x74: {  	_ =	shalt  }
0x75: {  	_ =	shalt  }
0x76: {  	_ =	shalt  }
0x77: {  	_ =	shalt  }
0x78: {  	_ =	shalt  }
0x79: {  	_ =	shalt  }
0x7a: {  	_ =	shalt  }
0x7b: {  	_ =	shalt  }
0x7c: {  	_ =	shalt  }
0x7d: {  	_ =	shalt  }
0x7e: {  	_ =	shalt  }
0x7f: {  	_ =	shalt  }
0x80: {  	_ =	shalt  }
0x81: {  	_ =	shalt  }
0x82: {  	_ =	shalt  }
0x83: {  	_ =	shalt  }
0x84: {  	_ =	shalt  }
0x85: {  	_ =	shalt  }
0x86: {  	_ =	shalt  }
0x87: {  	_ =	shalt  }
.Lfunc_end0:
.L_simem_size_0:
called_computation.1_lowered:
.L_overlay_start_0:
0x88: {  	s2 =	sld [smem:$0x3FD9]  }
0x89: {  	s3 =	sld [smem:$0x3FFE];
	_ =	sdelay $0x1  }
0x8a: {  	s1 =	srdreg.scid  }
0x8b: {  	s0 =	sand.u32 $0x1, s1  }
0x8c: {  	s17 =	sshll.u32 s0, $0xA;
	s2 =	sadd.s32 s3, s2  }
0x8d: {  	s2 =	sadd.s32 s2, s17  }
0x8e: {  	[smem:$0x3FB4] =	sst s2  }
0x8f: {  	_ = 	snop  }
0x90: {  	s2 =	sld [smem:$0x3FD0];
	(tm) =	ssettm $0x1  }
0x91: {  	s18 =	sld [smem:$0x3FFB];
	_ =	sdelay $0x3  }
0x92: {  	_ =	strace s18  }
0x93: {  	s3 =	sld [smem:$0x3FFC];
	_ =	sdelay $0x3  }
0x94: {  	_ =	strace s3  }
0x95: {  	s3 =	sld [smem:$0x3FFD];
	_ =	sdelay $0x3  }
0x96: {  	_ =	strace s3  }
0x97: {  	_ =	strace $0x8FFFFFFF  }
0x98: {  	s19 =	sld [smem:$0x3FDB];
	_ =	sdelay $0x1  }
0x99: {  	s4 =	simm.s32 $_scs_section_size  }
0x9a: {  	s5 =	simm.s32 $_size__tile_overlayer_lowered;
	s6 =	simm.s32 $_tile_overlayer_lowered  }
0x9b: {  	s22 =	simm.s32 $0x1BFF;
	s21 =	sshll.u32 s6, $0x1;
	s3 =	sadd.s32 s4, s19  }
0x9c: {  	s7 =	simm.s32 $0x0;
	s20 =	sshll.u32 s5, $0x1;
	s5 =	sadd.s32 s21, s3  }
0x9d: {  	[timem:s7], [sflag:s22] =	dma.local [hbm:s5], s20  }
0x9e: {  	_ =	swait.ge [sflag:s22], s20  }
0x9f: {  	s4 =	ssub.s32 $0x0, s20;
	[sflag:s22] =	ssyncset.done $0x0  }
0xa0: {  	[sflag:s22] =	ssyncadd.s32 s4;
	_ =	sdelay $0x1  }
0xa1: {  	s23 =	simm.s32 $0x1B8B  }
0xa2: {  	_ =	swait.ge [sflag:s23], $0x1  }
0xa3: {  	[sflag:s23] =	ssyncset.done $0x0  }
0xa4: {  	s25 =	simm.s32 $0x1B8E;
	s24 =	sld [smem:$0x3FFE];
	[sflag:s23] =	ssyncadd.s32 $0xFFFFFFFF  }
0xa5: {  	s26 =	simm.s32 $execute0_lowered;
	[smem:$0x3FD2] =	sst s25  }
0xa6: {  	s5 =	sshll.u32 s26, $0x1;
	_ =	strace $0x80000049;
	[dreg:$0x1] =	wrdreg $0xFFFFFFFF  }
0xa7: {  	s28 =	simm.s32 $_size_execute0_lowered;
	s3 =	sadd.s32 s3, s5;
	[dreg:$0x0] =	wrdreg $0x0  }
0xa8: {  	s5 =	sshll.u32 s28, $0x1;
	[dreg:$0x2] =	wrdreg s3  }
0xa9: {  	[dreg:$0x3] =	wrdreg s5  }
0xaa: {  	[dreg:$0x4] =	wrdreg $0xC0  }
0xab: {  	_ =	task [dreg:s7], $0x5FFFF  }
0xac: {  	[dreg:$0x1] =	wrdreg $0xFFFFFFFF  }
0xad: {  	[dreg:$0x0] =	wrdreg $0x60  }
0xae: {  	[dreg:$0x2] =	wrdreg s24  }
0xaf: {  	[dreg:$0x3] =	wrdreg s2  }
0xb0: {  	[dreg:$0x4] =	wrdreg $0xA8000  }
0xb1: {  	[dreg:$0x5] =	wrdreg $0x9  }
0xb2: {  	_ =	task.clear_ibuf [dreg:s7], $0x6FFFF;
	_ =	strace $0x90000049  }
0xb3: {  	s29 =	simm.s32 $0x9;
	_ =	strace $0x8000004B  }
0xb4: {  	_ =	swait.ge [sflag:s29], $0x1  }
0xb5: {  	[sflag:s29] =	ssyncadd.s32 $0xFFFFFFFF  }
0xb6: {  	_ =	strace $0x9000004B  }
0xb7: {  	_ =	sfence  }
0xb8: {  	s30 =	sld [smem:$0x0];
	_ =	sdelay $0x2  }
0xb9: {  	s31 =	sshll.u32 s1, $0xD;
	s1 =	sshrl.u32 s1, $0x2  }
0xba: {  	s3 =	sand.u32 $0x4000, s31;
	s1 =	sadd.s32 s1, s30  }
0xbb: {  	s0 =	sor.u32 s3, s0;
	s1 =	sshll.u32 s1, $0x11  }
0xbc: {  	s0 =	sor.u32 s1, s0  }
0xbd: {  	s0 =	sadd.s32 $0x8F2B, s0  }
0xbe: {  	[sflag:s0] =	ssyncadd.remote.s32 $0x1  }
0xbf: {  	_ =	sfence.sel $0xFFFF  }
0xc0: {  	[dreg:$0x0] =	wrdreg $0xFFFFFFFF;
	(pc) =	sbr.abs _section_cstart, $3  }
0xc1: {  	[dreg:$0x1] =	wrdreg $0xFFFFFFFF  }
0xc2: {  	_ =	task.clear_ibuf [dreg:s7], $0x2FFFF;
	_ =	strace $0x9FFFFFFF  }
0xc3: {  	(tm) =	ssettm $0x7FFFFFFF  }
tec
execute0_lowered:
.L_overlay_start_1:
0x0: {  	(tag) =	ssettag $0x1  }
0x1: {  	s4 =	rddreg [dreg:$0x0]  }
0x2: {  	s6 =	rddreg [dreg:$0x1]  }
0x3: {  	s2 =	rddreg [dreg:$0x2]  }
0x4: {  	s0 =	rddreg [dreg:$0x3];
	s3 =	simm.s32 $0x0;
	s1 =	stileid.u32  }
0x5: {  	s5 =	srdreg.scid;
	s17 =	simm.s32 $0x1;
	s18 =	simm.s32 $0x80  }
0x6: {  	s19 =	simm.s32 $0x4;
	s20 =	simm.s32 $0x2;
	s21 =	simm.s32 $0x2700  }
0x7: {  	s22 =	simm.s32 $0x2780;
	s23 =	simm.s32 $0x0;
	s7 =	smul.u32 $0x13880, s1  }
0x8: {  	[smem:$0x7FF] =	sst s3;
	s5 =	sand.u32 $0x1, s5;
	s16 =	smul.u32 $0x280000, s1  }
0x9: {  	s12 =	sadd.s32 $0x553000, s4;
	s10 =	sshll.u32 s1, $0x1;
	s8 =	smul.u32 $0x138800, s5  }
0xa: {  	s28 =	sshll.u32 s1, $0x6;
	s10 =	sor.u32 s5, s10;
	s29 =	smul.u32 $0x140000, s5  }
0xb: {  	_ =	strace $0x8000004A;
	s11 =	ssub.s32 $0x2, s5;
	s13 =	smul.u32 $0x500, s10  }
0xc: {  	s5 =	sor.u32 $0x1C03, s28;
	s9 =	sshrl.u32 s7, $0x3;
	s14 =	smul.u32 $0x28000, s10  }
0xd: {  	s26 =	sshrl.u32 s11, $0x1;
	s15 =	sadd.s32 s7, s2;
	s10 =	smul.u32 $0x140000, s10  }
0xe: {  	s9 =	sadd.s32 s9, s4;
	s8 =	sadd.s32 s7, s8;
	s11 =	ssub.s32 s11, s26  }
0xf: {  	s30 =	sadd.s32 s29, s16;
	s16 =	simm.s32 $0x6800;
	s8 =	sshrl.u32 s8, $0x3  }
0x10: {  	s6 =	sadd.s32 s6, s13;
	s7 =	sadd.s32 s12, s14;
	s10 =	sshrl.u32 s10, $0x3  }
0x11: {  	s31 =	sor.u32 $0x8000, s30;
	s13 =	sor.u32 $0x4000, s30;
	s14 =	simm.s32 $0x3  }
0x12: {  	s8 =	sadd.s32 s8, s4;
	s4 =	sadd.s32 $0x53000, s9;
	s9 =	smax.u32 s11, $0x1  }
0x13: {  	s10 =	sadd.s32 s12, s10;
	s11 =	sshrl.u32 s31, $0x3;
	s13 =	sshrl.u32 s13, $0x3  }
0x14: {  	s8 =	sadd.s32 $0x7A200, s8;
	s10 =	sadd.s32 $0x27800, s10;
	s11 =	sadd.s32 s11, s12  }
0x15: {  	s12 =	sadd.s32 s13, s12;
	s13 =	sshrl.u32 s15, $0x3;
	s15 =	simm.s32 $0x2800  }
.LBB2_1:
0x16: {  	[spmem:s13], [sflag:s5] =	dma.local [hbm:s4], $0x2710  }
0x17: {  	_ =	swait.ge [sflag:s14], $0x2710  }
0x18: {  	[sflag:s14] =	ssyncset.done $0x0  }
0x19: {  	[sflag:s14] =	ssyncadd.s32 $0xFFFFD8F0  }
0x1a: {  	[tilespmem:s3], [sflag:$0x3] =	stream.linear.gather [hbm4b:s6+s3], $0x2800, $0x38;
	[tilespmem:$0x1E080] =	vst v63  }
0x1b: {  	_ =	swait.ge [sflag:s14], $0x2800  }
0x1c: {  	[sflag:s14] =	ssyncset.done $0x0  }
0x1d: {  	[sflag:s14] =	ssyncadd.s32 $0xFFFFD800  }
0x1e: {  	[bflag:$0x0] =	sbarrier.arrive $0xFFFF  }
0x1f: {  	[tilespmem:s15], [sflag:$0x1] =	stream.linear.gather [hbm4b:s7+s3], $0x4000, $0x38;
	[tilespmem:$0x1E080] =	vst v63  }
0x20: {  	s24 =	sadd.s32 $0x0, s12  }
0x21: {  	[tilespmem:s16], [sflag:$0x2] =	stream.linear.gather [hbm4b:s24+s3], $0x4000, $0x38;
	[tilespmem:$0x1E080] =	vst v63  }
0x22: {  	_ =	swait.ge [sflag:s17], $0x4000  }
0x23: {  	[sflag:s17] =	ssyncset.done $0x0  }
0x24: {  	[sflag:s17] =	ssyncadd.s32 $0xFFFFC000  }
0x25: {  	[spmem:s2] =	stream.indirect.scatter.add.f32 [tilespmem:s15], [sflag:$0x4], $0x80, s3, s18, $0xb8;
	[tilespmem:$0x1E080] =	vst v63  }
0x26: {  	_ =	swait.ge [sflag:s19], $0x4000  }
0x27: {  	[sflag:s19] =	ssyncset.done $0x0  }
0x28: {  	s30 =	sadd.s32 $0x0, s11;
	[sflag:s19] =	ssyncadd.s32 $0xFFFFC000  }
0x29: {  	[tilespmem:s15], [sflag:$0x1] =	stream.linear.gather [hbm4b:s30+s3], $0x4000, $0x38;
	[tilespmem:$0x1E080] =	vst v63  }
0x2a: {  	_ =	swait.ge [sflag:s20], $0x4000  }
0x2b: {  	[sflag:s20] =	ssyncset.done $0x0  }
0x2c: {  	s31 =	simm.s32 $0x80;
	[sflag:s20] =	ssyncadd.s32 $0xFFFFC000  }
0x2d: {  	[spmem:s2] =	stream.indirect.scatter.add.f32 [tilespmem:s16], [sflag:$0x3], $0x80, s31, s18, $0xb8;
	[tilespmem:$0x1E080] =	vst v63  }
0x2e: {  	s25 =	simm.s32 $0x1000;
	_ =	swait.ge [sflag:s14], $0x4000  }
0x2f: {  	s26 =	simm.s32 $0x2000;
	s24 =	simm.s32 $0x100;
	[sflag:s14] =	ssyncset.done $0x0  }
.LBB2_2:
0x30: {  	s28 =	sadd.s32 s25, s12  }
0x31: {  	[sflag:s14] =	ssyncadd.s32 $0xFFFFC000;
	s29 =	smov.u32 s26;
	s30 =	sadd.s32 $0x1000, s26  }
0x32: {  	[tilespmem:s16], [sflag:$0x2] =	stream.linear.gather [hbm4b:s28+s3], $0x4000, $0x38;
	[tilespmem:$0x1E080] =	vst v63  }
0x33: {  	p0 =	sne.s32 s26, $0x26000;
	_ =	swait.ge [sflag:s17], $0x4000  }
0x34: {  	[sflag:s17] =	ssyncset.done $0x0  }
0x35: {  	[sflag:s17] =	ssyncadd.s32 $0xFFFFC000  }
0x36: {  	[spmem:s2] =	stream.indirect.scatter.add.f32 [tilespmem:s15], [sflag:$0x4], $0x80, s24, s18, $0xb8;
	[tilespmem:$0x1E080] =	vst v63  }
0x37: {  	_ =	swait.ge [sflag:s19], $0x4000  }
0x38: {  	[sflag:s19] =	ssyncset.done $0x0  }
0x39: {  	s26 =	sadd.s32 s25, s11;
	s25 =	smov.u32 s29;
	[sflag:s19] =	ssyncadd.s32 $0xFFFFC000  }
0x3a: {  	[tilespmem:s15], [sflag:$0x1] =	stream.linear.gather [hbm4b:s26+s3], $0x4000, $0x38;
	[tilespmem:$0x1E080] =	vst v63  }
0x3b: {  	_ =	swait.ge [sflag:s20], $0x4000  }
.Ltmp0:
0x3c: {  	[sflag:s20] =	ssyncset.done $0x0;
	(pc) =	sbr.rel @p0 .LBB2_2-.Ltmp0, $4  }
0x3d: {  	s26 =	sadd.s32 $0x80, s24;
	[sflag:s20] =	ssyncadd.s32 $0xFFFFC000  }
0x3e: {  	[spmem:s2] =	stream.indirect.scatter.add.f32 [tilespmem:s16], [sflag:$0x3], $0x80, s26, s18, $0xb8;
	[tilespmem:$0x1E080] =	vst v63  }
0x3f: {  	_ =	swait.ge [sflag:s14], $0x4000  }
0x40: {  	s24 =	sadd.s32 $0x100, s24;
	s26 =	smov.u32 s30;
	[sflag:s14] =	ssyncset.done $0x0  }
0x41: {  	s26 =	sadd.s32 s25, s12;
	[sflag:s14] =	ssyncadd.s32 $0xFFFFC000  }
0x42: {  	[tilespmem:s16], [sflag:$0x2] =	stream.linear.gather [hbm4b:s26+s3], $0x4000, $0x38;
	[tilespmem:$0x1E080] =	vst v63  }
0x43: {  	_ =	swait.ge [sflag:s17], $0x4000  }
0x44: {  	[sflag:s17] =	ssyncset.done $0x0  }
0x45: {  	[sflag:s17] =	ssyncadd.s32 $0xFFFFC000  }
0x46: {  	[spmem:s2] =	stream.indirect.scatter.add.f32 [tilespmem:s15], [sflag:$0x4], $0x80, s24, s18, $0xb8;
	[tilespmem:$0x1E080] =	vst v63  }
0x47: {  	_ =	swait.ge [sflag:s19], $0x4000  }
0x48: {  	[sflag:s19] =	ssyncset.done $0x0  }
0x49: {  	s30 =	sadd.s32 s25, s11;
	[sflag:s19] =	ssyncadd.s32 $0xFFFFC000  }
0x4a: {  	[tilespmem:s15], [sflag:$0x1] =	stream.linear.gather [hbm4b:s30+s3], $0x4000, $0x38;
	[tilespmem:$0x1E080] =	vst v63  }
0x4b: {  	_ =	swait.ge [sflag:s20], $0x4000  }
0x4c: {  	[sflag:s20] =	ssyncset.done $0x0  }
0x4d: {  	s31 =	sadd.s32 $0x80, s24;
	[sflag:s20] =	ssyncadd.s32 $0xFFFFC000  }
0x4e: {  	[spmem:s2] =	stream.indirect.scatter.add.f32 [tilespmem:s16], [sflag:$0x3], $0x80, s31, s18, $0xb8;
	[tilespmem:$0x1E080] =	vst v63  }
0x4f: {  	_ =	swait.ge [sflag:s14], $0x4000  }
0x50: {  	[sflag:s14] =	ssyncset.done $0x0  }
0x51: {  	[sflag:s14] =	ssyncadd.s32 $0xFFFFC000  }
0x52: {  	[tilespmem:s16], [sflag:$0x2] =	stream.linear.gather [hbm4b:s10+s3], $0x4000, $0x38;
	[tilespmem:$0x1E080] =	vst v63  }
0x53: {  	_ =	swait.ge [sflag:s17], $0x4000  }
0x54: {  	[sflag:s17] =	ssyncset.done $0x0  }
0x55: {  	[sflag:s17] =	ssyncadd.s32 $0xFFFFC000  }
0x56: {  	[spmem:s2] =	stream.indirect.scatter.add.f32 [tilespmem:s15], [sflag:$0x4], $0x80, s21, s18, $0xb8;
	[tilespmem:$0x1E080] =	vst v63  }
0x57: {  	_ =	swait.ge [sflag:s19], $0x4000  }
0x58: {  	[sflag:s19] =	ssyncset.done $0x0  }
0x59: {  	[sflag:s19] =	ssyncadd.s32 $0xFFFFC000  }
0x5a: {  	_ =	swait.ge [sflag:s20], $0x4000  }
0x5b: {  	[sflag:s20] =	ssyncset.done $0x0  }
0x5c: {  	[sflag:s20] =	ssyncadd.s32 $0xFFFFC000  }
0x5d: {  	[spmem:s2] =	stream.indirect.scatter.add.f32 [tilespmem:s16], [sflag:$0x3], $0x80, s22, s18, $0xb8;
	[tilespmem:$0x1E080] =	vst v63  }
0x5e: {  	_ =	swait.ge [sflag:s14], $0x4000  }
0x5f: {  	s23 =	sadd.s32 $0x1, s23;
	[sflag:s14] =	ssyncset.done $0x0  }
0x60: {  	p0 =	sne.s32 s23, s9;
	[sflag:s14] =	ssyncadd.s32 $0xFFFFC000  }
.Ltmp1:
0x61: {  	[bflag:$0x0] =	sbarrier.arrive $0xFFFF;
	(pc) =	sbr.rel @p0 .LBB2_1-.Ltmp1, $4  }
0x62: {  	[hbm:s8], [sflag:s5] =	dma.local [spmem:s13], $0x2710  }
0x63: {  	_ =	swait.ge [sflag:s14], $0x2710  }
0x64: {  	[sflag:s14] =	ssyncset.done $0x0  }
0x65: {  	[sflag:s14] =	ssyncadd.s32 $0xFFFFD8F0  }
0x66: {  	_ =	sfence.sel $0x180000  }
0x67: {  	[bflag:$0x0] =	sbarrier.arrive $0xFFFF  }
0x68: {  	p0 =	sne.s32 s1, $0x0;
	_ =	strace $0x9000004A  }
0x69: {  	s0 =	sadd.s32 @!p0 $0x100000, s0;
	[bflag:$0x2] =	sbarrier.arrive $0xFFFF  }
0x6a: {  	[sflag:s0] =	ssyncadd.tile.s32 @!p0 $0x1;
	_ =	shalt  }
.Lfunc_end2:
_tile_overlayer_lowered:
.L_overlay_start_2:
0x6b: {  	(tag) =	ssettag $0x2  }
0x6c: {  	s0 =	rddreg [dreg:$0x0];
	s2 =	stileid.u32  }
0x6d: {  	s1 =	rddreg [dreg:$0x1];
	p0 =	sne.s32 s2, $0x0  }
0x6e: {  	s3 =	rddreg [dreg:$0x2];
	[bflag:$0x3] =	sbarrier.arrive $0xFFFF;
	s2 =	simm.s32 @!p0 $0x1C03  }
0x6f: {  	[timem:s3], [sflag:s2] =	dma.local @!p0 [hbm:s0], s1  }
0x70: {  	s0 =	simm.s32 @!p0 $0x3  }
0x71: {  	_ =	swait.ge @!p0 [sflag:s0], s1  }
0x72: {  	s1 =	ssub.s32 @!p0 $0x0, s1;
	[sflag:s0] =	ssyncset.done @!p0 $0x0  }
0x73: {  	[sflag:s0] =	ssyncadd.s32 @!p0 s1  }
0x74: {  	[bflag:$0x3] =	sbarrier.arrive $0xFFFF  }
0x75: {  	_ =	shalt  }

// kernel: kernel.17.cloned.1.call-start
scs
__scs_entry_jumppad:
0x0: {  	(pc) =	sbr.rel $0x88, $3  }
0x1: {  	(tag) =	ssettag $0x0;
	lr =	simm.s32 $0x1  }
0x2: {  	[smem:$0x3F8D] =	sst lr;
	_ =	strace $0xD0000000  }
0x3: {  	_ = 	snop  }
0x4: {  	_ = 	snop  }
0x5: {  	_ = 	snop  }
0x6: {  	_ = 	snop  }
0x7: {  	_ = 	snop  }
__scs_overlays_trampoline_lowered:
0x8: {  	[smem:$0x3F9C] =	sst s0  }
0x9: {  	[smem:$0x3F9D] =	sst s1  }
0xa: {  	[smem:$0x3F9E] =	sst s2  }
0xb: {  	[smem:$0x3F9F] =	sst s3  }
0xc: {  	[smem:$0x3FA0] =	sst s4  }
0xd: {  	[smem:$0x3FA1] =	sst s5  }
0xe: {  	[smem:$0x3FA2] =	sst s6  }
0xf: {  	[smem:$0x3FA3] =	sst s7  }
0x10: {  	[smem:$0x3FA4] =	sst s8  }
0x11: {  	[smem:$0x3FA5] =	sst s9;
	s0 =	simm.s32 @!p0 $0x0  }
0x12: {  	s1 =	sld [smem:$0x3F8B];
	s0 =	simm.s32 @p0 $0x1  }
0x13: {  	[smem:$0x3FA6] =	sst s0;
	s0 =	simm.s32 @!p1 $0x0  }
0x14: {  	s2 =	sld [smem:$0x3F8A];
	s0 =	simm.s32 @p1 $0x1  }
0x15: {  	[smem:$0x3FA7] =	sst s0;
	s0 =	simm.s32 @!p2 $0x0  }
0x16: {  	s3 =	sld [smem:$0x3FDB];
	s0 =	simm.s32 @p2 $0x1  }
0x17: {  	s4 =	simm.s32 $0x1BF5;
	[smem:$0x3FA9] =	sst s0  }
0x18: {  	s0 =	sld [smem:$0x3F8C];
	_ =	swait.ge [sflag:s4], $0x0  }
0x19: {  	s7 =	sld [smem:$0x3F8D]  }
0x1a: {  	s8 =	sadd.s32 $0xFFFFE003, lr  }
0x1b: {  	s9 =	sadd.s32 $0xFFFFFEF7, lr;
	s5 =	simm.s32 $0xFFFFFFFF;
	p2 =	slt.u32 s8, $0xFFFFF086  }
0x1c: {  	p1 =	slt.u32 s9, $0xF7A;
	s5 =	simm.s32 @!p2 $0x0  }
0x1d: {  	s5 =	simm.s32 @p1 $0x1;
	p0 =	seq.s32 s7, s2  }
0x1e: {  	s7 =	smul.u32 @!p0 $0xF7A, s2;
	p2 =	seq.s32 @!p0 s5, $0x0  }
0x1f: {  	s9 =	smul.u32 $0xF7A, s1;
	s8 =	simm.s32 @!p0 $0x1BF5;
	p2 =	por !p2, p0  }
0x20: {  	[sflag:s8] =	ssyncset.s32 @!p0 $0xFFFFF086;
	s6 =	sadd.s32 @!p0 s3, s7;
	s7 =	simm.s32 @!p0 $0x108  }
0x21: {  	s3 =	sadd.s32 s3, s9;
	s6 =	sadd.s32 @!p0 $0x88, s6;
	s7 =	simm.s32 @p2 $0x1082  }
0x22: {  	[simem:s7], [sflag:s8] =	dma.local @!p0 [hbm:s6], $0xF7A  }
0x23: {  	s9 =	sor.u32 $0xD0000000, s2;
	s6 =	simm.s32 $0x108;
	_ =	swait.ge @!p0 [sflag:s8], $0x0  }
0x24: {  	s3 =	sadd.s32 $0x88, s3;
	s6 =	simm.s32 @!p1 $0x1082;
	[sflag:s4] =	ssyncset.s32 $0xFFFFF086  }
0x25: {  	[simem:s6], [sflag:s4] =	dma.local [hbm:s3], $0xF7A  }
0x26: {  	[smem:$0x3F8D] =	sst s1;
	(tag) =	ssettag s2;
	_ =	strace s9  }
0x27: {  	s1 =	sld [smem:$0x3F9D]  }
0x28: {  	s2 =	sld [smem:$0x3F9E]  }
0x29: {  	s4 =	sld [smem:$0x3FA0]  }
0x2a: {  	p0 =	seq.s32 s5, $0x0;
	s5 =	sld [smem:$0x3FA1]  }
0x2b: {  	s6 =	sld [smem:$0x3FA2]  }
0x2c: {  	s7 =	sld [smem:$0x3FA3]  }
0x2d: {  	s3 =	simm.s32 $0x108;
	s8 =	sld [smem:$0x3FA4]  }
0x2e: {  	s3 =	simm.s32 @!p0 $0x1082;
	s9 =	sld [smem:$0x3FA5]  }
0x2f: {  	lr =	sadd.s32 s0, s3;
	s0 =	sld [smem:$0x3F9C]  }
0x30: {  	s3 =	sld [smem:$0x3F9F]  }
0x31: {  	[smem:$0x3FA8] =	sst s10  }
0x32: {  	s10 =	sld [smem:$0x3FA6];
	_ =	sdelay $0x3  }
0x33: {  	p0 =	seq.s32 s10, $0x1;
	s10 =	sld [smem:$0x3FA8];
	_ =	sdelay $0x3  }
0x34: {  	[smem:$0x3FA8] =	sst s10  }
0x35: {  	s10 =	sld [smem:$0x3FA7];
	_ =	sdelay $0x3  }
0x36: {  	p1 =	seq.s32 s10, $0x1;
	s10 =	sld [smem:$0x3FA8];
	_ =	sdelay $0x3  }
0x37: {  	[smem:$0x3FA8] =	sst s10  }
0x38: {  	s10 =	sld [smem:$0x3FA9]  }
0x39: {  	_ = 	snop;
	(pc) =	sbr.ind lr, $3  }
0x3a: {  	_ = 	snop  }
0x3b: {  	_ = 	snop  }
0x3c: {  	p2 =	seq.s32 s10, $0x1;
	s10 =	sld [smem:$0x3FA8]  }
0x3d: {  	_ =	shalt  }
0x3e: {  	_ =	shalt  }
0x3f: {  	_ =	shalt  }
0x40: {  	_ =	shalt  }
0x41: {  	_ =	shalt  }
0x42: {  	_ =	shalt  }
0x43: {  	_ =	shalt  }
0x44: {  	_ =	shalt  }
0x45: {  	_ =	shalt  }
0x46: {  	_ =	shalt  }
0x47: {  	_ =	shalt  }
0x48: {  	_ =	shalt  }
0x49: {  	_ =	shalt  }
0x4a: {  	_ =	shalt  }
0x4b: {  	_ =	shalt  }
0x4c: {  	_ =	shalt  }
0x4d: {  	_ =	shalt  }
0x4e: {  	_ =	shalt  }
0x4f: {  	_ =	shalt  }
0x50: {  	_ =	shalt  }
0x51: {  	_ =	shalt  }
0x52: {  	_ =	shalt  }
0x53: {  	_ =	shalt  }
0x54: {  	_ =	shalt  }
0x55: {  	_ =	shalt  }
0x56: {  	_ =	shalt  }
0x57: {  	_ =	shalt  }
0x58: {  	_ =	shalt  }
0x59: {  	_ =	shalt  }
0x5a: {  	_ =	shalt  }
0x5b: {  	_ =	shalt  }
0x5c: {  	_ =	shalt  }
0x5d: {  	_ =	shalt  }
0x5e: {  	_ =	shalt  }
0x5f: {  	_ =	shalt  }
0x60: {  	_ =	shalt  }
0x61: {  	_ =	shalt  }
0x62: {  	_ =	shalt  }
0x63: {  	_ =	shalt  }
0x64: {  	_ =	shalt  }
0x65: {  	_ =	shalt  }
0x66: {  	_ =	shalt  }
0x67: {  	_ =	shalt  }
0x68: {  	_ =	shalt  }
0x69: {  	_ =	shalt  }
0x6a: {  	_ =	shalt  }
0x6b: {  	_ =	shalt  }
0x6c: {  	_ =	shalt  }
0x6d: {  	_ =	shalt  }
0x6e: {  	_ =	shalt  }
0x6f: {  	_ =	shalt  }
0x70: {  	_ =	shalt  }
0x71: {  	_ =	shalt  }
0x72: {  	_ =	shalt  }
0x73: {  	_ =	shalt  }
0x74: {  	_ =	shalt  }
0x75: {  	_ =	shalt  }
0x76: {  	_ =	shalt  }
0x77: {  	_ =	shalt  }
0x78: {  	_ =	shalt  }
0x79: {  	_ =	shalt  }
0x7a: {  	_ =	shalt  }
0x7b: {  	_ =	shalt  }
0x7c: {  	_ =	shalt  }
0x7d: {  	_ =	shalt  }
0x7e: {  	_ =	shalt  }
0x7f: {  	_ =	shalt  }
0x80: {  	_ =	shalt  }
0x81: {  	_ =	shalt  }
0x82: {  	_ =	shalt  }
0x83: {  	_ =	shalt  }
0x84: {  	_ =	shalt  }
0x85: {  	_ =	shalt  }
0x86: {  	_ =	shalt  }
0x87: {  	_ =	shalt  }
.Lfunc_end0:
.L_simem_size_0:
called_computation.2_lowered:
.L_overlay_start_0:
0x88: {  	s2 =	sld [smem:$0x3FD9]  }
0x89: {  	s3 =	sld [smem:$0x3FFE];
	_ =	sdelay $0x1  }
0x8a: {  	s1 =	srdreg.scid  }
0x8b: {  	s0 =	sand.u32 $0x1, s1  }
0x8c: {  	s17 =	sshll.u32 s0, $0xA;
	s2 =	sadd.s32 s3, s2  }
0x8d: {  	s2 =	sadd.s32 s2, s17  }
0x8e: {  	[smem:$0x3FB4] =	sst s2  }
0x8f: {  	_ = 	snop  }
0x90: {  	s2 =	sld [smem:$0x3FD0];
	(tm) =	ssettm $0x1  }
0x91: {  	s18 =	sld [smem:$0x3FFB];
	_ =	sdelay $0x3  }
0x92: {  	_ =	strace s18  }
0x93: {  	s3 =	sld [smem:$0x3FFC];
	_ =	sdelay $0x3  }
0x94: {  	_ =	strace s3  }
0x95: {  	s3 =	sld [smem:$0x3FFD];
	_ =	sdelay $0x3  }
0x96: {  	_ =	strace s3  }
0x97: {  	_ =	strace $0x8FFFFFFF  }
0x98: {  	s19 =	sld [smem:$0x3FDB];
	_ =	sdelay $0x1  }
0x99: {  	s4 =	simm.s32 $_scs_section_size  }
0x9a: {  	s5 =	simm.s32 $_size__tile_overlayer_lowered;
	s6 =	simm.s32 $_tile_overlayer_lowered  }
0x9b: {  	s22 =	simm.s32 $0x1BFF;
	s21 =	sshll.u32 s6, $0x1;
	s3 =	sadd.s32 s4, s19  }
0x9c: {  	s7 =	simm.s32 $0x0;
	s20 =	sshll.u32 s5, $0x1;
	s5 =	sadd.s32 s21, s3  }
0x9d: {  	[timem:s7], [sflag:s22] =	dma.local [hbm:s5], s20  }
0x9e: {  	_ =	swait.ge [sflag:s22], s20  }
0x9f: {  	s4 =	ssub.s32 $0x0, s20;
	[sflag:s22] =	ssyncset.done $0x0  }
0xa0: {  	[sflag:s22] =	ssyncadd.s32 s4;
	_ =	sdelay $0x1  }
0xa1: {  	s23 =	simm.s32 $0x1B8B  }
0xa2: {  	_ =	swait.ge [sflag:s23], $0x1  }
0xa3: {  	[sflag:s23] =	ssyncset.done $0x0  }
0xa4: {  	s25 =	simm.s32 $0x1B8E;
	s24 =	sld [smem:$0x3FFE];
	[sflag:s23] =	ssyncadd.s32 $0xFFFFFFFF  }
0xa5: {  	s26 =	simm.s32 $execute0_lowered;
	[smem:$0x3FD2] =	sst s25  }
0xa6: {  	s5 =	sshll.u32 s26, $0x1;
	_ =	strace $0x8000004C;
	[dreg:$0x1] =	wrdreg $0xFFFFFFFF  }
0xa7: {  	s28 =	simm.s32 $_size_execute0_lowered;
	s3 =	sadd.s32 s3, s5;
	[dreg:$0x0] =	wrdreg $0x0  }
0xa8: {  	s5 =	sshll.u32 s28, $0x1;
	[dreg:$0x2] =	wrdreg s3  }
0xa9: {  	[dreg:$0x3] =	wrdreg s5  }
0xaa: {  	[dreg:$0x4] =	wrdreg $0xC0  }
0xab: {  	_ =	task [dreg:s7], $0x5FFFF  }
0xac: {  	[dreg:$0x1] =	wrdreg $0xFFFFFFFF  }
0xad: {  	[dreg:$0x0] =	wrdreg $0x60  }
0xae: {  	[dreg:$0x2] =	wrdreg s24  }
0xaf: {  	[dreg:$0x3] =	wrdreg s2  }
0xb0: {  	[dreg:$0x4] =	wrdreg $0x110000  }
0xb1: {  	[dreg:$0x5] =	wrdreg $0x15E200  }
0xb2: {  	[dreg:$0x6] =	wrdreg $0x9  }
0xb3: {  	_ =	task.clear_ibuf [dreg:s7], $0x7FFFF;
	_ =	strace $0x9000004C  }
0xb4: {  	s29 =	simm.s32 $0x9;
	_ =	strace $0x8000004E  }
0xb5: {  	_ =	swait.ge [sflag:s29], $0x1  }
0xb6: {  	[sflag:s29] =	ssyncadd.s32 $0xFFFFFFFF  }
0xb7: {  	_ =	strace $0x9000004E  }
0xb8: {  	_ =	sfence  }
0xb9: {  	s30 =	sld [smem:$0x0];
	_ =	sdelay $0x2  }
0xba: {  	s31 =	sshll.u32 s1, $0xD;
	s1 =	sshrl.u32 s1, $0x2  }
0xbb: {  	s3 =	sand.u32 $0x4000, s31;
	s1 =	sadd.s32 s1, s30  }
0xbc: {  	s0 =	sor.u32 s3, s0;
	s1 =	sshll.u32 s1, $0x11  }
0xbd: {  	s0 =	sor.u32 s1, s0  }
0xbe: {  	s0 =	sadd.s32 $0x8F2B, s0  }
0xbf: {  	[sflag:s0] =	ssyncadd.remote.s32 $0x1  }
0xc0: {  	_ =	sfence.sel $0xFFFF  }
0xc1: {  	[dreg:$0x0] =	wrdreg $0xFFFFFFFF;
	(pc) =	sbr.abs _section_cstart, $3  }
0xc2: {  	[dreg:$0x1] =	wrdreg $0xFFFFFFFF  }
0xc3: {  	_ =	task.clear_ibuf [dreg:s7], $0x2FFFF;
	_ =	strace $0x9FFFFFFF  }
0xc4: {  	(tm) =	ssettm $0x7FFFFFFF  }
0xc5: {  	_ =	shalt  }
tec
execute0_lowered:
.L_overlay_start_1:
0x0: {  	(tag) =	ssettag $0x1  }
0x1: {  	s0 =	rddreg [dreg:$0x0]  }
0x2: {  	s1 =	rddreg [dreg:$0x1]  }
0x3: {  	s2 =	rddreg [dreg:$0x2]  }
0x4: {  	s3 =	rddreg [dreg:$0x3];
	s16 =	stileid.u32;
	s4 =	simm.s32 $0x0  }
0x5: {  	s6 =	srdreg.scid;
	s25 =	simm.s32 $0x8000;
	s26 =	simm.s32 $0xF000  }
0x6: {  	s28 =	simm.s32 $0x20;
	s29 =	simm.s32 $0x6;
	s5 =	smul.u32 $0x4E20, s16  }
0x7: {  	s30 =	simm.s32 $0x40;
	s31 =	simm.s32 $0x2;
	s7 =	smul.u32 $0x9C40, s16  }
0x8: {  	s6 =	sand.u32 $0x1, s6;
	s8 =	sshll.u32 s16, $0x1;
	[smem:$0x7FF] =	sst s4  }
0x9: {  	s13 =	smul.u32 $0x280000, s16;
	s17 =	sshll.u32 s16, $0x6;
	s8 =	sor.u32 s6, s8  }
0xa: {  	_ =	strace $0x8000004D;
	s12 =	ssub.s32 $0x2, s6;
	s15 =	smul.u32 $0x140000, s6  }
0xb: {  	s6 =	sor.u32 $0x1C05, s17;
	s17 =	simm.s32 $0x80;
	[dreg:$0x5] =	wrdreg s25  }
0xc: {  	[dreg:$0x6] =	wrdreg s26;
	s25 =	simm.s32 $0x1;
	s26 =	simm.s32 $0x3  }
0xd: {  	s9 =	sshrl.u32 s5, $0x3;
	s10 =	sshrl.u32 s7, $0x3;
	s8 =	smul.u32 $0x500, s8  }
0xe: {  	s14 =	sshrl.u32 s12, $0x1;
	s5 =	sadd.s32 s5, s2;
	s7 =	sadd.s32 s7, s3  }
0xf: {  	s9 =	sadd.s32 s9, s0;
	s10 =	sadd.s32 s10, s0;
	s12 =	ssub.s32 s12, s14  }
0x10: {  	s18 =	sadd.s32 s15, s13;
	s24 =	sshrl.u32 s5, $0x3;
	s14 =	simm.s32 $0x5  }
0x11: {  	s15 =	sshrl.u32 s7, $0x3;
	s11 =	sadd.s32 s8, s0;
	s0 =	sadd.s32 $0x7A200, s0  }
0x12: {  	s9 =	sadd.s32 $0x3F200, s9;
	s10 =	sadd.s32 $0x2B800, s10;
	[dreg:$0xc] =	wrdreg s24  }
0x13: {  	s19 =	sor.u32 $0x8000, s18;
	s1 =	sadd.s32 s1, s8;
	[dreg:$0x7] =	wrdreg s9  }
0x14: {  	s20 =	sshrl.u32 s18, $0x3;
	s23 =	smax.u32 s12, $0x1;
	[dreg:$0x8] =	wrdreg s10  }
0x15: {  	s18 =	simm.s32 $0x5000;
	s24 =	simm.s32 $0xD000;
	[dreg:$0x9] =	wrdreg s1  }
0x16: {  	s21 =	sshrl.u32 s19, $0x3;
	s22 =	sadd.s32 $0x49000, s11;
	s1 =	sadd.s32 s20, s0  }
0x17: {  	[dreg:$0xb] =	wrdreg s23;
	s19 =	simm.s32 $0x9000;
	s23 =	simm.s32 $0x7000  }
0x18: {  	[dreg:$0xa] =	wrdreg s22;
	s0 =	sadd.s32 s21, s0;
	s11 =	sadd.s32 $0x4, s1  }
0x19: {  	s1 =	simm.s32 $0x0;
	s12 =	sadd.s32 $0x4, s0;
	s0 =	simm.s32 $0x4  }
.LBB2_1:
0x1a: {  	s5 =	rddreg [dreg:$0x7]  }
0x1b: {  	s7 =	rddreg [dreg:$0xc]  }
0x1c: {  	[spmem:s7], [sflag:s6] =	dma.local [hbm:s5], $0x9C4  }
0x1d: {  	_ =	swait.ge [sflag:s14], $0x9C4  }
0x1e: {  	[sflag:s14] =	ssyncset.done $0x0  }
0x1f: {  	s13 =	rddreg [dreg:$0x8];
	[sflag:s14] =	ssyncadd.s32 $0xFFFFF63C  }
0x20: {  	[spmem:s15], [sflag:s6] =	dma.local [hbm:s13], $0x1388  }
0x21: {  	_ =	swait.ge [sflag:s14], $0x1388  }
0x22: {  	[sflag:s14] =	ssyncset.done $0x0  }
0x23: {  	s16 =	rddreg [dreg:$0x9];
	[sflag:s14] =	ssyncadd.s32 $0xFFFFEC78  }
0x24: {  	[tilespmem:s4], [sflag:$0x5] =	stream.linear.gather [hbm4b:s16+s4], $0x2800, $0x38;
	[tilespmem:$0x1FA60] =	vst v63  }
0x25: {  	_ =	swait.ge [sflag:s14], $0x2800  }
0x26: {  	[sflag:s14] =	ssyncset.done $0x0  }
0x27: {  	s21 =	simm.s32 $0x2800;
	s20 =	rddreg [dreg:$0xa];
	[sflag:s14] =	ssyncadd.s32 $0xFFFFD800  }
0x28: {  	[tilespmem:s21], [sflag:$0x5] =	stream.linear.gather [hbm4b:s20+s4], $0x2800, $0x38;
	[tilespmem:$0x1FA60] =	vst v63  }
0x29: {  	_ =	swait.ge [sflag:s14], $0x2800  }
0x2a: {  	[sflag:s14] =	ssyncset.done $0x0  }
0x2b: {  	[sflag:s14] =	ssyncadd.s32 $0xFFFFD800  }
0x2c: {  	[bflag:$0x0] =	sbarrier.arrive $0xFFFF  }
0x2d: {  	[tilespmem:s18], [sflag:$0x1] =	stream.indirect.gather [spmem:s2], $0x20, s4, s17, $0xb8;
	[tilespmem:$0x1FA60] =	vst v63  }
0x2e: {  	_ = 	snop  }
0x2f: {  	[tilespmem:s19], [sflag:$0x3] =	stream.indirect.gather [spmem:s3], $0x40, s21, s17, $0xb8;
	[tilespmem:$0x1FA60] =	vst v63  }
0x30: {  	s22 =	simm.s32 $0x6000  }
0x31: {  	[tilespmem:s22], [sflag:$0x1] =	stream.indirect.gather [spmem:s2], $0x20, s17, s17, $0xb8;
	[tilespmem:$0x1FA60] =	vst v63  }
0x32: {  	s8 =	simm.s32 $0xB000;
	s7 =	simm.s32 $0x2880  }
0x33: {  	[tilespmem:s8], [sflag:$0x3] =	stream.indirect.gather [spmem:s3], $0x40, s7, s17, $0xb8;
	[tilespmem:$0x1FA60] =	vst v63  }
0x34: {  	s9 =	simm.s32 $0x100  }
0x35: {  	[tilespmem:s23], [sflag:$0x2] =	stream.indirect.gather [spmem:s2], $0x20, s9, s17, $0xb8;
	[tilespmem:$0x1FA60] =	vst v63  }
0x36: {  	s10 =	simm.s32 $0x2900  }
0x37: {  	[tilespmem:s24], [sflag:$0x4] =	stream.indirect.gather [spmem:s3], $0x40, s10, s17, $0xb8;
	[tilespmem:$0x1FA60] =	vst v63  }
0x38: {  	s16 =	simm.s32 $0x180;
	s13 =	rddreg [dreg:$0x5]  }
0x39: {  	[tilespmem:s13], [sflag:$0x2] =	stream.indirect.gather [spmem:s2], $0x20, s16, s17, $0xb8;
	[tilespmem:$0x1FA60] =	vst v63  }
0x3a: {  	s20 =	simm.s32 $0x2980;
	s8 =	rddreg [dreg:$0x6]  }
0x3b: {  	[tilespmem:s8], [sflag:$0x4] =	stream.indirect.gather [spmem:s3], $0x40, s20, s17, $0xb8;
	[tilespmem:$0x1FA60] =	vst v63  }
0x3c: {  	_ =	swait.ge [sflag:s25], $0x1000  }
0x3d: {  	[sflag:s25] =	ssyncset.done $0x0  }
0x3e: {  	[sflag:s25] =	ssyncadd.s32 $0xFFFFF000  }
0x3f: {  	_ =	swait.ge [sflag:s26], $0x2000  }
0x40: {  	[sflag:s26] =	ssyncset.done $0x0  }
0x41: {  	[sflag:s26] =	ssyncadd.s32 $0xFFFFE000  }
0x42: {  	_ =	swait.ge [sflag:s25], $0x1000  }
0x43: {  	[sflag:s25] =	ssyncset.done $0x0  }
0x44: {  	[sflag:s25] =	ssyncadd.s32 $0xFFFFF000  }
0x45: {  	_ =	swait.ge [sflag:s26], $0x2000  }
0x46: {  	[sflag:s26] =	ssyncset.done $0x0  }
0x47: {  	s21 =	sadd.s32 $0xFFFFFFFC, s11;
	[sflag:s26] =	ssyncadd.s32 $0xFFFFE000  }
0x48: {  	[hbm4b:s21+s28] =	stream.strided.scatter [tilespmem:s18], [sflag:$0x6], $0x2000, s17, s28, $0x38;
	[tilespmem:$0x1FA60] =	vst v63  }
0x49: {  	_ =	swait.ge [sflag:s29], $0x2000  }
0x4a: {  	[sflag:s29] =	ssyncset.done $0x0  }
0x4b: {  	[sflag:s29] =	ssyncadd.s32 $0xFFFFE000  }
0x4c: {  	[hbm4b:s11+s30] =	stream.strided.scatter [tilespmem:s19], [sflag:$0x6], $0x4000, s17, s30, $0x38;
	[tilespmem:$0x1FA60] =	vst v63  }
0x4d: {  	p0 =	por $0x0, $0x0;
	_ =	swait.ge [sflag:s29], $0x4000  }
0x4e: {  	s5 =	simm.s32 @!p0 $0x5000;
	[sflag:s29] =	ssyncset.done $0x0  }
0x4f: {  	s7 =	simm.s32 @!p0 $0x200;
	s8 =	simm.s32 @!p0 $0x80;
	[sflag:s29] =	ssyncadd.s32 $0xFFFFC000  }
0x50: {  	[tilespmem:s5], [sflag:$0x1] =	stream.indirect.gather @!p0 [spmem:s2], $0x20, s7, s8, $0xb8;
	[tilespmem:$0x1FA60] =	vst v63  }
0x51: {  	s5 =	simm.s32 @!p0 $0x2A00;
	s7 =	simm.s32 @!p0 $0x9000  }
0x52: {  	[tilespmem:s7], [sflag:$0x3] =	stream.indirect.gather @!p0 [spmem:s3], $0x40, s5, s8, $0xb8;
	[tilespmem:$0x1FA60] =	vst v63  }
0x53: {  	s5 =	simm.s32 @!p0 $0x280;
	s7 =	simm.s32 @!p0 $0x6000  }
0x54: {  	[tilespmem:s7], [sflag:$0x1] =	stream.indirect.gather @!p0 [spmem:s2], $0x20, s5, s8, $0xb8;
	[tilespmem:$0x1FA60] =	vst v63  }
0x55: {  	s5 =	simm.s32 @!p0 $0x2A80;
	s7 =	simm.s32 @!p0 $0xB000  }
0x56: {  	[tilespmem:s7], [sflag:$0x3] =	stream.indirect.gather @!p0 [spmem:s3], $0x40, s5, s8, $0xb8;
	[tilespmem:$0x1FA60] =	vst v63  }
0x57: {  	_ =	swait.ge [sflag:s31], $0x1000  }
0x58: {  	[sflag:s31] =	ssyncset.done $0x0  }
0x59: {  	[sflag:s31] =	ssyncadd.s32 $0xFFFFF000  }
0x5a: {  	_ =	swait.ge [sflag:s0], $0x2000  }
0x5b: {  	[sflag:s0] =	ssyncset.done $0x0  }
0x5c: {  	[sflag:s0] =	ssyncadd.s32 $0xFFFFE000  }
0x5d: {  	_ =	swait.ge [sflag:s31], $0x1000  }
0x5e: {  	[sflag:s31] =	ssyncset.done $0x0  }
0x5f: {  	[sflag:s31] =	ssyncadd.s32 $0xFFFFF000  }
0x60: {  	_ =	swait.ge [sflag:s0], $0x2000  }
0x61: {  	[sflag:s0] =	ssyncset.done $0x0  }
0x62: {  	s22 =	sadd.s32 $0xFFFFFFFC, s12;
	[sflag:s0] =	ssyncadd.s32 $0xFFFFE000  }
0x63: {  	[hbm4b:s22+s28] =	stream.strided.scatter [tilespmem:s23], [sflag:$0x6], $0x2000, s17, s28, $0x38;
	[tilespmem:$0x1FA60] =	vst v63  }
0x64: {  	_ =	swait.ge [sflag:s29], $0x2000  }
0x65: {  	[sflag:s29] =	ssyncset.done $0x0  }
0x66: {  	s20 =	sadd.s32 $0x2000, s12;
	[sflag:s29] =	ssyncadd.s32 $0xFFFFE000  }
0x67: {  	[hbm4b:s12+s30] =	stream.strided.scatter [tilespmem:s24], [sflag:$0x5], $0x4000, s17, s30, $0x38;
	[tilespmem:$0x1FA60] =	vst v63  }
0x68: {  	s21 =	sadd.s32 $0x2000, s11;
	s5 =	simm.s32 $0x1000;
	_ =	swait.ge [sflag:s14], $0x4000  }
0x69: {  	s8 =	simm.s32 $0x200;
	s22 =	simm.s32 $0x800;
	[sflag:s14] =	ssyncset.done $0x0  }
.LBB2_2:
0x6a: {  	s9 =	sadd.s32 $0x100, s8;
	[sflag:s14] =	ssyncadd.s32 $0xFFFFC000  }
0x6b: {  	[tilespmem:s23], [sflag:$0x2] =	stream.indirect.gather [spmem:s2], $0x20, s9, s17, $0xb8;
	[tilespmem:$0x1FA60] =	vst v63  }
0x6c: {  	s16 =	sadd.s32 $0x2900, s8  }
0x6d: {  	[tilespmem:s24], [sflag:$0x4] =	stream.indirect.gather [spmem:s3], $0x40, s16, s17, $0xb8;
	[tilespmem:$0x1FA60] =	vst v63  }
0x6e: {  	s10 =	rddreg [dreg:$0x5];
	s13 =	sadd.s32 $0x180, s8  }
0x6f: {  	[tilespmem:s10], [sflag:$0x2] =	stream.indirect.gather [spmem:s2], $0x20, s13, s17, $0xb8;
	[tilespmem:$0x1FA60] =	vst v63  }
0x70: {  	s16 =	rddreg [dreg:$0x6];
	s10 =	sadd.s32 $0x2980, s8  }
0x71: {  	[tilespmem:s16], [sflag:$0x4] =	stream.indirect.gather [spmem:s3], $0x40, s10, s17, $0xb8;
	[tilespmem:$0x1FA60] =	vst v63  }
0x72: {  	_ =	swait.ge [sflag:s25], $0x1000  }
0x73: {  	[sflag:s25] =	ssyncset.done $0x0  }
0x74: {  	[sflag:s25] =	ssyncadd.s32 $0xFFFFF000  }
0x75: {  	_ =	swait.ge [sflag:s26], $0x2000  }
0x76: {  	[sflag:s26] =	ssyncset.done $0x0  }
0x77: {  	[sflag:s26] =	ssyncadd.s32 $0xFFFFE000  }
0x78: {  	_ =	swait.ge [sflag:s25], $0x1000  }
0x79: {  	[sflag:s25] =	ssyncset.done $0x0  }
0x7a: {  	[sflag:s25] =	ssyncadd.s32 $0xFFFFF000  }
0x7b: {  	_ =	swait.ge [sflag:s26], $0x2000  }
0x7c: {  	[sflag:s26] =	ssyncset.done $0x0  }
0x7d: {  	s13 =	sadd.s32 $0xFFFFFFFC, s21;
	[sflag:s26] =	ssyncadd.s32 $0xFFFFE000  }
0x7e: {  	[hbm4b:s13+s28] =	stream.strided.scatter [tilespmem:s18], [sflag:$0x6], $0x2000, s17, s28, $0x38;
	[tilespmem:$0x1FA60] =	vst v63  }
0x7f: {  	_ =	swait.ge [sflag:s29], $0x2000  }
0x80: {  	[sflag:s29] =	ssyncset.done $0x0  }
0x81: {  	[sflag:s29] =	ssyncadd.s32 $0xFFFFE000  }
0x82: {  	[hbm4b:s21+s30] =	stream.strided.scatter [tilespmem:s19], [sflag:$0x6], $0x4000, s17, s30, $0x38;
	[tilespmem:$0x1FA60] =	vst v63  }
0x83: {  	p1 =	seq.s32 s22, $0x9800;
	_ =	swait.ge [sflag:s29], $0x4000  }
0x84: {  	s9 =	simm.s32 @!p1 $0x5000;
	s8 =	sshra.s32 @!p1 s22, $0x2;
	[sflag:s29] =	ssyncset.done $0x0  }
0x85: {  	s10 =	sadd.s32 @!p1 $0x200, s8;
	s16 =	simm.s32 @!p1 $0x80;
	[sflag:s29] =	ssyncadd.s32 $0xFFFFC000  }
0x86: {  	[tilespmem:s9], [sflag:$0x1] =	stream.indirect.gather @!p1 [spmem:s2], $0x20, s10, s16, $0xb8;
	[tilespmem:$0x1FA60] =	vst v63  }
0x87: {  	s9 =	sadd.s32 @!p1 $0x2A00, s8;
	s10 =	simm.s32 @!p1 $0x9000  }
0x88: {  	[tilespmem:s10], [sflag:$0x3] =	stream.indirect.gather @!p1 [spmem:s3], $0x40, s9, s16, $0xb8;
	[tilespmem:$0x1FA60] =	vst v63  }
0x89: {  	s7 =	smov.u32 s5;
	s13 =	sadd.s32 @!p1 $0x280, s8;
	s9 =	simm.s32 @!p1 $0x6000  }
0x8a: {  	[tilespmem:s9], [sflag:$0x1] =	stream.indirect.gather @!p1 [spmem:s2], $0x20, s13, s16, $0xb8;
	[tilespmem:$0x1FA60] =	vst v63  }
0x8b: {  	s22 =	smov.u32 s7;
	s7 =	simm.s32 @!p1 $0xB000;
	s8 =	sadd.s32 @!p1 $0x2A80, s8  }
0x8c: {  	[tilespmem:s7], [sflag:$0x3] =	stream.indirect.gather @!p1 [spmem:s3], $0x40, s8, s16, $0xb8;
	[tilespmem:$0x1FA60] =	vst v63  }
0x8d: {  	_ =	swait.ge [sflag:s31], $0x1000  }
0x8e: {  	[sflag:s31] =	ssyncset.done $0x0  }
0x8f: {  	[sflag:s31] =	ssyncadd.s32 $0xFFFFF000  }
0x90: {  	_ =	swait.ge [sflag:s0], $0x2000  }
0x91: {  	[sflag:s0] =	ssyncset.done $0x0  }
0x92: {  	[sflag:s0] =	ssyncadd.s32 $0xFFFFE000  }
0x93: {  	_ =	swait.ge [sflag:s31], $0x1000  }
0x94: {  	[sflag:s31] =	ssyncset.done $0x0  }
0x95: {  	[sflag:s31] =	ssyncadd.s32 $0xFFFFF000  }
0x96: {  	_ =	swait.ge [sflag:s0], $0x2000  }
0x97: {  	[sflag:s0] =	ssyncset.done $0x0  }
0x98: {  	s5 =	sadd.s32 $0x800, s5;
	s16 =	sadd.s32 $0xFFFFFFFC, s20;
	[sflag:s0] =	ssyncadd.s32 $0xFFFFE000  }
0x99: {  	[hbm4b:s16+s28] =	stream.strided.scatter [tilespmem:s23], [sflag:$0x6], $0x2000, s17, s28, $0x38;
	[tilespmem:$0x1FA60] =	vst v63  }
0x9a: {  	p0 =	sne.s32 s5, $0xA000;
	_ =	swait.ge [sflag:s29], $0x2000  }
.Ltmp0:
0x9b: {  	[sflag:s29] =	ssyncset.done $0x0;
	(pc) =	sbr.rel @p0 .LBB2_2-.Ltmp0, $4  }
0x9c: {  	[sflag:s29] =	ssyncadd.s32 $0xFFFFE000  }
0x9d: {  	[hbm4b:s20+s30] =	stream.strided.scatter [tilespmem:s24], [sflag:$0x5], $0x4000, s17, s30, $0x38;
	[tilespmem:$0x1FA60] =	vst v63  }
0x9e: {  	s21 =	sadd.s32 $0x2000, s21;
	_ =	swait.ge [sflag:s14], $0x4000  }
0x9f: {  	s8 =	sshra.s32 s22, $0x2;
	s20 =	sadd.s32 $0x2000, s20;
	[sflag:s14] =	ssyncset.done $0x0  }
0xa0: {  	s5 =	sadd.s32 $0x100, s8;
	[sflag:s14] =	ssyncadd.s32 $0xFFFFC000  }
0xa1: {  	[tilespmem:s23], [sflag:$0x2] =	stream.indirect.gather [spmem:s2], $0x20, s5, s17, $0xb8;
	[tilespmem:$0x1FA60] =	vst v63  }
0xa2: {  	s9 =	sadd.s32 $0x2900, s8  }
0xa3: {  	[tilespmem:s24], [sflag:$0x4] =	stream.indirect.gather [spmem:s3], $0x40, s9, s17, $0xb8;
	[tilespmem:$0x1FA60] =	vst v63  }
0xa4: {  	s7 =	rddreg [dreg:$0x5];
	s10 =	sadd.s32 $0x180, s8  }
0xa5: {  	[tilespmem:s7], [sflag:$0x2] =	stream.indirect.gather [spmem:s2], $0x20, s10, s17, $0xb8;
	[tilespmem:$0x1FA60] =	vst v63  }
0xa6: {  	s13 =	sadd.s32 $0x2980, s8;
	s9 =	rddreg [dreg:$0x6]  }
0xa7: {  	[tilespmem:s9], [sflag:$0x4] =	stream.indirect.gather [spmem:s3], $0x40, s13, s17, $0xb8;
	[tilespmem:$0x1FA60] =	vst v63  }
0xa8: {  	_ =	swait.ge [sflag:s25], $0x1000  }
0xa9: {  	[sflag:s25] =	ssyncset.done $0x0  }
0xaa: {  	[sflag:s25] =	ssyncadd.s32 $0xFFFFF000  }
0xab: {  	_ =	swait.ge [sflag:s26], $0x2000  }
0xac: {  	[sflag:s26] =	ssyncset.done $0x0  }
0xad: {  	[sflag:s26] =	ssyncadd.s32 $0xFFFFE000  }
0xae: {  	_ =	swait.ge [sflag:s25], $0x1000  }
0xaf: {  	[sflag:s25] =	ssyncset.done $0x0  }
0xb0: {  	[sflag:s25] =	ssyncadd.s32 $0xFFFFF000  }
0xb1: {  	_ =	swait.ge [sflag:s26], $0x2000  }
0xb2: {  	[sflag:s26] =	ssyncset.done $0x0  }
0xb3: {  	s16 =	sadd.s32 $0xFFFFFFFC, s21;
	[sflag:s26] =	ssyncadd.s32 $0xFFFFE000  }
0xb4: {  	[hbm4b:s16+s28] =	stream.strided.scatter [tilespmem:s18], [sflag:$0x6], $0x2000, s17, s28, $0x38;
	[tilespmem:$0x1FA60] =	vst v63  }
0xb5: {  	_ =	swait.ge [sflag:s29], $0x2000  }
0xb6: {  	[sflag:s29] =	ssyncset.done $0x0  }
0xb7: {  	p0 =	seq.s32 s22, $0x9800;
	[sflag:s29] =	ssyncadd.s32 $0xFFFFE000  }
0xb8: {  	[hbm4b:s21+s30] =	stream.strided.scatter [tilespmem:s19], [sflag:$0x6], $0x4000, s17, s30, $0x38;
	[tilespmem:$0x1FA60] =	vst v63  }
0xb9: {  	s5 =	sshra.s32 @!p0 s22, $0x2;
	_ =	swait.ge [sflag:s29], $0x4000  }
0xba: {  	s8 =	sadd.s32 @!p0 $0x200, s5;
	[sflag:s29] =	ssyncset.done $0x0  }
0xbb: {  	s7 =	simm.s32 @!p0 $0x5000;
	s9 =	simm.s32 @!p0 $0x80;
	[sflag:s29] =	ssyncadd.s32 $0xFFFFC000  }
0xbc: {  	[tilespmem:s7], [sflag:$0x1] =	stream.indirect.gather @!p0 [spmem:s2], $0x20, s8, s9, $0xb8;
	[tilespmem:$0x1FA60] =	vst v63  }
0xbd: {  	s7 =	sadd.s32 @!p0 $0x2A00, s5;
	s8 =	simm.s32 @!p0 $0x9000  }
0xbe: {  	[tilespmem:s8], [sflag:$0x3] =	stream.indirect.gather @!p0 [spmem:s3], $0x40, s7, s9, $0xb8;
	[tilespmem:$0x1FA60] =	vst v63  }
0xbf: {  	s7 =	sadd.s32 @!p0 $0x280, s5;
	s8 =	simm.s32 @!p0 $0x6000  }
0xc0: {  	[tilespmem:s8], [sflag:$0x1] =	stream.indirect.gather @!p0 [spmem:s2], $0x20, s7, s9, $0xb8;
	[tilespmem:$0x1FA60] =	vst v63  }
0xc1: {  	s5 =	sadd.s32 @!p0 $0x2A80, s5;
	s7 =	simm.s32 @!p0 $0xB000  }
0xc2: {  	[tilespmem:s7], [sflag:$0x3] =	stream.indirect.gather @!p0 [spmem:s3], $0x40, s5, s9, $0xb8;
	[tilespmem:$0x1FA60] =	vst v63  }
0xc3: {  	_ =	swait.ge [sflag:s31], $0x1000  }
0xc4: {  	[sflag:s31] =	ssyncset.done $0x0  }
0xc5: {  	[sflag:s31] =	ssyncadd.s32 $0xFFFFF000  }
0xc6: {  	_ =	swait.ge [sflag:s0], $0x2000  }
0xc7: {  	[sflag:s0] =	ssyncset.done $0x0  }
0xc8: {  	[sflag:s0] =	ssyncadd.s32 $0xFFFFE000  }
0xc9: {  	_ =	swait.ge [sflag:s31], $0x1000  }
0xca: {  	[sflag:s31] =	ssyncset.done $0x0  }
0xcb: {  	[sflag:s31] =	ssyncadd.s32 $0xFFFFF000  }
0xcc: {  	_ =	swait.ge [sflag:s0], $0x2000  }
0xcd: {  	[sflag:s0] =	ssyncset.done $0x0  }
0xce: {  	s21 =	sadd.s32 $0xFFFFFFFC, s20;
	[sflag:s0] =	ssyncadd.s32 $0xFFFFE000  }
0xcf: {  	[hbm4b:s21+s28] =	stream.strided.scatter [tilespmem:s23], [sflag:$0x6], $0x2000, s17, s28, $0x38;
	[tilespmem:$0x1FA60] =	vst v63  }
0xd0: {  	_ =	swait.ge [sflag:s29], $0x2000  }
0xd1: {  	[sflag:s29] =	ssyncset.done $0x0  }
0xd2: {  	[sflag:s29] =	ssyncadd.s32 $0xFFFFE000  }
0xd3: {  	[hbm4b:s20+s30] =	stream.strided.scatter [tilespmem:s24], [sflag:$0x5], $0x4000, s17, s30, $0x38;
	[tilespmem:$0x1FA60] =	vst v63  }
0xd4: {  	_ =	swait.ge [sflag:s14], $0x4000  }
0xd5: {  	s1 =	sadd.s32 $0x1, s1;
	s22 =	rddreg [dreg:$0xb]  }
0xd6: {  	p0 =	sne.s32 s1, s22  }
.Ltmp1:
0xd7: {  	_ = 	snop;
	(pc) =	sbr.rel @p0 .LBB2_1-.Ltmp1, $3  }
0xd8: {  	_ =	sdelay $0x1  }
0xd9: {  	[sflag:s14] =	ssyncset.done $0x0  }
0xda: {  	[sflag:s14] =	ssyncadd.s32 $0xFFFFC000  }
0xdb: {  	_ =	sfence.sel $0x180000  }
0xdc: {  	[bflag:$0x0] =	sbarrier.arrive $0xFFFF  }
0xdd: {  	_ =	strace $0x9000004D  }
0xde: {  	s0 =	stileid.u32;
	[bflag:$0x2] =	sbarrier.arrive $0xFFFF  }
0xdf: {  	p0 =	sne.s32 s0, $0x0;
	s0 =	rddreg [dreg:$0x4]  }
0xe0: {  	s0 =	sadd.s32 @!p0 $0x100000, s0  }
0xe1: {  	[sflag:s0] =	ssyncadd.tile.s32 @!p0 $0x1;
	_ =	shalt  }
.Lfunc_end2:
_tile_overlayer_lowered:
.L_overlay_start_2:
0xe2: {  	(tag) =	ssettag $0x2  }
0xe3: {  	s0 =	rddreg [dreg:$0x0];
	s2 =	stileid.u32  }
0xe4: {  	s1 =	rddreg [dreg:$0x1];
	p0 =	sne.s32 s2, $0x0  }
0xe5: {  	s3 =	rddreg [dreg:$0x2];
	[bflag:$0x3] =	sbarrier.arrive $0xFFFF;
	s2 =	simm.s32 @!p0 $0x1C05  }
0xe6: {  	[timem:s3], [sflag:s2] =	dma.local @!p0 [hbm:s0], s1  }
0xe7: {  	s0 =	simm.s32 @!p0 $0x5  }
0xe8: {  	_ =	swait.ge @!p0 [sflag:s0], s1  }
0xe9: {  	s1 =	ssub.s32 @!p0 $0x0, s1;
	[sflag:s0] =	ssyncset.done @!p0 $0x0  }
0xea: {  	[sflag:s0] =	ssyncadd.s32 @!p0 s1  }
0xeb: {  	[bflag:$0x3] =	sbarrier.arrive $0xFFFF  }
0xec: {  	_ =	shalt  }

// kernel: kernel.20.cloned.1.call-start
scs
__scs_entry_jumppad:
0x0: {  	(pc) =	sbr.rel $0x88, $3  }
0x1: {  	(tag) =	ssettag $0x0;
	lr =	simm.s32 $0x1  }
0x2: {  	[smem:$0x3F8D] =	sst lr;
	_ =	strace $0xD0000000  }
0x3: {  	_ = 	snop  }
0x4: {  	_ = 	snop  }
0x5: {  	_ = 	snop  }
0x6: {  	_ = 	snop  }
0x7: {  	_ = 	snop  }
__scs_overlays_trampoline_lowered:
0x8: {  	[smem:$0x3F9C] =	sst s0  }
0x9: {  	[smem:$0x3F9D] =	sst s1  }
0xa: {  	[smem:$0x3F9E] =	sst s2  }
0xb: {  	[smem:$0x3F9F] =	sst s3  }
0xc: {  	[smem:$0x3FA0] =	sst s4  }
0xd: {  	[smem:$0x3FA1] =	sst s5  }
0xe: {  	[smem:$0x3FA2] =	sst s6  }
0xf: {  	[smem:$0x3FA3] =	sst s7  }
0x10: {  	[smem:$0x3FA4] =	sst s8  }
0x11: {  	[smem:$0x3FA5] =	sst s9;
	s0 =	simm.s32 @!p0 $0x0  }
0x12: {  	s1 =	sld [smem:$0x3F8B];
	s0 =	simm.s32 @p0 $0x1  }
0x13: {  	[smem:$0x3FA6] =	sst s0;
	s0 =	simm.s32 @!p1 $0x0  }
0x14: {  	s2 =	sld [smem:$0x3F8A];
	s0 =	simm.s32 @p1 $0x1  }
0x15: {  	[smem:$0x3FA7] =	sst s0;
	s0 =	simm.s32 @!p2 $0x0  }
0x16: {  	s3 =	sld [smem:$0x3FDB];
	s0 =	simm.s32 @p2 $0x1  }
0x17: {  	s4 =	simm.s32 $0x1BF5;
	[smem:$0x3FA9] =	sst s0  }
0x18: {  	s0 =	sld [smem:$0x3F8C];
	_ =	swait.ge [sflag:s4], $0x0  }
0x19: {  	s7 =	sld [smem:$0x3F8D]  }
0x1a: {  	s8 =	sadd.s32 $0xFFFFE003, lr  }
0x1b: {  	s9 =	sadd.s32 $0xFFFFFEF7, lr;
	s5 =	simm.s32 $0xFFFFFFFF;
	p2 =	slt.u32 s8, $0xFFFFF086  }
0x1c: {  	p1 =	slt.u32 s9, $0xF7A;
	s5 =	simm.s32 @!p2 $0x0  }
0x1d: {  	s5 =	simm.s32 @p1 $0x1;
	p0 =	seq.s32 s7, s2  }
0x1e: {  	s7 =	smul.u32 @!p0 $0xF7A, s2;
	p2 =	seq.s32 @!p0 s5, $0x0  }
0x1f: {  	s9 =	smul.u32 $0xF7A, s1;
	s8 =	simm.s32 @!p0 $0x1BF5;
	p2 =	por !p2, p0  }
0x20: {  	[sflag:s8] =	ssyncset.s32 @!p0 $0xFFFFF086;
	s6 =	sadd.s32 @!p0 s3, s7;
	s7 =	simm.s32 @!p0 $0x108  }
0x21: {  	s3 =	sadd.s32 s3, s9;
	s6 =	sadd.s32 @!p0 $0x88, s6;
	s7 =	simm.s32 @p2 $0x1082  }
0x22: {  	[simem:s7], [sflag:s8] =	dma.local @!p0 [hbm:s6], $0xF7A  }
0x23: {  	s9 =	sor.u32 $0xD0000000, s2;
	s6 =	simm.s32 $0x108;
	_ =	swait.ge @!p0 [sflag:s8], $0x0  }
0x24: {  	s3 =	sadd.s32 $0x88, s3;
	s6 =	simm.s32 @!p1 $0x1082;
	[sflag:s4] =	ssyncset.s32 $0xFFFFF086  }
0x25: {  	[simem:s6], [sflag:s4] =	dma.local [hbm:s3], $0xF7A  }
0x26: {  	[smem:$0x3F8D] =	sst s1;
	(tag) =	ssettag s2;
	_ =	strace s9  }
0x27: {  	s1 =	sld [smem:$0x3F9D]  }
0x28: {  	s2 =	sld [smem:$0x3F9E]  }
0x29: {  	s4 =	sld [smem:$0x3FA0]  }
0x2a: {  	p0 =	seq.s32 s5, $0x0;
	s5 =	sld [smem:$0x3FA1]  }
0x2b: {  	s6 =	sld [smem:$0x3FA2]  }
0x2c: {  	s7 =	sld [smem:$0x3FA3]  }
0x2d: {  	s3 =	simm.s32 $0x108;
	s8 =	sld [smem:$0x3FA4]  }
0x2e: {  	s3 =	simm.s32 @!p0 $0x1082;
	s9 =	sld [smem:$0x3FA5]  }
0x2f: {  	lr =	sadd.s32 s0, s3;
	s0 =	sld [smem:$0x3F9C]  }
0x30: {  	s3 =	sld [smem:$0x3F9F]  }
0x31: {  	[smem:$0x3FA8] =	sst s10  }
0x32: {  	s10 =	sld [smem:$0x3FA6];
	_ =	sdelay $0x3  }
0x33: {  	p0 =	seq.s32 s10, $0x1;
	s10 =	sld [smem:$0x3FA8];
	_ =	sdelay $0x3  }
0x34: {  	[smem:$0x3FA8] =	sst s10  }
0x35: {  	s10 =	sld [smem:$0x3FA7];
	_ =	sdelay $0x3  }
0x36: {  	p1 =	seq.s32 s10, $0x1;
	s10 =	sld [smem:$0x3FA8];
	_ =	sdelay $0x3  }
0x37: {  	[smem:$0x3FA8] =	sst s10  }
0x38: {  	s10 =	sld [smem:$0x3FA9]  }
0x39: {  	_ = 	snop;
	(pc) =	sbr.ind lr, $3  }
0x3a: {  	_ = 	snop  }
0x3b: {  	_ = 	snop  }
0x3c: {  	p2 =	seq.s32 s10, $0x1;
	s10 =	sld [smem:$0x3FA8]  }
0x3d: {  	_ =	shalt  }
0x3e: {  	_ =	shalt  }
0x3f: {  	_ =	shalt  }
0x40: {  	_ =	shalt  }
0x41: {  	_ =	shalt  }
0x42: {  	_ =	shalt  }
0x43: {  	_ =	shalt  }
0x44: {  	_ =	shalt  }
0x45: {  	_ =	shalt  }
0x46: {  	_ =	shalt  }
0x47: {  	_ =	shalt  }
0x48: {  	_ =	shalt  }
0x49: {  	_ =	shalt  }
0x4a: {  	_ =	shalt  }
0x4b: {  	_ =	shalt  }
0x4c: {  	_ =	shalt  }
0x4d: {  	_ =	shalt  }
0x4e: {  	_ =	shalt  }
0x4f: {  	_ =	shalt  }
0x50: {  	_ =	shalt  }
0x51: {  	_ =	shalt  }
0x52: {  	_ =	shalt  }
0x53: {  	_ =	shalt  }
0x54: {  	_ =	shalt  }
0x55: {  	_ =	shalt  }
0x56: {  	_ =	shalt  }
0x57: {  	_ =	shalt  }
0x58: {  	_ =	shalt  }
0x59: {  	_ =	shalt  }
0x5a: {  	_ =	shalt  }
0x5b: {  	_ =	shalt  }
0x5c: {  	_ =	shalt  }
0x5d: {  	_ =	shalt  }
0x5e: {  	_ =	shalt  }
0x5f: {  	_ =	shalt  }
0x60: {  	_ =	shalt  }
0x61: {  	_ =	shalt  }
0x62: {  	_ =	shalt  }
0x63: {  	_ =	shalt  }
0x64: {  	_ =	shalt  }
0x65: {  	_ =	shalt  }
0x66: {  	_ =	shalt  }
0x67: {  	_ =	shalt  }
0x68: {  	_ =	shalt  }
0x69: {  	_ =	shalt  }
0x6a: {  	_ =	shalt  }
0x6b: {  	_ =	shalt  }
0x6c: {  	_ =	shalt  }
0x6d: {  	_ =	shalt  }
0x6e: {  	_ =	shalt  }
0x6f: {  	_ =	shalt  }
0x70: {  	_ =	shalt  }
0x71: {  	_ =	shalt  }
0x72: {  	_ =	shalt  }
0x73: {  	_ =	shalt  }
0x74: {  	_ =	shalt  }
0x75: {  	_ =	shalt  }
0x76: {  	_ =	shalt  }
0x77: {  	_ =	shalt  }
0x78: {  	_ =	shalt  }
0x79: {  	_ =	shalt  }
0x7a: {  	_ =	shalt  }
0x7b: {  	_ =	shalt  }
0x7c: {  	_ =	shalt  }
0x7d: {  	_ =	shalt  }
0x7e: {  	_ =	shalt  }
0x7f: {  	_ =	shalt  }
0x80: {  	_ =	shalt  }
0x81: {  	_ =	shalt  }
0x82: {  	_ =	shalt  }
0x83: {  	_ =	shalt  }
0x84: {  	_ =	shalt  }
0x85: {  	_ =	shalt  }
0x86: {  	_ =	shalt  }
0x87: {  	_ =	shalt  }
.Lfunc_end0:
.L_simem_size_0:
called_computation.3_lowered:
.L_overlay_start_0:
0x88: {  	s2 =	sld [smem:$0x3FD9]  }
0x89: {  	s3 =	sld [smem:$0x3FFE];
	_ =	sdelay $0x1  }
0x8a: {  	s1 =	srdreg.scid  }
0x8b: {  	s0 =	sand.u32 $0x1, s1  }
0x8c: {  	s17 =	sshll.u32 s0, $0xA;
	s2 =	sadd.s32 s3, s2  }
0x8d: {  	s2 =	sadd.s32 s2, s17  }
0x8e: {  	[smem:$0x3FB4] =	sst s2  }
0x8f: {  	_ = 	snop  }
0x90: {  	s2 =	sld [smem:$0x3FD0];
	(tm) =	ssettm $0x1  }
0x91: {  	s18 =	sld [smem:$0x3FFB];
	_ =	sdelay $0x3  }
0x92: {  	_ =	strace s18  }
0x93: {  	s3 =	sld [smem:$0x3FFC];
	_ =	sdelay $0x3  }
0x94: {  	_ =	strace s3  }
0x95: {  	s3 =	sld [smem:$0x3FFD];
	_ =	sdelay $0x3  }
0x96: {  	_ =	strace s3  }
0x97: {  	_ =	strace $0x8FFFFFFF  }
0x98: {  	s19 =	sld [smem:$0x3FDB];
	_ =	sdelay $0x1  }
0x99: {  	s4 =	simm.s32 $_scs_section_size  }
0x9a: {  	s5 =	simm.s32 $_size__tile_overlayer_lowered;
	s6 =	simm.s32 $_tile_overlayer_lowered  }
0x9b: {  	s22 =	simm.s32 $0x1BFF;
	s21 =	sshll.u32 s6, $0x1;
	s3 =	sadd.s32 s4, s19  }
0x9c: {  	s7 =	simm.s32 $0x0;
	s20 =	sshll.u32 s5, $0x1;
	s5 =	sadd.s32 s21, s3  }
0x9d: {  	[timem:s7], [sflag:s22] =	dma.local [hbm:s5], s20  }
0x9e: {  	_ =	swait.ge [sflag:s22], s20  }
0x9f: {  	s4 =	ssub.s32 $0x0, s20;
	[sflag:s22] =	ssyncset.done $0x0  }
0xa0: {  	[sflag:s22] =	ssyncadd.s32 s4;
	_ =	sdelay $0x1  }
0xa1: {  	s23 =	simm.s32 $0x1B8B  }
0xa2: {  	_ =	swait.ge [sflag:s23], $0x1  }
0xa3: {  	[sflag:s23] =	ssyncset.done $0x0  }
0xa4: {  	s25 =	simm.s32 $0x1B8E;
	s24 =	sld [smem:$0x3FFE];
	[sflag:s23] =	ssyncadd.s32 $0xFFFFFFFF  }
0xa5: {  	s26 =	simm.s32 $execute0_lowered;
	[smem:$0x3FD2] =	sst s25  }
0xa6: {  	s5 =	sshll.u32 s26, $0x1;
	_ =	strace $0x8000004F;
	[dreg:$0x1] =	wrdreg $0xFFFFFFFF  }
0xa7: {  	s28 =	simm.s32 $_size_execute0_lowered;
	s3 =	sadd.s32 s3, s5;
	[dreg:$0x0] =	wrdreg $0x0  }
0xa8: {  	s5 =	sshll.u32 s28, $0x1;
	[dreg:$0x2] =	wrdreg s3  }
0xa9: {  	[dreg:$0x3] =	wrdreg s5  }
0xaa: {  	[dreg:$0x4] =	wrdreg $0xC0  }
0xab: {  	_ =	task [dreg:s7], $0x5FFFF  }
0xac: {  	[dreg:$0x1] =	wrdreg $0xFFFFFFFF  }
0xad: {  	[dreg:$0x0] =	wrdreg $0x60  }
0xae: {  	[dreg:$0x2] =	wrdreg s24  }
0xaf: {  	[dreg:$0x3] =	wrdreg s2  }
0xb0: {  	[dreg:$0x4] =	wrdreg $0xA8000  }
0xb1: {  	[dreg:$0x5] =	wrdreg $0x9  }
0xb2: {  	_ =	task.clear_ibuf [dreg:s7], $0x6FFFF;
	_ =	strace $0x9000004F  }
0xb3: {  	s29 =	simm.s32 $0x9;
	_ =	strace $0x80000051  }
0xb4: {  	_ =	swait.ge [sflag:s29], $0x1  }
0xb5: {  	[sflag:s29] =	ssyncadd.s32 $0xFFFFFFFF  }
0xb6: {  	_ =	strace $0x90000051  }
0xb7: {  	_ =	sfence  }
0xb8: {  	s30 =	sld [smem:$0x0];
	_ =	sdelay $0x2  }
0xb9: {  	s31 =	sshll.u32 s1, $0xD;
	s1 =	sshrl.u32 s1, $0x2  }
0xba: {  	s3 =	sand.u32 $0x4000, s31;
	s1 =	sadd.s32 s1, s30  }
0xbb: {  	s0 =	sor.u32 s3, s0;
	s1 =	sshll.u32 s1, $0x11  }
0xbc: {  	s0 =	sor.u32 s1, s0  }
0xbd: {  	s0 =	sadd.s32 $0x8F2B, s0  }
0xbe: {  	[sflag:s0] =	ssyncadd.remote.s32 $0x1  }
0xbf: {  	_ =	sfence.sel $0xFFFF  }
0xc0: {  	[dreg:$0x0] =	wrdreg $0xFFFFFFFF;
	(pc) =	sbr.abs _section_cstart, $3  }
0xc1: {  	[dreg:$0x1] =	wrdreg $0xFFFFFFFF  }
0xc2: {  	_ =	task.clear_ibuf [dreg:s7], $0x2FFFF;
	_ =	strace $0x9FFFFFFF  }
0xc3: {  	(tm) =	ssettm $0x7FFFFFFF  }
tec
execute0_lowered:
.L_overlay_start_1:
0x0: {  	(tag) =	ssettag $0x1  }
0x1: {  	s4 =	rddreg [dreg:$0x0]  }
0x2: {  	s6 =	rddreg [dreg:$0x1]  }
0x3: {  	s2 =	rddreg [dreg:$0x2]  }
0x4: {  	s0 =	rddreg [dreg:$0x3];
	s3 =	simm.s32 $0x0;
	s1 =	stileid.u32  }
0x5: {  	s5 =	srdreg.scid;
	s17 =	simm.s32 $0x1;
	s18 =	simm.s32 $0x80  }
0x6: {  	s19 =	simm.s32 $0x4;
	s20 =	simm.s32 $0x2;
	s21 =	simm.s32 $0x2700  }
0x7: {  	s22 =	simm.s32 $0x2780;
	s23 =	simm.s32 $0x0;
	s7 =	smul.u32 $0x13880, s1  }
0x8: {  	[smem:$0x7FF] =	sst s3;
	s5 =	sand.u32 $0x1, s5;
	s16 =	smul.u32 $0x280000, s1  }
0x9: {  	s12 =	sadd.s32 $0x57A200, s4;
	s10 =	sshll.u32 s1, $0x1;
	s8 =	smul.u32 $0x138800, s5  }
0xa: {  	s28 =	sshll.u32 s1, $0x6;
	s10 =	sor.u32 s5, s10;
	s29 =	smul.u32 $0x140000, s5  }
0xb: {  	_ =	strace $0x80000050;
	s11 =	ssub.s32 $0x2, s5;
	s13 =	smul.u32 $0x500, s10  }
0xc: {  	s5 =	sor.u32 $0x1C03, s28;
	s9 =	sshrl.u32 s7, $0x3;
	s14 =	smul.u32 $0x28000, s10  }
0xd: {  	s26 =	sshrl.u32 s11, $0x1;
	s15 =	sadd.s32 s7, s2;
	s10 =	smul.u32 $0x140000, s10  }
0xe: {  	s9 =	sadd.s32 s9, s4;
	s8 =	sadd.s32 s7, s8;
	s11 =	ssub.s32 s11, s26  }
0xf: {  	s30 =	sadd.s32 s29, s16;
	s16 =	simm.s32 $0x6800;
	s8 =	sshrl.u32 s8, $0x3  }
0x10: {  	s6 =	sadd.s32 s6, s13;
	s7 =	sadd.s32 s12, s14;
	s10 =	sshrl.u32 s10, $0x3  }
0x11: {  	s31 =	sor.u32 $0x8000, s30;
	s13 =	sor.u32 $0x4000, s30;
	s14 =	simm.s32 $0x3  }
0x12: {  	s8 =	sadd.s32 s8, s4;
	s4 =	sadd.s32 $0x53000, s9;
	s9 =	smax.u32 s11, $0x1  }
0x13: {  	s10 =	sadd.s32 s12, s10;
	s11 =	sshrl.u32 s31, $0x3;
	s13 =	sshrl.u32 s13, $0x3  }
0x14: {  	s8 =	sadd.s32 $0x7A200, s8;
	s10 =	sadd.s32 $0x27800, s10;
	s11 =	sadd.s32 s11, s12  }
0x15: {  	s12 =	sadd.s32 s13, s12;
	s13 =	sshrl.u32 s15, $0x3;
	s15 =	simm.s32 $0x2800  }
.LBB2_1:
0x16: {  	[spmem:s13], [sflag:s5] =	dma.local [hbm:s4], $0x2710  }
0x17: {  	_ =	swait.ge [sflag:s14], $0x2710  }
0x18: {  	[sflag:s14] =	ssyncset.done $0x0  }
0x19: {  	[sflag:s14] =	ssyncadd.s32 $0xFFFFD8F0  }
0x1a: {  	[tilespmem:s3], [sflag:$0x3] =	stream.linear.gather [hbm4b:s6+s3], $0x2800, $0x38;
	[tilespmem:$0x1E080] =	vst v63  }
0x1b: {  	_ =	swait.ge [sflag:s14], $0x2800  }
0x1c: {  	[sflag:s14] =	ssyncset.done $0x0  }
0x1d: {  	[sflag:s14] =	ssyncadd.s32 $0xFFFFD800  }
0x1e: {  	[bflag:$0x0] =	sbarrier.arrive $0xFFFF  }
0x1f: {  	[tilespmem:s15], [sflag:$0x1] =	stream.linear.gather [hbm4b:s7+s3], $0x4000, $0x38;
	[tilespmem:$0x1E080] =	vst v63  }
0x20: {  	s24 =	sadd.s32 $0x0, s12  }
0x21: {  	[tilespmem:s16], [sflag:$0x2] =	stream.linear.gather [hbm4b:s24+s3], $0x4000, $0x38;
	[tilespmem:$0x1E080] =	vst v63  }
0x22: {  	_ =	swait.ge [sflag:s17], $0x4000  }
0x23: {  	[sflag:s17] =	ssyncset.done $0x0  }
0x24: {  	[sflag:s17] =	ssyncadd.s32 $0xFFFFC000  }
0x25: {  	[spmem:s2] =	stream.indirect.scatter.add.f32 [tilespmem:s15], [sflag:$0x4], $0x80, s3, s18, $0xb8;
	[tilespmem:$0x1E080] =	vst v63  }
0x26: {  	_ =	swait.ge [sflag:s19], $0x4000  }
0x27: {  	[sflag:s19] =	ssyncset.done $0x0  }
0x28: {  	s30 =	sadd.s32 $0x0, s11;
	[sflag:s19] =	ssyncadd.s32 $0xFFFFC000  }
0x29: {  	[tilespmem:s15], [sflag:$0x1] =	stream.linear.gather [hbm4b:s30+s3], $0x4000, $0x38;
	[tilespmem:$0x1E080] =	vst v63  }
0x2a: {  	_ =	swait.ge [sflag:s20], $0x4000  }
0x2b: {  	[sflag:s20] =	ssyncset.done $0x0  }
0x2c: {  	s31 =	simm.s32 $0x80;
	[sflag:s20] =	ssyncadd.s32 $0xFFFFC000  }
0x2d: {  	[spmem:s2] =	stream.indirect.scatter.add.f32 [tilespmem:s16], [sflag:$0x3], $0x80, s31, s18, $0xb8;
	[tilespmem:$0x1E080] =	vst v63  }
0x2e: {  	s25 =	simm.s32 $0x1000;
	_ =	swait.ge [sflag:s14], $0x4000  }
0x2f: {  	s26 =	simm.s32 $0x2000;
	s24 =	simm.s32 $0x100;
	[sflag:s14] =	ssyncset.done $0x0  }
.LBB2_2:
0x30: {  	s28 =	sadd.s32 s25, s12  }
0x31: {  	[sflag:s14] =	ssyncadd.s32 $0xFFFFC000;
	s29 =	smov.u32 s26;
	s30 =	sadd.s32 $0x1000, s26  }
0x32: {  	[tilespmem:s16], [sflag:$0x2] =	stream.linear.gather [hbm4b:s28+s3], $0x4000, $0x38;
	[tilespmem:$0x1E080] =	vst v63  }
0x33: {  	p0 =	sne.s32 s26, $0x26000;
	_ =	swait.ge [sflag:s17], $0x4000  }
0x34: {  	[sflag:s17] =	ssyncset.done $0x0  }
0x35: {  	[sflag:s17] =	ssyncadd.s32 $0xFFFFC000  }
0x36: {  	[spmem:s2] =	stream.indirect.scatter.add.f32 [tilespmem:s15], [sflag:$0x4], $0x80, s24, s18, $0xb8;
	[tilespmem:$0x1E080] =	vst v63  }
0x37: {  	_ =	swait.ge [sflag:s19], $0x4000  }
0x38: {  	[sflag:s19] =	ssyncset.done $0x0  }
0x39: {  	s26 =	sadd.s32 s25, s11;
	s25 =	smov.u32 s29;
	[sflag:s19] =	ssyncadd.s32 $0xFFFFC000  }
0x3a: {  	[tilespmem:s15], [sflag:$0x1] =	stream.linear.gather [hbm4b:s26+s3], $0x4000, $0x38;
	[tilespmem:$0x1E080] =	vst v63  }
0x3b: {  	_ =	swait.ge [sflag:s20], $0x4000  }
.Ltmp0:
0x3c: {  	[sflag:s20] =	ssyncset.done $0x0;
	(pc) =	sbr.rel @p0 .LBB2_2-.Ltmp0, $4  }
0x3d: {  	s26 =	sadd.s32 $0x80, s24;
	[sflag:s20] =	ssyncadd.s32 $0xFFFFC000  }
0x3e: {  	[spmem:s2] =	stream.indirect.scatter.add.f32 [tilespmem:s16], [sflag:$0x3], $0x80, s26, s18, $0xb8;
	[tilespmem:$0x1E080] =	vst v63  }
0x3f: {  	_ =	swait.ge [sflag:s14], $0x4000  }
0x40: {  	s24 =	sadd.s32 $0x100, s24;
	s26 =	smov.u32 s30;
	[sflag:s14] =	ssyncset.done $0x0  }
0x41: {  	s26 =	sadd.s32 s25, s12;
	[sflag:s14] =	ssyncadd.s32 $0xFFFFC000  }
0x42: {  	[tilespmem:s16], [sflag:$0x2] =	stream.linear.gather [hbm4b:s26+s3], $0x4000, $0x38;
	[tilespmem:$0x1E080] =	vst v63  }
0x43: {  	_ =	swait.ge [sflag:s17], $0x4000  }
0x44: {  	[sflag:s17] =	ssyncset.done $0x0  }
0x45: {  	[sflag:s17] =	ssyncadd.s32 $0xFFFFC000  }
0x46: {  	[spmem:s2] =	stream.indirect.scatter.add.f32 [tilespmem:s15], [sflag:$0x4], $0x80, s24, s18, $0xb8;
	[tilespmem:$0x1E080] =	vst v63  }
0x47: {  	_ =	swait.ge [sflag:s19], $0x4000  }
0x48: {  	[sflag:s19] =	ssyncset.done $0x0  }
0x49: {  	s30 =	sadd.s32 s25, s11;
	[sflag:s19] =	ssyncadd.s32 $0xFFFFC000  }
0x4a: {  	[tilespmem:s15], [sflag:$0x1] =	stream.linear.gather [hbm4b:s30+s3], $0x4000, $0x38;
	[tilespmem:$0x1E080] =	vst v63  }
0x4b: {  	_ =	swait.ge [sflag:s20], $0x4000  }
0x4c: {  	[sflag:s20] =	ssyncset.done $0x0  }
0x4d: {  	s31 =	sadd.s32 $0x80, s24;
	[sflag:s20] =	ssyncadd.s32 $0xFFFFC000  }
0x4e: {  	[spmem:s2] =	stream.indirect.scatter.add.f32 [tilespmem:s16], [sflag:$0x3], $0x80, s31, s18, $0xb8;
	[tilespmem:$0x1E080] =	vst v63  }
0x4f: {  	_ =	swait.ge [sflag:s14], $0x4000  }
0x50: {  	[sflag:s14] =	ssyncset.done $0x0  }
0x51: {  	[sflag:s14] =	ssyncadd.s32 $0xFFFFC000  }
0x52: {  	[tilespmem:s16], [sflag:$0x2] =	stream.linear.gather [hbm4b:s10+s3], $0x4000, $0x38;
	[tilespmem:$0x1E080] =	vst v63  }
0x53: {  	_ =	swait.ge [sflag:s17], $0x4000  }
0x54: {  	[sflag:s17] =	ssyncset.done $0x0  }
0x55: {  	[sflag:s17] =	ssyncadd.s32 $0xFFFFC000  }
0x56: {  	[spmem:s2] =	stream.indirect.scatter.add.f32 [tilespmem:s15], [sflag:$0x4], $0x80, s21, s18, $0xb8;
	[tilespmem:$0x1E080] =	vst v63  }
0x57: {  	_ =	swait.ge [sflag:s19], $0x4000  }
0x58: {  	[sflag:s19] =	ssyncset.done $0x0  }
0x59: {  	[sflag:s19] =	ssyncadd.s32 $0xFFFFC000  }
0x5a: {  	_ =	swait.ge [sflag:s20], $0x4000  }
0x5b: {  	[sflag:s20] =	ssyncset.done $0x0  }
0x5c: {  	[sflag:s20] =	ssyncadd.s32 $0xFFFFC000  }
0x5d: {  	[spmem:s2] =	stream.indirect.scatter.add.f32 [tilespmem:s16], [sflag:$0x3], $0x80, s22, s18, $0xb8;
	[tilespmem:$0x1E080] =	vst v63  }
0x5e: {  	_ =	swait.ge [sflag:s14], $0x4000  }
0x5f: {  	s23 =	sadd.s32 $0x1, s23;
	[sflag:s14] =	ssyncset.done $0x0  }
0x60: {  	p0 =	sne.s32 s23, s9;
	[sflag:s14] =	ssyncadd.s32 $0xFFFFC000  }
.Ltmp1:
0x61: {  	[bflag:$0x0] =	sbarrier.arrive $0xFFFF;
	(pc) =	sbr.rel @p0 .LBB2_1-.Ltmp1, $4  }
0x62: {  	[hbm:s8], [sflag:s5] =	dma.local [spmem:s13], $0x2710  }
0x63: {  	_ =	swait.ge [sflag:s14], $0x2710  }
0x64: {  	[sflag:s14] =	ssyncset.done $0x0  }
0x65: {  	[sflag:s14] =	ssyncadd.s32 $0xFFFFD8F0  }
0x66: {  	_ =	sfence.sel $0x180000  }
0x67: {  	[bflag:$0x0] =	sbarrier.arrive $0xFFFF  }
0x68: {  	p0 =	sne.s32 s1, $0x0;
	_ =	strace $0x90000050  }
0x69: {  	s0 =	sadd.s32 @!p0 $0x100000, s0;
	[bflag:$0x2] =	sbarrier.arrive $0xFFFF  }
0x6a: {  	[sflag:s0] =	ssyncadd.tile.s32 @!p0 $0x1;
	_ =	shalt  }
.Lfunc_end2:
_tile_overlayer_lowered:
.L_overlay_start_2:
0x6b: {  	(tag) =	ssettag $0x2  }
0x6c: {  	s0 =	rddreg [dreg:$0x0];
	s2 =	stileid.u32  }
0x6d: {  	s1 =	rddreg [dreg:$0x1];
	p0 =	sne.s32 s2, $0x0  }
0x6e: {  	s3 =	rddreg [dreg:$0x2];
	[bflag:$0x3] =	sbarrier.arrive $0xFFFF;
	s2 =	simm.s32 @!p0 $0x1C03  }
0x6f: {  	[timem:s3], [sflag:s2] =	dma.local @!p0 [hbm:s0], s1  }
0x70: {  	s0 =	simm.s32 @!p0 $0x3  }
0x71: {  	_ =	swait.ge @!p0 [sflag:s0], s1  }
0x72: {  	s1 =	ssub.s32 @!p0 $0x0, s1;
	[sflag:s0] =	ssyncset.done @!p0 $0x0  }
0x73: {  	[sflag:s0] =	ssyncadd.s32 @!p0 s1  }
0x74: {  	[bflag:$0x3] =	sbarrier.arrive $0xFFFF  }
0x75: {  	_ =	shalt  }

</sc_bundles>
